<compile_context>
chip_gen: v7x
topology: tpu7x:2x2x1
jax: 0.10.2.dev20260603
libtpu: 0.0.44.dev20260713+nightly
codegen_flags: <defaults>
</compile_context>

<pallas_src>
import functools

import jax
import jax.numpy as jnp
from jax import lax
from jax.experimental import pallas as pl
from jax.experimental.pallas import tpu as pltpu
from jax.experimental.pallas import tpu_sc as plsc

N = 50000
K = 16
H = 3
F = 6
E = N * K
D = H * F

NC = 2
NS = 16
NW = NC * NS
CH = 128
ROWS = -(-E // (NW * CH))
EP = NW * ROWS * CH

EPS = 1e-5


def _r16(v):
    return v.astype(jnp.bfloat16).astype(jnp.float32)


def _gather_body(t32, td, sidx, didx, g1, g2, idx1_v, idx2_v,
                 r1a, r2a, r1b, r2b, r1c, r2c, r1d, r2d,
                 sem_a, sem_b, sem_c, sem_d):
    c = lax.axis_index("c")
    s = lax.axis_index("s")
    wid = s * NC + c
    pltpu.sync_copy(sidx.at[wid], idx1_v)
    pltpu.sync_copy(didx.at[wid], idx2_v)

    def fire(j, r1, r2, sem):
        pltpu.async_copy(t32.at[idx1_v.at[j]], r1, sem)
        pltpu.async_copy(td.at[idx2_v.at[j]], r2, sem)

    def drain_wb(j, r1, r2, sem):
        pltpu.make_async_copy(t32.at[idx1_v.at[j]], r1, sem).wait()
        pltpu.make_async_copy(td.at[idx2_v.at[j]], r2, sem).wait()
        base = (wid * ROWS + j) * CH
        pltpu.sync_copy(r1, g1.at[pl.ds(base, CH)])
        pltpu.sync_copy(r2, g2.at[pl.ds(base, CH)])

    bufs = [(r1a, r2a, sem_a), (r1b, r2b, sem_b),
            (r1c, r2c, sem_c), (r1d, r2d, sem_d)]
    for b in range(3):
        fire(b, *bufs[b])

    @pl.loop(0, ROWS, step=4)
    def _(j):
        for b in range(4):
            jj = j + b

            @pl.when(jj + 3 < ROWS)
            def _():
                fire(jj + 3, *bufs[(b + 3) % 4])

            drain_wb(jj, *bufs[b])


@functools.cache
def _make_gather():
    return pl.kernel(
        _gather_body,
        out_type=(jax.ShapeDtypeStruct((EP, 32), jnp.float32),
                  jax.ShapeDtypeStruct((EP, 8), jnp.float32)),
        mesh=plsc.VectorSubcoreMesh(core_axis_name="c", subcore_axis_name="s"),
        scratch_types=[
            pltpu.VMEM((ROWS, CH), jnp.int32),
            pltpu.VMEM((ROWS, CH), jnp.int32),
            pltpu.VMEM((CH, 32), jnp.float32),
            pltpu.VMEM((CH, 8), jnp.float32),
            pltpu.VMEM((CH, 32), jnp.float32),
            pltpu.VMEM((CH, 8), jnp.float32),
            pltpu.VMEM((CH, 32), jnp.float32),
            pltpu.VMEM((CH, 8), jnp.float32),
            pltpu.VMEM((CH, 32), jnp.float32),
            pltpu.VMEM((CH, 8), jnp.float32),
            pltpu.SemaphoreType.DMA,
            pltpu.SemaphoreType.DMA,
            pltpu.SemaphoreType.DMA,
            pltpu.SemaphoreType.DMA,
        ],
        compiler_params=pltpu.CompilerParams(use_tc_tiling_on_sc=False),
    )


def _gather_call(t32, td, sidx, didx):
    return _make_gather()(t32, td, sidx, didx)


_BB = 2000
_BP = 400


def _stats_body(x_ref, s_ref, q_ref):
    @pl.when(pl.program_id(0) == 0)
    def _():
        s_ref[...] = jnp.zeros_like(s_ref)
        q_ref[...] = jnp.zeros_like(q_ref)

    xb = x_ref[...]
    s_ref[...] += jnp.sum(xb, axis=0, keepdims=True)
    q_ref[...] += jnp.sum(xb * xb, axis=0, keepdims=True)


def _stats_call(x):
    return pl.pallas_call(
        _stats_body,
        grid=(N // _BB,),
        in_specs=[pl.BlockSpec((_BB, 1), lambda i: (i, 0))],
        out_specs=[pl.BlockSpec((1, 1), lambda i: (0, 0)),
                   pl.BlockSpec((1, 1), lambda i: (0, 0))],
        out_shape=[jax.ShapeDtypeStruct((1, 1), jnp.float32),
                   jax.ShapeDtypeStruct((1, 1), jnp.float32)],
    )(x)


def _dot_hi(a, b):
    return jnp.dot(a, b, preferred_element_type=jnp.float32,
                   precision=lax.Precision.HIGHEST)


def _dot_bf(a, b):
    return jnp.dot(a, b, preferred_element_type=jnp.float32)


def _pre0_body(x_ref, a_ref, wx_ref, b_ref, Ar_ref, Adr_ref,
               x0_ref, t_ref, td_ref):
    x0 = x_ref[...] * a_ref[0] + a_ref[1]
    x0_ref[...] = x0
    xe = x0 * wx_ref[...] + b_ref[...]
    xeh = _r16(xe)
    t_ref[...] = jnp.concatenate([xe, _dot_bf(xeh, Ar_ref[...])], axis=1)
    td_ref[...] = _dot_bf(xeh, Adr_ref[...])


def _pre0_call(x, a, wx, b, Ar, Adr):
    return pl.pallas_call(
        _pre0_body,
        grid=(N // _BB,),
        in_specs=[
            pl.BlockSpec((_BB, 1), lambda i: (i, 0)),
            pl.BlockSpec(memory_space=pltpu.SMEM),
            pl.BlockSpec((1, D), lambda i: (0, 0)),
            pl.BlockSpec((1, D), lambda i: (0, 0)),
            pl.BlockSpec((D, 14), lambda i: (0, 0)),
            pl.BlockSpec((D, 8), lambda i: (0, 0)),
        ],
        out_specs=[pl.BlockSpec((_BB, 1), lambda i: (i, 0)),
                   pl.BlockSpec((_BB, 32), lambda i: (i, 0)),
                   pl.BlockSpec((_BB, 8), lambda i: (i, 0))],
        out_shape=[jax.ShapeDtypeStruct((N, 1), jnp.float32),
                   jax.ShapeDtypeStruct((N, 32), jnp.float32),
                   jax.ShapeDtypeStruct((N, 8), jnp.float32)],
    )(x, a, wx, b, Ar, Adr)


def _pre_body(nf, refs):
    i = 0
    x0_ref = refs[i]; i += 1
    y_refs = refs[i:i + nf]; i += nf
    ss_refs = refs[i:i + 2 * nf]; i += 2 * nf
    wxr_ref = refs[i]; i += 1
    w_refs = refs[i:i + nf]; i += nf
    b_ref = refs[i]; i += 1
    Ar_ref = refs[i]; Adr_ref = refs[i + 1]; i += 2
    t_ref = refs[i]; td_ref = refs[i + 1]
    xe = _r16(x0_ref[...]) * wxr_ref[...] + b_ref[...]
    for g in range(nf):
        yn = y_refs[g][...] * ss_refs[2 * g][...] + ss_refs[2 * g + 1][...]
        xe += _dot_bf(_r16(yn), w_refs[g][...])
    xeh = _r16(xe)
    t_ref[...] = jnp.concatenate([xe, _dot_bf(xeh, Ar_ref[...])], axis=1)
    td_ref[...] = _dot_bf(xeh, Adr_ref[...])


def _pre_call(nf, x0, ys, sss, wxr, ws, b, Ar, Adr):
    body = lambda *refs: _pre_body(nf, refs)
    vec = pl.BlockSpec((1, D), lambda i: (0, 0))
    return pl.pallas_call(
        body,
        grid=(N // _BB,),
        in_specs=(
            [pl.BlockSpec((_BB, 1), lambda i: (i, 0))]
            + [pl.BlockSpec((_BB, D), lambda i: (i, 0))] * nf
            + [vec] * (2 * nf)
            + [vec]
            + [pl.BlockSpec((D, D), lambda i: (0, 0))] * nf
            + [vec,
               pl.BlockSpec((D, 14), lambda i: (0, 0)),
               pl.BlockSpec((D, 8), lambda i: (0, 0))]
        ),
        out_specs=[pl.BlockSpec((_BB, 32), lambda i: (i, 0)),
                   pl.BlockSpec((_BB, 8), lambda i: (i, 0))],
        out_shape=[jax.ShapeDtypeStruct((N, 32), jnp.float32),
                   jax.ShapeDtypeStruct((N, 8), jnp.float32)],
    )(x0, *ys, *sss, wxr, *ws, b, Ar, Adr)


def _post_body(has_e, refs):
    if has_e:
        g1_ref, g2_ref, e0_ref, e1_ref, R_ref, p_ref, y_ref, s_ref, q_ref = refs
    else:
        g1_ref, g2_ref, R_ref, p_ref, y_ref, s_ref, q_ref = refs
    g1 = g1_ref[...]
    att = g1[:, :, D:D + H] + g2_ref[...][:, :, 0:3] + p_ref[0]
    if has_e:
        ae = _r16(e0_ref[...]) * p_ref[1] + _r16(e1_ref[...]) * p_ref[2]
        att += ae[:, :, None]
    m = jnp.max(att, axis=1, keepdims=True)
    w = jnp.exp(att - m)
    wn = w / jnp.sum(w, axis=1, keepdims=True)
    wfull = jax.lax.dot_general(
        wn, R_ref[...], (((2,), (0,)), ((), ())),
        preferred_element_type=jnp.float32,
        precision=lax.Precision.HIGHEST)
    y = jnp.sum(wfull * g1, axis=1)[:, 0:D] * (1.0 / K)
    y_ref[...] = y

    @pl.when(pl.program_id(0) == 0)
    def _():
        s_ref[...] = jnp.zeros_like(s_ref)
        q_ref[...] = jnp.zeros_like(q_ref)

    s_ref[...] += jnp.sum(y, axis=0, keepdims=True)
    q_ref[...] += jnp.sum(y * y, axis=0, keepdims=True)


def _post_call(g1, g2, e, p):
    has_e = e is not None
    body = lambda *refs: _post_body(has_e, refs)
    in_specs = [pl.BlockSpec((_BP, K, 32), lambda i: (i, 0, 0)),
                pl.BlockSpec((_BP, K, 8), lambda i: (i, 0, 0))]
    args = [g1, g2]
    if has_e:
        in_specs += [pl.BlockSpec((_BP, K), lambda i: (i, 0)),
                     pl.BlockSpec((_BP, K), lambda i: (i, 0))]
        args += [e[0], e[1]]
    in_specs.append(pl.BlockSpec((H, 32), lambda i: (0, 0)))
    args.append(_headmask())
    in_specs.append(pl.BlockSpec(memory_space=pltpu.SMEM))
    args.append(p)
    return pl.pallas_call(
        body,
        grid=(N // _BP,),
        in_specs=in_specs,
        out_specs=[pl.BlockSpec((_BP, D), lambda i: (i, 0)),
                   pl.BlockSpec((1, D), lambda i: (0, 0)),
                   pl.BlockSpec((1, D), lambda i: (0, 0))],
        out_shape=[jax.ShapeDtypeStruct((N, D), jnp.float32),
                   jax.ShapeDtypeStruct((1, D), jnp.float32),
                   jax.ShapeDtypeStruct((1, D), jnp.float32)],
    )(*args)


def _final_body(y_ref, sc_ref, sh_ref, wr_ref, b_ref, o_ref):
    yn = y_ref[...] * sc_ref[...] + sh_ref[...]
    o_ref[...] = (jnp.sum(_r16(yn) * wr_ref[...], axis=1, keepdims=True)
                  + b_ref[...])


def _final_call(y, sc, sh, wr, b):
    vec = pl.BlockSpec((1, D), lambda i: (0, 0))
    return pl.pallas_call(
        _final_body,
        grid=(N // _BB,),
        in_specs=[pl.BlockSpec((_BB, D), lambda i: (i, 0)),
                  vec, vec, vec,
                  pl.BlockSpec((1, 1), lambda i: (0, 0))],
        out_specs=pl.BlockSpec((_BB, 1), lambda i: (i, 0)),
        out_shape=jax.ShapeDtypeStruct((N, 1), jnp.float32),
    )(y, sc, sh, wr, b)


def _att_mats(wa):
    rows = jnp.arange(D)
    heads = rows // F
    A = jnp.zeros((D, 14), jnp.float32)
    A = A.at[rows, heads].set(wa[rows % F, 0])
    A = A.at[rows, 3 + heads].set(wa[F + rows % F, 0])
    Ad = jnp.zeros((D, 8), jnp.float32)
    Ad = Ad.at[rows, heads].set(wa[F + rows % F, 0])
    return _r16(A), _r16(Ad)


def _headmask():
    R = jnp.zeros((H, 32), jnp.float32)
    rows = jnp.arange(D)
    R = R.at[rows // F, rows].set(1.0)
    return R


def _bn_fold(s, q, g, b):
    mu = s / N
    var = q / N - mu * mu
    scale = (g / jnp.sqrt(var[0] + EPS)).reshape(1, D)
    shift = (b - mu[0] * scale[0]).reshape(1, D)
    return scale, shift


def kernel(x, edge_index, e, W_node0, b_node0, W_att0, b_att0,
           W_node1, b_node1, W_att1, b_att1, W_node2, b_node2, W_att2,
           b_att2, bn0_g, bn0_b, bn1_g, bn1_b, bn2_g, bn2_b, bn3_g, bn3_b,
           W_fc, b_fc):
    src = edge_index[0]
    dst = edge_index[1]
    pad = EP - E
    sidx = jnp.pad(src, (0, pad)).reshape(NW, ROWS, CH)
    didx = jnp.pad(dst, (0, pad)).reshape(NW, ROWS, CH)
    e0 = e[:, 0].reshape(N, K)
    e1 = e[:, 1].reshape(N, K)

    s0, q0 = _stats_call(x)
    mu0 = s0[0, 0] / N
    var0 = q0[0, 0] / N - mu0 * mu0
    a0 = bn0_g[0] / jnp.sqrt(var0 + EPS)
    c0 = bn0_b[0] - mu0 * a0
    A0, Ad0 = _att_mats(W_att0)
    x0, T, Td = _pre0_call(x, jnp.stack([a0, c0]), W_node0,
                           b_node0.reshape(1, D), A0, Ad0)

    g1, g2 = _gather_call(T, Td, sidx, didx)
    p0 = jnp.stack([b_att0[0], _r16(W_att0[12, 0]), _r16(W_att0[13, 0])])
    y1, s1, q1 = _post_call(g1[:E].reshape(N, K, 32),
                            g2[:E].reshape(N, K, 8), (e0, e1), p0)
    sc1, sh1 = _bn_fold(s1, q1, bn1_g, bn1_b)

    A1, Ad1 = _att_mats(W_att1)
    T, Td = _pre_call(1, x0, [y1], [sc1, sh1], _r16(W_node1[0:1, :]),
                      [_r16(W_node1[1:1 + D, :])],
                      b_node1.reshape(1, D), A1, Ad1)
    g1, g2 = _gather_call(T, Td, sidx, didx)
    p1 = jnp.stack([b_att1[0], jnp.float32(0), jnp.float32(0)])
    y2, s2, q2 = _post_call(g1[:E].reshape(N, K, 32),
                            g2[:E].reshape(N, K, 8), None, p1)
    sc2, sh2 = _bn_fold(s2, q2, bn2_g, bn2_b)

    A2, Ad2 = _att_mats(W_att2)
    T, Td = _pre_call(2, x0, [y1, y2], [sc1, sh1, sc2, sh2],
                      _r16(W_node2[0:1, :]),
                      [_r16(W_node2[1:1 + D, :]),
                       _r16(W_node2[1 + D:1 + 2 * D, :])],
                      b_node2.reshape(1, D), A2, Ad2)
    g1, g2 = _gather_call(T, Td, sidx, didx)
    p2 = jnp.stack([b_att2[0], jnp.float32(0), jnp.float32(0)])
    y3, s3, q3 = _post_call(g1[:E].reshape(N, K, 32),
                            g2[:E].reshape(N, K, 8), None, p2)
    sc3, sh3 = _bn_fold(s3, q3, bn3_g, bn3_b)

    return _final_call(y3, sc3, sh3, _r16(W_fc[:, 0].reshape(1, D)),
                       b_fc.reshape(1, 1))

# --- scband reference (transcript-rebuilt; emitter-appended) ---
"""Pipeline reference for scband-gat-dm-89481348645414 (READ-ONLY COPY).

The authoritative reference and input builder live on the scoring server;
editing this copy changes nothing except your own understanding.
"""

import jax, jax.numpy as jnp
import numpy as np

N = 50000
K = 16
E = N * K
H = 3
F = 6

def _bn(x, g, b):
    mu = jnp.mean(x, axis=0, keepdims=True)
    var = jnp.mean((x - mu) ** 2, axis=0, keepdims=True)
    return (x - mu) / jnp.sqrt(var + 1e-5) * g + b

def _mha(x, src, dst, Wn, bn_, Wa, ba, e=None):
    n = x.shape[0]
    k = src.shape[0] // n
    xe = x @ Wn + bn_
    sf = xe[src].reshape(n, k, H, F)
    df = xe[dst].reshape(n, k, H, F)
    if e is not None:
        ef = e.reshape(n, k, 1, e.shape[-1])
        ef = jnp.broadcast_to(ef, (n, k, H, e.shape[-1]))
        feat = jnp.concatenate([sf, df, ef], axis=3)
    else:
        feat = jnp.concatenate([sf, df], axis=3)
    att = jnp.squeeze(feat @ Wa + ba, axis=3)
    att = jax.nn.softmax(att, axis=1)
    y = jnp.einsum('nkh,nkhf->nhf', att, sf) / k
    return y.reshape(n, H * F)

def setup_inputs(seed: int = 0):
    key = jax.random.key(seed)
    ks = jax.random.split(key, 20)
    inp = {}
    inp['x'] = jax.random.normal(ks[0], (N, 1), jnp.float32)
    inp['edge_index'] = jax.random.randint(ks[1], (2, E), 0, N, dtype=jnp.int32)
    inp['e'] = jax.random.normal(ks[2], (E, 2), jnp.float32)
    inp['W_node0'] = jax.random.normal(ks[3], (1, 18), jnp.float32) * 0.5
    inp['b_node0'] = jax.random.normal(ks[4], (18,), jnp.float32) * 0.1
    inp['W_att0'] = jax.random.normal(ks[5], (14, 1), jnp.float32) * 0.2
    inp['b_att0'] = jax.random.normal(ks[6], (1,), jnp.float32) * 0.1
    inp['W_node1'] = jax.random.normal(ks[7], (19, 18), jnp.float32) * 0.2
    inp['b_node1'] = jax.random.normal(ks[8], (18,), jnp.float32) * 0.1
    inp['W_att1'] = jax.random.normal(ks[9], (12, 1), jnp.float32) * 0.2
    inp['b_att1'] = jax.random.normal(ks[10], (1,), jnp.float32) * 0.1
    inp['W_node2'] = jax.random.normal(ks[11], (37, 18), jnp.float32) * 0.15
    inp['b_node2'] = jax.random.normal(ks[12], (18,), jnp.float32) * 0.1
    inp['W_att2'] = jax.random.normal(ks[13], (12, 1), jnp.float32) * 0.2
    inp['b_att2'] = jax.random.normal(ks[14], (1,), jnp.float32) * 0.1
    inp['bn0_g'] = jnp.ones((1,), jnp.float32)
    inp['bn0_b'] = jnp.zeros((1,), jnp.float32)
    inp['bn1_g'] = jnp.ones((18,), jnp.float32)
    inp['bn1_b'] = jnp.zeros((18,), jnp.float32)
    inp['bn2_g'] = jnp.ones((18,), jnp.float32)
    inp['bn2_b'] = jnp.zeros((18,), jnp.float32)
    inp['bn3_g'] = jnp.ones((18,), jnp.float32)
    inp['bn3_b'] = jnp.zeros((18,), jnp.float32)
    inp['W_fc'] = jax.random.normal(ks[15], (18, 1), jnp.float32) * 0.2
    inp['b_fc'] = jax.random.normal(ks[16], (1,), jnp.float32) * 0.1
    return inp

def reference(x, edge_index, e, W_node0, b_node0, W_att0, b_att0, W_node1, b_node1, W_att1, b_att1, W_node2, b_node2, W_att2, b_att2, bn0_g, bn0_b, bn1_g, bn1_b, bn2_g, bn2_b, bn3_g, bn3_b, W_fc, b_fc):
    src = edge_index[0]
    dst = edge_index[1]
    x0 = _bn(x, bn0_g, bn0_b)
    x1 = _mha(x0, src, dst, W_node0, b_node0, W_att0, b_att0, e)
    x1 = _bn(x1, bn1_g, bn1_b)
    x1 = jnp.concatenate([x0, x1], axis=1)
    x2 = _mha(x1, src, dst, W_node1, b_node1, W_att1, b_att1)
    x2 = _bn(x2, bn2_g, bn2_b)
    x2 = jnp.concatenate([x1, x2], axis=1)
    y = _mha(x2, src, dst, W_node2, b_node2, W_att2, b_att2)
    y = _bn(y, bn3_g, bn3_b)
    return y @ W_fc + b_fc

if __name__ == "__main__":
    import jax
    _d = setup_inputs()
    print(jax.jit(kernel)(*tuple(_d.values())))

</pallas_src>

<mosaic_0001>
#map = affine_map<(d0, d1) -> (0, 0)>
#map1 = affine_map<(d0, d1) -> (0, 0, 0)>
module attributes {stable_mosaic.version = 14 : i64} {
  func.func @_gather_body(%arg0: i32, %arg1: i32, %arg2: memref<50000x32xf32, #tpu.memory_space<hbm>>, %arg3: memref<50000x8xf32, #tpu.memory_space<hbm>>, %arg4: memref<32x196x128xi32, #tpu.memory_space<hbm>>, %arg5: memref<32x196x128xi32, #tpu.memory_space<hbm>>, %arg6: memref<802816x32xf32, #tpu.memory_space<hbm>>, %arg7: memref<802816x8xf32, #tpu.memory_space<hbm>>, %arg8: memref<196x128xi32, #tpu.memory_space<vmem>>, %arg9: memref<196x128xi32, #tpu.memory_space<vmem>>, %arg10: memref<128x32xf32, #tpu.memory_space<vmem>>, %arg11: memref<128x8xf32, #tpu.memory_space<vmem>>, %arg12: memref<128x32xf32, #tpu.memory_space<vmem>>, %arg13: memref<128x8xf32, #tpu.memory_space<vmem>>, %arg14: memref<128x32xf32, #tpu.memory_space<vmem>>, %arg15: memref<128x8xf32, #tpu.memory_space<vmem>>, %arg16: memref<128x32xf32, #tpu.memory_space<vmem>>, %arg17: memref<128x8xf32, #tpu.memory_space<vmem>>, %arg18: memref<!tpu.dma_semaphore, #tpu.memory_space<semaphore_mem>>, %arg19: memref<!tpu.dma_semaphore, #tpu.memory_space<semaphore_mem>>, %arg20: memref<!tpu.dma_semaphore, #tpu.memory_space<semaphore_mem>>, %arg21: memref<!tpu.dma_semaphore, #tpu.memory_space<semaphore_mem>>) attributes {dimension_semantics = [#tpu.dimension_semantics<core_parallel>, #tpu.dimension_semantics<subcore_parallel>], iteration_bounds = array<i64: 2, 16>, scalar_prefetch = 0 : i64, scratch_operands = 14 : i64, tpu.core_type = #tpu.core_type<sc_vector_subcore>, window_params = [{transform_indices = #map}, {transform_indices = #map}, {transform_indices = #map1}, {transform_indices = #map1}, {transform_indices = #map}, {transform_indices = #map}]} {
    %mul3A = arith.constant 2 : i32
    %mul3A_0 = arith.muli %arg1, %mul3A : i32
    %add3A = arith.addi %mul3A_0, %arg0 : i32
    "tpu.region"() ({
      %run_scoped3A = tpu.sem_alloc : memref<!tpu.dma_semaphore, #tpu.memory_space<semaphore_mem>>
      %dma_start3A_46 = arith.constant 0 : i32
      %dma_start3A_47 = arith.constant 0 : i32
      %dma_start3A_48 = tpu.memref_slice %arg4[%add3A, %dma_start3A_46, %dma_start3A_47] : memref<32x196x128xi32, #tpu.memory_space<hbm>> -> memref<1x196x128xi32, #tpu.memory_space<hbm>>
      %dma_start3A_49 = tpu.memref_squeeze %dma_start3A_48 : memref<1x196x128xi32, #tpu.memory_space<hbm>> -> memref<196x128xi32, #tpu.memory_space<hbm>>
      %dma_start3A_50 = arith.constant 0 : i32
      %dma_start3A_51 = arith.constant 0 : i32
      %dma_start3A_52 = tpu.memref_slice %arg4[%add3A, %dma_start3A_50, %dma_start3A_51] : memref<32x196x128xi32, #tpu.memory_space<hbm>> -> memref<1x196x128xi32, #tpu.memory_space<hbm>>
      %dma_start3A_53 = tpu.memref_squeeze %dma_start3A_52 : memref<1x196x128xi32, #tpu.memory_space<hbm>> -> memref<196x128xi32, #tpu.memory_space<hbm>>
      tpu.enqueue_dma source(%dma_start3A_53 : memref<196x128xi32, #tpu.memory_space<hbm>>) target(%arg8 : memref<196x128xi32, #tpu.memory_space<vmem>>) target_semaphore(%run_scoped3A : memref<!tpu.dma_semaphore, #tpu.memory_space<semaphore_mem>>)
      %dma_wait3A = arith.constant 0 : i32
      %dma_wait3A_54 = arith.constant 0 : i32
      %dma_wait3A_55 = tpu.memref_slice %arg4[%add3A, %dma_wait3A, %dma_wait3A_54] : memref<32x196x128xi32, #tpu.memory_space<hbm>> -> memref<1x196x128xi32, #tpu.memory_space<hbm>>
      %dma_wait3A_56 = tpu.memref_squeeze %dma_wait3A_55 : memref<1x196x128xi32, #tpu.memory_space<hbm>> -> memref<196x128xi32, #tpu.memory_space<hbm>>
      %dma_wait3A_57 = arith.constant 0 : i32
      %dma_wait3A_58 = arith.constant 0 : i32
      %dma_wait3A_59 = tpu.memref_slice %arg4[%add3A, %dma_wait3A_57, %dma_wait3A_58] : memref<32x196x128xi32, #tpu.memory_space<hbm>> -> memref<1x196x128xi32, #tpu.memory_space<hbm>>
      %dma_wait3A_60 = tpu.memref_squeeze %dma_wait3A_59 : memref<1x196x128xi32, #tpu.memory_space<hbm>> -> memref<196x128xi32, #tpu.memory_space<hbm>>
      tpu.wait_dma2 semaphore(%run_scoped3A : memref<!tpu.dma_semaphore, #tpu.memory_space<semaphore_mem>>) src(%dma_wait3A_60 : memref<196x128xi32, #tpu.memory_space<hbm>>) dst(%arg8 : memref<196x128xi32, #tpu.memory_space<vmem>>)
      tpu.yield
    }) : () -> ()
    "tpu.region"() ({
      %run_scoped3A = tpu.sem_alloc : memref<!tpu.dma_semaphore, #tpu.memory_space<semaphore_mem>>
      %dma_start3A_46 = arith.constant 0 : i32
      %dma_start3A_47 = arith.constant 0 : i32
      %dma_start3A_48 = tpu.memref_slice %arg5[%add3A, %dma_start3A_46, %dma_start3A_47] : memref<32x196x128xi32, #tpu.memory_space<hbm>> -> memref<1x196x128xi32, #tpu.memory_space<hbm>>
      %dma_start3A_49 = tpu.memref_squeeze %dma_start3A_48 : memref<1x196x128xi32, #tpu.memory_space<hbm>> -> memref<196x128xi32, #tpu.memory_space<hbm>>
      %dma_start3A_50 = arith.constant 0 : i32
      %dma_start3A_51 = arith.constant 0 : i32
      %dma_start3A_52 = tpu.memref_slice %arg5[%add3A, %dma_start3A_50, %dma_start3A_51] : memref<32x196x128xi32, #tpu.memory_space<hbm>> -> memref<1x196x128xi32, #tpu.memory_space<hbm>>
      %dma_start3A_53 = tpu.memref_squeeze %dma_start3A_52 : memref<1x196x128xi32, #tpu.memory_space<hbm>> -> memref<196x128xi32, #tpu.memory_space<hbm>>
      tpu.enqueue_dma source(%dma_start3A_53 : memref<196x128xi32, #tpu.memory_space<hbm>>) target(%arg9 : memref<196x128xi32, #tpu.memory_space<vmem>>) target_semaphore(%run_scoped3A : memref<!tpu.dma_semaphore, #tpu.memory_space<semaphore_mem>>)
      %dma_wait3A = arith.constant 0 : i32
      %dma_wait3A_54 = arith.constant 0 : i32
      %dma_wait3A_55 = tpu.memref_slice %arg5[%add3A, %dma_wait3A, %dma_wait3A_54] : memref<32x196x128xi32, #tpu.memory_space<hbm>> -> memref<1x196x128xi32, #tpu.memory_space<hbm>>
      %dma_wait3A_56 = tpu.memref_squeeze %dma_wait3A_55 : memref<1x196x128xi32, #tpu.memory_space<hbm>> -> memref<196x128xi32, #tpu.memory_space<hbm>>
      %dma_wait3A_57 = arith.constant 0 : i32
      %dma_wait3A_58 = arith.constant 0 : i32
      %dma_wait3A_59 = tpu.memref_slice %arg5[%add3A, %dma_wait3A_57, %dma_wait3A_58] : memref<32x196x128xi32, #tpu.memory_space<hbm>> -> memref<1x196x128xi32, #tpu.memory_space<hbm>>
      %dma_wait3A_60 = tpu.memref_squeeze %dma_wait3A_59 : memref<1x196x128xi32, #tpu.memory_space<hbm>> -> memref<196x128xi32, #tpu.memory_space<hbm>>
      tpu.wait_dma2 semaphore(%run_scoped3A : memref<!tpu.dma_semaphore, #tpu.memory_space<semaphore_mem>>) src(%dma_wait3A_60 : memref<196x128xi32, #tpu.memory_space<hbm>>) dst(%arg9 : memref<196x128xi32, #tpu.memory_space<vmem>>)
      tpu.yield
    }) : () -> ()
    %dma_start3A = arith.constant 0 : i32
    %dma_start3A_1 = arith.constant 0 : i32
    %dma_start3A_2 = tpu.memref_slice %arg8[%dma_start3A, %dma_start3A_1] : memref<196x128xi32, #tpu.memory_space<vmem>> -> memref<1x128xi32, #tpu.memory_space<vmem>>
    %dma_start3A_3 = tpu.memref_squeeze %dma_start3A_2 : memref<1x128xi32, #tpu.memory_space<vmem>> -> memref<128xi32, #tpu.memory_space<vmem>>
    %dma_start3A_4 = arith.constant 0 : i32
    %dma_start3A_5 = arith.constant 0 : i32
    %dma_start3A_6 = tpu.memref_slice %arg2[%dma_start3A_4, %dma_start3A_5] : memref<50000x32xf32, #tpu.memory_space<hbm>> -> memref<50000x32xf32, #tpu.memory_space<hbm>>
    tpu.enqueue_indirect_dma source(%dma_start3A_6 : memref<50000x32xf32, #tpu.memory_space<hbm>>) target(%arg10 : memref<128x32xf32, #tpu.memory_space<vmem>>) offsets(%dma_start3A_3 : memref<128xi32, #tpu.memory_space<vmem>>) semaphore(%arg18 : memref<!tpu.dma_semaphore, #tpu.memory_space<semaphore_mem>>)
    %dma_start3A_7 = arith.constant 0 : i32
    %dma_start3A_8 = arith.constant 0 : i32
    %dma_start3A_9 = tpu.memref_slice %arg9[%dma_start3A_7, %dma_start3A_8] : memref<196x128xi32, #tpu.memory_space<vmem>> -> memref<1x128xi32, #tpu.memory_space<vmem>>
    %dma_start3A_10 = tpu.memref_squeeze %dma_start3A_9 : memref<1x128xi32, #tpu.memory_space<vmem>> -> memref<128xi32, #tpu.memory_space<vmem>>
    %dma_start3A_11 = arith.constant 0 : i32
    %dma_start3A_12 = arith.constant 0 : i32
    %dma_start3A_13 = tpu.memref_slice %arg3[%dma_start3A_11, %dma_start3A_12] : memref<50000x8xf32, #tpu.memory_space<hbm>> -> memref<50000x8xf32, #tpu.memory_space<hbm>>
    tpu.enqueue_indirect_dma source(%dma_start3A_13 : memref<50000x8xf32, #tpu.memory_space<hbm>>) target(%arg11 : memref<128x8xf32, #tpu.memory_space<vmem>>) offsets(%dma_start3A_10 : memref<128xi32, #tpu.memory_space<vmem>>) semaphore(%arg18 : memref<!tpu.dma_semaphore, #tpu.memory_space<semaphore_mem>>)
    %dma_start3A_14 = arith.constant 1 : i32
    %dma_start3A_15 = arith.constant 0 : i32
    %dma_start3A_16 = tpu.memref_slice %arg8[%dma_start3A_14, %dma_start3A_15] : memref<196x128xi32, #tpu.memory_space<vmem>> -> memref<1x128xi32, #tpu.memory_space<vmem>>
    %dma_start3A_17 = tpu.memref_squeeze %dma_start3A_16 : memref<1x128xi32, #tpu.memory_space<vmem>> -> memref<128xi32, #tpu.memory_space<vmem>>
    %dma_start3A_18 = arith.constant 0 : i32
    %dma_start3A_19 = arith.constant 0 : i32
    %dma_start3A_20 = tpu.memref_slice %arg2[%dma_start3A_18, %dma_start3A_19] : memref<50000x32xf32, #tpu.memory_space<hbm>> -> memref<50000x32xf32, #tpu.memory_space<hbm>>
    tpu.enqueue_indirect_dma source(%dma_start3A_20 : memref<50000x32xf32, #tpu.memory_space<hbm>>) target(%arg12 : memref<128x32xf32, #tpu.memory_space<vmem>>) offsets(%dma_start3A_17 : memref<128xi32, #tpu.memory_space<vmem>>) semaphore(%arg19 : memref<!tpu.dma_semaphore, #tpu.memory_space<semaphore_mem>>)
    %dma_start3A_21 = arith.constant 1 : i32
    %dma_start3A_22 = arith.constant 0 : i32
    %dma_start3A_23 = tpu.memref_slice %arg9[%dma_start3A_21, %dma_start3A_22] : memref<196x128xi32, #tpu.memory_space<vmem>> -> memref<1x128xi32, #tpu.memory_space<vmem>>
    %dma_start3A_24 = tpu.memref_squeeze %dma_start3A_23 : memref<1x128xi32, #tpu.memory_space<vmem>> -> memref<128xi32, #tpu.memory_space<vmem>>
    %dma_start3A_25 = arith.constant 0 : i32
    %dma_start3A_26 = arith.constant 0 : i32
    %dma_start3A_27 = tpu.memref_slice %arg3[%dma_start3A_25, %dma_start3A_26] : memref<50000x8xf32, #tpu.memory_space<hbm>> -> memref<50000x8xf32, #tpu.memory_space<hbm>>
    tpu.enqueue_indirect_dma source(%dma_start3A_27 : memref<50000x8xf32, #tpu.memory_space<hbm>>) target(%arg13 : memref<128x8xf32, #tpu.memory_space<vmem>>) offsets(%dma_start3A_24 : memref<128xi32, #tpu.memory_space<vmem>>) semaphore(%arg19 : memref<!tpu.dma_semaphore, #tpu.memory_space<semaphore_mem>>)
    %dma_start3A_28 = arith.constant 2 : i32
    %dma_start3A_29 = arith.constant 0 : i32
    %dma_start3A_30 = tpu.memref_slice %arg8[%dma_start3A_28, %dma_start3A_29] : memref<196x128xi32, #tpu.memory_space<vmem>> -> memref<1x128xi32, #tpu.memory_space<vmem>>
    %dma_start3A_31 = tpu.memref_squeeze %dma_start3A_30 : memref<1x128xi32, #tpu.memory_space<vmem>> -> memref<128xi32, #tpu.memory_space<vmem>>
    %dma_start3A_32 = arith.constant 0 : i32
    %dma_start3A_33 = arith.constant 0 : i32
    %dma_start3A_34 = tpu.memref_slice %arg2[%dma_start3A_32, %dma_start3A_33] : memref<50000x32xf32, #tpu.memory_space<hbm>> -> memref<50000x32xf32, #tpu.memory_space<hbm>>
    tpu.enqueue_indirect_dma source(%dma_start3A_34 : memref<50000x32xf32, #tpu.memory_space<hbm>>) target(%arg14 : memref<128x32xf32, #tpu.memory_space<vmem>>) offsets(%dma_start3A_31 : memref<128xi32, #tpu.memory_space<vmem>>) semaphore(%arg20 : memref<!tpu.dma_semaphore, #tpu.memory_space<semaphore_mem>>)
    %dma_start3A_35 = arith.constant 2 : i32
    %dma_start3A_36 = arith.constant 0 : i32
    %dma_start3A_37 = tpu.memref_slice %arg9[%dma_start3A_35, %dma_start3A_36] : memref<196x128xi32, #tpu.memory_space<vmem>> -> memref<1x128xi32, #tpu.memory_space<vmem>>
    %dma_start3A_38 = tpu.memref_squeeze %dma_start3A_37 : memref<1x128xi32, #tpu.memory_space<vmem>> -> memref<128xi32, #tpu.memory_space<vmem>>
    %dma_start3A_39 = arith.constant 0 : i32
    %dma_start3A_40 = arith.constant 0 : i32
    %dma_start3A_41 = tpu.memref_slice %arg3[%dma_start3A_39, %dma_start3A_40] : memref<50000x8xf32, #tpu.memory_space<hbm>> -> memref<50000x8xf32, #tpu.memory_space<hbm>>
    tpu.enqueue_indirect_dma source(%dma_start3A_41 : memref<50000x8xf32, #tpu.memory_space<hbm>>) target(%arg15 : memref<128x8xf32, #tpu.memory_space<vmem>>) offsets(%dma_start3A_38 : memref<128xi32, #tpu.memory_space<vmem>>) semaphore(%arg20 : memref<!tpu.dma_semaphore, #tpu.memory_space<semaphore_mem>>)
    %scan3A = arith.constant 0 : i32
    %scan3A_42 = arith.constant 49 : i32
    %scan3A_43 = arith.addi %scan3A, %scan3A_42 : i32
    %scan3A_44 = arith.constant 1 : i32
    scf.for %scan3A_46 = %scan3A to %scan3A_43 step %scan3A_44  : i32 {
      %mul3A_47 = arith.constant 4 : i32
      %mul3A_48 = arith.muli %scan3A_46, %mul3A_47 : i32
      %add3A_49 = arith.constant 0 : i32
      %add3A_50 = arith.addi %add3A_49, %mul3A_48 : i32
      %add3A_51 = arith.constant 0 : i32
      %add3A_52 = arith.addi %add3A_50, %add3A_51 : i32
      %add3A_53 = arith.constant 3 : i32
      %add3A_54 = arith.addi %add3A_52, %add3A_53 : i32
      %lt3A = arith.constant 196 : i32
      %lt3A_55 = arith.cmpi slt, %add3A_54, %lt3A : i32
      %convert_element_type3A = arith.extui %lt3A_55 : i1 to i32
      %cond3A = arith.constant 0 : i32
      %cond3A_56 = arith.cmpi ne, %convert_element_type3A, %cond3A : i32
      scf.if %cond3A_56 {
        %add3A_151 = arith.constant 3 : i32
        %add3A_152 = arith.addi %add3A_52, %add3A_151 : i32
        %dma_start3A_153 = arith.constant 0 : i32
        %dma_start3A_154 = tpu.memref_slice %arg8[%add3A_152, %dma_start3A_153] : memref<196x128xi32, #tpu.memory_space<vmem>> -> memref<1x128xi32, #tpu.memory_space<vmem>>
        %dma_start3A_155 = tpu.memref_squeeze %dma_start3A_154 : memref<1x128xi32, #tpu.memory_space<vmem>> -> memref<128xi32, #tpu.memory_space<vmem>>
        %dma_start3A_156 = arith.constant 0 : i32
        %dma_start3A_157 = arith.constant 0 : i32
        %dma_start3A_158 = tpu.memref_slice %arg2[%dma_start3A_156, %dma_start3A_157] : memref<50000x32xf32, #tpu.memory_space<hbm>> -> memref<50000x32xf32, #tpu.memory_space<hbm>>
        tpu.enqueue_indirect_dma source(%dma_start3A_158 : memref<50000x32xf32, #tpu.memory_space<hbm>>) target(%arg16 : memref<128x32xf32, #tpu.memory_space<vmem>>) offsets(%dma_start3A_155 : memref<128xi32, #tpu.memory_space<vmem>>) semaphore(%arg21 : memref<!tpu.dma_semaphore, #tpu.memory_space<semaphore_mem>>)
        %dma_start3A_159 = arith.constant 0 : i32
        %dma_start3A_160 = tpu.memref_slice %arg9[%add3A_152, %dma_start3A_159] : memref<196x128xi32, #tpu.memory_space<vmem>> -> memref<1x128xi32, #tpu.memory_space<vmem>>
        %dma_start3A_161 = tpu.memref_squeeze %dma_start3A_160 : memref<1x128xi32, #tpu.memory_space<vmem>> -> memref<128xi32, #tpu.memory_space<vmem>>
        %dma_start3A_162 = arith.constant 0 : i32
        %dma_start3A_163 = arith.constant 0 : i32
        %dma_start3A_164 = tpu.memref_slice %arg3[%dma_start3A_162, %dma_start3A_163] : memref<50000x8xf32, #tpu.memory_space<hbm>> -> memref<50000x8xf32, #tpu.memory_space<hbm>>
        tpu.enqueue_indirect_dma source(%dma_start3A_164 : memref<50000x8xf32, #tpu.memory_space<hbm>>) target(%arg17 : memref<128x8xf32, #tpu.memory_space<vmem>>) offsets(%dma_start3A_161 : memref<128xi32, #tpu.memory_space<vmem>>) semaphore(%arg21 : memref<!tpu.dma_semaphore, #tpu.memory_space<semaphore_mem>>)
      } else {
      }
      %dma_wait3A = arith.constant 0 : i32
      %dma_wait3A_57 = tpu.memref_slice %arg8[%add3A_52, %dma_wait3A] : memref<196x128xi32, #tpu.memory_space<vmem>> -> memref<1x128xi32, #tpu.memory_space<vmem>>
      %dma_wait3A_58 = tpu.memref_squeeze %dma_wait3A_57 : memref<1x128xi32, #tpu.memory_space<vmem>> -> memref<128xi32, #tpu.memory_space<vmem>>
      %dma_wait3A_59 = arith.constant 0 : i32
      %dma_wait3A_60 = arith.constant 0 : i32
      %dma_wait3A_61 = tpu.memref_slice %arg2[%dma_wait3A_59, %dma_wait3A_60] : memref<50000x32xf32, #tpu.memory_space<hbm>> -> memref<50000x32xf32, #tpu.memory_space<hbm>>
      tpu.wait_indirect_dma semaphore(%arg18 : memref<!tpu.dma_semaphore, #tpu.memory_space<semaphore_mem>>) src(%dma_wait3A_61 : memref<50000x32xf32, #tpu.memory_space<hbm>>) dst(%arg10 : memref<128x32xf32, #tpu.memory_space<vmem>>)
      %dma_wait3A_62 = arith.constant 0 : i32
      %dma_wait3A_63 = tpu.memref_slice %arg9[%add3A_52, %dma_wait3A_62] : memref<196x128xi32, #tpu.memory_space<vmem>> -> memref<1x128xi32, #tpu.memory_space<vmem>>
      %dma_wait3A_64 = tpu.memref_squeeze %dma_wait3A_63 : memref<1x128xi32, #tpu.memory_space<vmem>> -> memref<128xi32, #tpu.memory_space<vmem>>
      %dma_wait3A_65 = arith.constant 0 : i32
      %dma_wait3A_66 = arith.constant 0 : i32
      %dma_wait3A_67 = tpu.memref_slice %arg3[%dma_wait3A_65, %dma_wait3A_66] : memref<50000x8xf32, #tpu.memory_space<hbm>> -> memref<50000x8xf32, #tpu.memory_space<hbm>>
      tpu.wait_indirect_dma semaphore(%arg18 : memref<!tpu.dma_semaphore, #tpu.memory_space<semaphore_mem>>) src(%dma_wait3A_67 : memref<50000x8xf32, #tpu.memory_space<hbm>>) dst(%arg11 : memref<128x8xf32, #tpu.memory_space<vmem>>)
      %mul3A_68 = arith.constant 196 : i32
      %mul3A_69 = arith.muli %add3A, %mul3A_68 : i32
      %add3A_70 = arith.addi %mul3A_69, %add3A_52 : i32
      %mul3A_71 = arith.constant 128 : i32
      %mul3A_72 = arith.muli %add3A_70, %mul3A_71 : i32
      "tpu.region"() ({
        %run_scoped3A = tpu.sem_alloc : memref<!tpu.dma_semaphore, #tpu.memory_space<semaphore_mem>>
        %dma_start3A_151 = arith.constant 0 : i32
        %dma_start3A_152 = tpu.memref_slice %arg6[%mul3A_72, %dma_start3A_151] : memref<802816x32xf32, #tpu.memory_space<hbm>> -> memref<128x32xf32, #tpu.memory_space<hbm>>
        %dma_start3A_153 = arith.constant 0 : i32
        %dma_start3A_154 = tpu.memref_slice %arg6[%mul3A_72, %dma_start3A_153] : memref<802816x32xf32, #tpu.memory_space<hbm>> -> memref<128x32xf32, #tpu.memory_space<hbm>>
        tpu.enqueue_dma source(%arg10 : memref<128x32xf32, #tpu.memory_space<vmem>>) target(%dma_start3A_154 : memref<128x32xf32, #tpu.memory_space<hbm>>) target_semaphore(%run_scoped3A : memref<!tpu.dma_semaphore, #tpu.memory_space<semaphore_mem>>)
        %dma_wait3A_155 = arith.constant 0 : i32
        %dma_wait3A_156 = tpu.memref_slice %arg6[%mul3A_72, %dma_wait3A_155] : memref<802816x32xf32, #tpu.memory_space<hbm>> -> memref<128x32xf32, #tpu.memory_space<hbm>>
        %dma_wait3A_157 = arith.constant 0 : i32
        %dma_wait3A_158 = tpu.memref_slice %arg6[%mul3A_72, %dma_wait3A_157] : memref<802816x32xf32, #tpu.memory_space<hbm>> -> memref<128x32xf32, #tpu.memory_space<hbm>>
        tpu.wait_dma2 semaphore(%run_scoped3A : memref<!tpu.dma_semaphore, #tpu.memory_space<semaphore_mem>>) src(%arg10 : memref<128x32xf32, #tpu.memory_space<vmem>>) dst(%dma_wait3A_158 : memref<128x32xf32, #tpu.memory_space<hbm>>)
        tpu.yield
      }) : () -> ()
      "tpu.region"() ({
        %run_scoped3A = tpu.sem_alloc : memref<!tpu.dma_semaphore, #tpu.memory_space<semaphore_mem>>
        %dma_start3A_151 = arith.constant 0 : i32
        %dma_start3A_152 = tpu.memref_slice %arg7[%mul3A_72, %dma_start3A_151] : memref<802816x8xf32, #tpu.memory_space<hbm>> -> memref<128x8xf32, #tpu.memory_space<hbm>>
        %dma_start3A_153 = arith.constant 0 : i32
        %dma_start3A_154 = tpu.memref_slice %arg7[%mul3A_72, %dma_start3A_153] : memref<802816x8xf32, #tpu.memory_space<hbm>> -> memref<128x8xf32, #tpu.memory_space<hbm>>
        tpu.enqueue_dma source(%arg11 : memref<128x8xf32, #tpu.memory_space<vmem>>) target(%dma_start3A_154 : memref<128x8xf32, #tpu.memory_space<hbm>>) target_semaphore(%run_scoped3A : memref<!tpu.dma_semaphore, #tpu.memory_space<semaphore_mem>>)
        %dma_wait3A_155 = arith.constant 0 : i32
        %dma_wait3A_156 = tpu.memref_slice %arg7[%mul3A_72, %dma_wait3A_155] : memref<802816x8xf32, #tpu.memory_space<hbm>> -> memref<128x8xf32, #tpu.memory_space<hbm>>
        %dma_wait3A_157 = arith.constant 0 : i32
        %dma_wait3A_158 = tpu.memref_slice %arg7[%mul3A_72, %dma_wait3A_157] : memref<802816x8xf32, #tpu.memory_space<hbm>> -> memref<128x8xf32, #tpu.memory_space<hbm>>
        tpu.wait_dma2 semaphore(%run_scoped3A : memref<!tpu.dma_semaphore, #tpu.memory_space<semaphore_mem>>) src(%arg11 : memref<128x8xf32, #tpu.memory_space<vmem>>) dst(%dma_wait3A_158 : memref<128x8xf32, #tpu.memory_space<hbm>>)
        tpu.yield
      }) : () -> ()
      %add3A_73 = arith.constant 1 : i32
      %add3A_74 = arith.addi %add3A_50, %add3A_73 : i32
      %add3A_75 = arith.constant 3 : i32
      %add3A_76 = arith.addi %add3A_74, %add3A_75 : i32
      %lt3A_77 = arith.constant 196 : i32
      %lt3A_78 = arith.cmpi slt, %add3A_76, %lt3A_77 : i32
      %convert_element_type3A_79 = arith.extui %lt3A_78 : i1 to i32
      %cond3A_80 = arith.constant 0 : i32
      %cond3A_81 = arith.cmpi ne, %convert_element_type3A_79, %cond3A_80 : i32
      scf.if %cond3A_81 {
        %add3A_151 = arith.constant 3 : i32
        %add3A_152 = arith.addi %add3A_74, %add3A_151 : i32
        %dma_start3A_153 = arith.constant 0 : i32
        %dma_start3A_154 = tpu.memref_slice %arg8[%add3A_152, %dma_start3A_153] : memref<196x128xi32, #tpu.memory_space<vmem>> -> memref<1x128xi32, #tpu.memory_space<vmem>>
        %dma_start3A_155 = tpu.memref_squeeze %dma_start3A_154 : memref<1x128xi32, #tpu.memory_space<vmem>> -> memref<128xi32, #tpu.memory_space<vmem>>
        %dma_start3A_156 = arith.constant 0 : i32
        %dma_start3A_157 = arith.constant 0 : i32
        %dma_start3A_158 = tpu.memref_slice %arg2[%dma_start3A_156, %dma_start3A_157] : memref<50000x32xf32, #tpu.memory_space<hbm>> -> memref<50000x32xf32, #tpu.memory_space<hbm>>
        tpu.enqueue_indirect_dma source(%dma_start3A_158 : memref<50000x32xf32, #tpu.memory_space<hbm>>) target(%arg10 : memref<128x32xf32, #tpu.memory_space<vmem>>) offsets(%dma_start3A_155 : memref<128xi32, #tpu.memory_space<vmem>>) semaphore(%arg18 : memref<!tpu.dma_semaphore, #tpu.memory_space<semaphore_mem>>)
        %dma_start3A_159 = arith.constant 0 : i32
        %dma_start3A_160 = tpu.memref_slice %arg9[%add3A_152, %dma_start3A_159] : memref<196x128xi32, #tpu.memory_space<vmem>> -> memref<1x128xi32, #tpu.memory_space<vmem>>
        %dma_start3A_161 = tpu.memref_squeeze %dma_start3A_160 : memref<1x128xi32, #tpu.memory_space<vmem>> -> memref<128xi32, #tpu.memory_space<vmem>>
        %dma_start3A_162 = arith.constant 0 : i32
        %dma_start3A_163 = arith.constant 0 : i32
        %dma_start3A_164 = tpu.memref_slice %arg3[%dma_start3A_162, %dma_start3A_163] : memref<50000x8xf32, #tpu.memory_space<hbm>> -> memref<50000x8xf32, #tpu.memory_space<hbm>>
        tpu.enqueue_indirect_dma source(%dma_start3A_164 : memref<50000x8xf32, #tpu.memory_space<hbm>>) target(%arg11 : memref<128x8xf32, #tpu.memory_space<vmem>>) offsets(%dma_start3A_161 : memref<128xi32, #tpu.memory_space<vmem>>) semaphore(%arg18 : memref<!tpu.dma_semaphore, #tpu.memory_space<semaphore_mem>>)
      } else {
      }
      %dma_wait3A_82 = arith.constant 0 : i32
      %dma_wait3A_83 = tpu.memref_slice %arg8[%add3A_74, %dma_wait3A_82] : memref<196x128xi32, #tpu.memory_space<vmem>> -> memref<1x128xi32, #tpu.memory_space<vmem>>
      %dma_wait3A_84 = tpu.memref_squeeze %dma_wait3A_83 : memref<1x128xi32, #tpu.memory_space<vmem>> -> memref<128xi32, #tpu.memory_space<vmem>>
      %dma_wait3A_85 = arith.constant 0 : i32
      %dma_wait3A_86 = arith.constant 0 : i32
      %dma_wait3A_87 = tpu.memref_slice %arg2[%dma_wait3A_85, %dma_wait3A_86] : memref<50000x32xf32, #tpu.memory_space<hbm>> -> memref<50000x32xf32, #tpu.memory_space<hbm>>
      tpu.wait_indirect_dma semaphore(%arg19 : memref<!tpu.dma_semaphore, #tpu.memory_space<semaphore_mem>>) src(%dma_wait3A_87 : memref<50000x32xf32, #tpu.memory_space<hbm>>) dst(%arg12 : memref<128x32xf32, #tpu.memory_space<vmem>>)
      %dma_wait3A_88 = arith.constant 0 : i32
      %dma_wait3A_89 = tpu.memref_slice %arg9[%add3A_74, %dma_wait3A_88] : memref<196x128xi32, #tpu.memory_space<vmem>> -> memref<1x128xi32, #tpu.memory_space<vmem>>
      %dma_wait3A_90 = tpu.memref_squeeze %dma_wait3A_89 : memref<1x128xi32, #tpu.memory_space<vmem>> -> memref<128xi32, #tpu.memory_space<vmem>>
      %dma_wait3A_91 = arith.constant 0 : i32
      %dma_wait3A_92 = arith.constant 0 : i32
      %dma_wait3A_93 = tpu.memref_slice %arg3[%dma_wait3A_91, %dma_wait3A_92] : memref<50000x8xf32, #tpu.memory_space<hbm>> -> memref<50000x8xf32, #tpu.memory_space<hbm>>
      tpu.wait_indirect_dma semaphore(%arg19 : memref<!tpu.dma_semaphore, #tpu.memory_space<semaphore_mem>>) src(%dma_wait3A_93 : memref<50000x8xf32, #tpu.memory_space<hbm>>) dst(%arg13 : memref<128x8xf32, #tpu.memory_space<vmem>>)
      %mul3A_94 = arith.constant 196 : i32
      %mul3A_95 = arith.muli %add3A, %mul3A_94 : i32
      %add3A_96 = arith.addi %mul3A_95, %add3A_74 : i32
      %mul3A_97 = arith.constant 128 : i32
      %mul3A_98 = arith.muli %add3A_96, %mul3A_97 : i32
      "tpu.region"() ({
        %run_scoped3A = tpu.sem_alloc : memref<!tpu.dma_semaphore, #tpu.memory_space<semaphore_mem>>
        %dma_start3A_151 = arith.constant 0 : i32
        %dma_start3A_152 = tpu.memref_slice %arg6[%mul3A_98, %dma_start3A_151] : memref<802816x32xf32, #tpu.memory_space<hbm>> -> memref<128x32xf32, #tpu.memory_space<hbm>>
        %dma_start3A_153 = arith.constant 0 : i32
        %dma_start3A_154 = tpu.memref_slice %arg6[%mul3A_98, %dma_start3A_153] : memref<802816x32xf32, #tpu.memory_space<hbm>> -> memref<128x32xf32, #tpu.memory_space<hbm>>
        tpu.enqueue_dma source(%arg12 : memref<128x32xf32, #tpu.memory_space<vmem>>) target(%dma_start3A_154 : memref<128x32xf32, #tpu.memory_space<hbm>>) target_semaphore(%run_scoped3A : memref<!tpu.dma_semaphore, #tpu.memory_space<semaphore_mem>>)
        %dma_wait3A_155 = arith.constant 0 : i32
        %dma_wait3A_156 = tpu.memref_slice %arg6[%mul3A_98, %dma_wait3A_155] : memref<802816x32xf32, #tpu.memory_space<hbm>> -> memref<128x32xf32, #tpu.memory_space<hbm>>
        %dma_wait3A_157 = arith.constant 0 : i32
        %dma_wait3A_158 = tpu.memref_slice %arg6[%mul3A_98, %dma_wait3A_157] : memref<802816x32xf32, #tpu.memory_space<hbm>> -> memref<128x32xf32, #tpu.memory_space<hbm>>
        tpu.wait_dma2 semaphore(%run_scoped3A : memref<!tpu.dma_semaphore, #tpu.memory_space<semaphore_mem>>) src(%arg12 : memref<128x32xf32, #tpu.memory_space<vmem>>) dst(%dma_wait3A_158 : memref<128x32xf32, #tpu.memory_space<hbm>>)
        tpu.yield
      }) : () -> ()
      "tpu.region"() ({
        %run_scoped3A = tpu.sem_alloc : memref<!tpu.dma_semaphore, #tpu.memory_space<semaphore_mem>>
        %dma_start3A_151 = arith.constant 0 : i32
        %dma_start3A_152 = tpu.memref_slice %arg7[%mul3A_98, %dma_start3A_151] : memref<802816x8xf32, #tpu.memory_space<hbm>> -> memref<128x8xf32, #tpu.memory_space<hbm>>
        %dma_start3A_153 = arith.constant 0 : i32
        %dma_start3A_154 = tpu.memref_slice %arg7[%mul3A_98, %dma_start3A_153] : memref<802816x8xf32, #tpu.memory_space<hbm>> -> memref<128x8xf32, #tpu.memory_space<hbm>>
        tpu.enqueue_dma source(%arg13 : memref<128x8xf32, #tpu.memory_space<vmem>>) target(%dma_start3A_154 : memref<128x8xf32, #tpu.memory_space<hbm>>) target_semaphore(%run_scoped3A : memref<!tpu.dma_semaphore, #tpu.memory_space<semaphore_mem>>)
        %dma_wait3A_155 = arith.constant 0 : i32
        %dma_wait3A_156 = tpu.memref_slice %arg7[%mul3A_98, %dma_wait3A_155] : memref<802816x8xf32, #tpu.memory_space<hbm>> -> memref<128x8xf32, #tpu.memory_space<hbm>>
        %dma_wait3A_157 = arith.constant 0 : i32
        %dma_wait3A_158 = tpu.memref_slice %arg7[%mul3A_98, %dma_wait3A_157] : memref<802816x8xf32, #tpu.memory_space<hbm>> -> memref<128x8xf32, #tpu.memory_space<hbm>>
        tpu.wait_dma2 semaphore(%run_scoped3A : memref<!tpu.dma_semaphore, #tpu.memory_space<semaphore_mem>>) src(%arg13 : memref<128x8xf32, #tpu.memory_space<vmem>>) dst(%dma_wait3A_158 : memref<128x8xf32, #tpu.memory_space<hbm>>)
        tpu.yield
      }) : () -> ()
      %add3A_99 = arith.constant 2 : i32
      %add3A_100 = arith.addi %add3A_50, %add3A_99 : i32
      %add3A_101 = arith.constant 3 : i32
      %add3A_102 = arith.addi %add3A_100, %add3A_101 : i32
      %lt3A_103 = arith.constant 196 : i32
      %lt3A_104 = arith.cmpi slt, %add3A_102, %lt3A_103 : i32
      %convert_element_type3A_105 = arith.extui %lt3A_104 : i1 to i32
      %cond3A_106 = arith.constant 0 : i32
      %cond3A_107 = arith.cmpi ne, %convert_element_type3A_105, %cond3A_106 : i32
      scf.if %cond3A_107 {
        %add3A_151 = arith.constant 3 : i32
        %add3A_152 = arith.addi %add3A_100, %add3A_151 : i32
        %dma_start3A_153 = arith.constant 0 : i32
        %dma_start3A_154 = tpu.memref_slice %arg8[%add3A_152, %dma_start3A_153] : memref<196x128xi32, #tpu.memory_space<vmem>> -> memref<1x128xi32, #tpu.memory_space<vmem>>
        %dma_start3A_155 = tpu.memref_squeeze %dma_start3A_154 : memref<1x128xi32, #tpu.memory_space<vmem>> -> memref<128xi32, #tpu.memory_space<vmem>>
        %dma_start3A_156 = arith.constant 0 : i32
        %dma_start3A_157 = arith.constant 0 : i32
        %dma_start3A_158 = tpu.memref_slice %arg2[%dma_start3A_156, %dma_start3A_157] : memref<50000x32xf32, #tpu.memory_space<hbm>> -> memref<50000x32xf32, #tpu.memory_space<hbm>>
        tpu.enqueue_indirect_dma source(%dma_start3A_158 : memref<50000x32xf32, #tpu.memory_space<hbm>>) target(%arg12 : memref<128x32xf32, #tpu.memory_space<vmem>>) offsets(%dma_start3A_155 : memref<128xi32, #tpu.memory_space<vmem>>) semaphore(%arg19 : memref<!tpu.dma_semaphore, #tpu.memory_space<semaphore_mem>>)
        %dma_start3A_159 = arith.constant 0 : i32
        %dma_start3A_160 = tpu.memref_slice %arg9[%add3A_152, %dma_start3A_159] : memref<196x128xi32, #tpu.memory_space<vmem>> -> memref<1x128xi32, #tpu.memory_space<vmem>>
        %dma_start3A_161 = tpu.memref_squeeze %dma_start3A_160 : memref<1x128xi32, #tpu.memory_space<vmem>> -> memref<128xi32, #tpu.memory_space<vmem>>
        %dma_start3A_162 = arith.constant 0 : i32
        %dma_start3A_163 = arith.constant 0 : i32
        %dma_start3A_164 = tpu.memref_slice %arg3[%dma_start3A_162, %dma_start3A_163] : memref<50000x8xf32, #tpu.memory_space<hbm>> -> memref<50000x8xf32, #tpu.memory_space<hbm>>
        tpu.enqueue_indirect_dma source(%dma_start3A_164 : memref<50000x8xf32, #tpu.memory_space<hbm>>) target(%arg13 : memref<128x8xf32, #tpu.memory_space<vmem>>) offsets(%dma_start3A_161 : memref<128xi32, #tpu.memory_space<vmem>>) semaphore(%arg19 : memref<!tpu.dma_semaphore, #tpu.memory_space<semaphore_mem>>)
      } else {
      }
      %dma_wait3A_108 = arith.constant 0 : i32
      %dma_wait3A_109 = tpu.memref_slice %arg8[%add3A_100, %dma_wait3A_108] : memref<196x128xi32, #tpu.memory_space<vmem>> -> memref<1x128xi32, #tpu.memory_space<vmem>>
      %dma_wait3A_110 = tpu.memref_squeeze %dma_wait3A_109 : memref<1x128xi32, #tpu.memory_space<vmem>> -> memref<128xi32, #tpu.memory_space<vmem>>
      %dma_wait3A_111 = arith.constant 0 : i32
      %dma_wait3A_112 = arith.constant 0 : i32
      %dma_wait3A_113 = tpu.memref_slice %arg2[%dma_wait3A_111, %dma_wait3A_112] : memref<50000x32xf32, #tpu.memory_space<hbm>> -> memref<50000x32xf32, #tpu.memory_space<hbm>>
      tpu.wait_indirect_dma semaphore(%arg20 : memref<!tpu.dma_semaphore, #tpu.memory_space<semaphore_mem>>) src(%dma_wait3A_113 : memref<50000x32xf32, #tpu.memory_space<hbm>>) dst(%arg14 : memref<128x32xf32, #tpu.memory_space<vmem>>)
      %dma_wait3A_114 = arith.constant 0 : i32
      %dma_wait3A_115 = tpu.memref_slice %arg9[%add3A_100, %dma_wait3A_114] : memref<196x128xi32, #tpu.memory_space<vmem>> -> memref<1x128xi32, #tpu.memory_space<vmem>>
      %dma_wait3A_116 = tpu.memref_squeeze %dma_wait3A_115 : memref<1x128xi32, #tpu.memory_space<vmem>> -> memref<128xi32, #tpu.memory_space<vmem>>
      %dma_wait3A_117 = arith.constant 0 : i32
      %dma_wait3A_118 = arith.constant 0 : i32
      %dma_wait3A_119 = tpu.memref_slice %arg3[%dma_wait3A_117, %dma_wait3A_118] : memref<50000x8xf32, #tpu.memory_space<hbm>> -> memref<50000x8xf32, #tpu.memory_space<hbm>>
      tpu.wait_indirect_dma semaphore(%arg20 : memref<!tpu.dma_semaphore, #tpu.memory_space<semaphore_mem>>) src(%dma_wait3A_119 : memref<50000x8xf32, #tpu.memory_space<hbm>>) dst(%arg15 : memref<128x8xf32, #tpu.memory_space<vmem>>)
      %mul3A_120 = arith.constant 196 : i32
      %mul3A_121 = arith.muli %add3A, %mul3A_120 : i32
      %add3A_122 = arith.addi %mul3A_121, %add3A_100 : i32
      %mul3A_123 = arith.constant 128 : i32
      %mul3A_124 = arith.muli %add3A_122, %mul3A_123 : i32
      "tpu.region"() ({
        %run_scoped3A = tpu.sem_alloc : memref<!tpu.dma_semaphore, #tpu.memory_space<semaphore_mem>>
        %dma_start3A_151 = arith.constant 0 : i32
        %dma_start3A_152 = tpu.memref_slice %arg6[%mul3A_124, %dma_start3A_151] : memref<802816x32xf32, #tpu.memory_space<hbm>> -> memref<128x32xf32, #tpu.memory_space<hbm>>
        %dma_start3A_153 = arith.constant 0 : i32
        %dma_start3A_154 = tpu.memref_slice %arg6[%mul3A_124, %dma_start3A_153] : memref<802816x32xf32, #tpu.memory_space<hbm>> -> memref<128x32xf32, #tpu.memory_space<hbm>>
        tpu.enqueue_dma source(%arg14 : memref<128x32xf32, #tpu.memory_space<vmem>>) target(%dma_start3A_154 : memref<128x32xf32, #tpu.memory_space<hbm>>) target_semaphore(%run_scoped3A : memref<!tpu.dma_semaphore, #tpu.memory_space<semaphore_mem>>)
        %dma_wait3A_155 = arith.constant 0 : i32
        %dma_wait3A_156 = tpu.memref_slice %arg6[%mul3A_124, %dma_wait3A_155] : memref<802816x32xf32, #tpu.memory_space<hbm>> -> memref<128x32xf32, #tpu.memory_space<hbm>>
        %dma_wait3A_157 = arith.constant 0 : i32
        %dma_wait3A_158 = tpu.memref_slice %arg6[%mul3A_124, %dma_wait3A_157] : memref<802816x32xf32, #tpu.memory_space<hbm>> -> memref<128x32xf32, #tpu.memory_space<hbm>>
        tpu.wait_dma2 semaphore(%run_scoped3A : memref<!tpu.dma_semaphore, #tpu.memory_space<semaphore_mem>>) src(%arg14 : memref<128x32xf32, #tpu.memory_space<vmem>>) dst(%dma_wait3A_158 : memref<128x32xf32, #tpu.memory_space<hbm>>)
        tpu.yield
      }) : () -> ()
      "tpu.region"() ({
        %run_scoped3A = tpu.sem_alloc : memref<!tpu.dma_semaphore, #tpu.memory_space<semaphore_mem>>
        %dma_start3A_151 = arith.constant 0 : i32
        %dma_start3A_152 = tpu.memref_slice %arg7[%mul3A_124, %dma_start3A_151] : memref<802816x8xf32, #tpu.memory_space<hbm>> -> memref<128x8xf32, #tpu.memory_space<hbm>>
        %dma_start3A_153 = arith.constant 0 : i32
        %dma_start3A_154 = tpu.memref_slice %arg7[%mul3A_124, %dma_start3A_153] : memref<802816x8xf32, #tpu.memory_space<hbm>> -> memref<128x8xf32, #tpu.memory_space<hbm>>
        tpu.enqueue_dma source(%arg15 : memref<128x8xf32, #tpu.memory_space<vmem>>) target(%dma_start3A_154 : memref<128x8xf32, #tpu.memory_space<hbm>>) target_semaphore(%run_scoped3A : memref<!tpu.dma_semaphore, #tpu.memory_space<semaphore_mem>>)
        %dma_wait3A_155 = arith.constant 0 : i32
        %dma_wait3A_156 = tpu.memref_slice %arg7[%mul3A_124, %dma_wait3A_155] : memref<802816x8xf32, #tpu.memory_space<hbm>> -> memref<128x8xf32, #tpu.memory_space<hbm>>
        %dma_wait3A_157 = arith.constant 0 : i32
        %dma_wait3A_158 = tpu.memref_slice %arg7[%mul3A_124, %dma_wait3A_157] : memref<802816x8xf32, #tpu.memory_space<hbm>> -> memref<128x8xf32, #tpu.memory_space<hbm>>
        tpu.wait_dma2 semaphore(%run_scoped3A : memref<!tpu.dma_semaphore, #tpu.memory_space<semaphore_mem>>) src(%arg15 : memref<128x8xf32, #tpu.memory_space<vmem>>) dst(%dma_wait3A_158 : memref<128x8xf32, #tpu.memory_space<hbm>>)
        tpu.yield
      }) : () -> ()
      %add3A_125 = arith.constant 3 : i32
      %add3A_126 = arith.addi %add3A_50, %add3A_125 : i32
      %add3A_127 = arith.constant 3 : i32
      %add3A_128 = arith.addi %add3A_126, %add3A_127 : i32
      %lt3A_129 = arith.constant 196 : i32
      %lt3A_130 = arith.cmpi slt, %add3A_128, %lt3A_129 : i32
      %convert_element_type3A_131 = arith.extui %lt3A_130 : i1 to i32
      %cond3A_132 = arith.constant 0 : i32
      %cond3A_133 = arith.cmpi ne, %convert_element_type3A_131, %cond3A_132 : i32
      scf.if %cond3A_133 {
        %add3A_151 = arith.constant 3 : i32
        %add3A_152 = arith.addi %add3A_126, %add3A_151 : i32
        %dma_start3A_153 = arith.constant 0 : i32
        %dma_start3A_154 = tpu.memref_slice %arg8[%add3A_152, %dma_start3A_153] : memref<196x128xi32, #tpu.memory_space<vmem>> -> memref<1x128xi32, #tpu.memory_space<vmem>>
        %dma_start3A_155 = tpu.memref_squeeze %dma_start3A_154 : memref<1x128xi32, #tpu.memory_space<vmem>> -> memref<128xi32, #tpu.memory_space<vmem>>
        %dma_start3A_156 = arith.constant 0 : i32
        %dma_start3A_157 = arith.constant 0 : i32
        %dma_start3A_158 = tpu.memref_slice %arg2[%dma_start3A_156, %dma_start3A_157] : memref<50000x32xf32, #tpu.memory_space<hbm>> -> memref<50000x32xf32, #tpu.memory_space<hbm>>
        tpu.enqueue_indirect_dma source(%dma_start3A_158 : memref<50000x32xf32, #tpu.memory_space<hbm>>) target(%arg14 : memref<128x32xf32, #tpu.memory_space<vmem>>) offsets(%dma_start3A_155 : memref<128xi32, #tpu.memory_space<vmem>>) semaphore(%arg20 : memref<!tpu.dma_semaphore, #tpu.memory_space<semaphore_mem>>)
        %dma_start3A_159 = arith.constant 0 : i32
        %dma_start3A_160 = tpu.memref_slice %arg9[%add3A_152, %dma_start3A_159] : memref<196x128xi32, #tpu.memory_space<vmem>> -> memref<1x128xi32, #tpu.memory_space<vmem>>
        %dma_start3A_161 = tpu.memref_squeeze %dma_start3A_160 : memref<1x128xi32, #tpu.memory_space<vmem>> -> memref<128xi32, #tpu.memory_space<vmem>>
        %dma_start3A_162 = arith.constant 0 : i32
        %dma_start3A_163 = arith.constant 0 : i32
        %dma_start3A_164 = tpu.memref_slice %arg3[%dma_start3A_162, %dma_start3A_163] : memref<50000x8xf32, #tpu.memory_space<hbm>> -> memref<50000x8xf32, #tpu.memory_space<hbm>>
        tpu.enqueue_indirect_dma source(%dma_start3A_164 : memref<50000x8xf32, #tpu.memory_space<hbm>>) target(%arg15 : memref<128x8xf32, #tpu.memory_space<vmem>>) offsets(%dma_start3A_161 : memref<128xi32, #tpu.memory_space<vmem>>) semaphore(%arg20 : memref<!tpu.dma_semaphore, #tpu.memory_space<semaphore_mem>>)
      } else {
      }
      %dma_wait3A_134 = arith.constant 0 : i32
      %dma_wait3A_135 = tpu.memref_slice %arg8[%add3A_126, %dma_wait3A_134] : memref<196x128xi32, #tpu.memory_space<vmem>> -> memref<1x128xi32, #tpu.memory_space<vmem>>
      %dma_wait3A_136 = tpu.memref_squeeze %dma_wait3A_135 : memref<1x128xi32, #tpu.memory_space<vmem>> -> memref<128xi32, #tpu.memory_space<vmem>>
      %dma_wait3A_137 = arith.constant 0 : i32
      %dma_wait3A_138 = arith.constant 0 : i32
      %dma_wait3A_139 = tpu.memref_slice %arg2[%dma_wait3A_137, %dma_wait3A_138] : memref<50000x32xf32, #tpu.memory_space<hbm>> -> memref<50000x32xf32, #tpu.memory_space<hbm>>
      tpu.wait_indirect_dma semaphore(%arg21 : memref<!tpu.dma_semaphore, #tpu.memory_space<semaphore_mem>>) src(%dma_wait3A_139 : memref<50000x32xf32, #tpu.memory_space<hbm>>) dst(%arg16 : memref<128x32xf32, #tpu.memory_space<vmem>>)
      %dma_wait3A_140 = arith.constant 0 : i32
      %dma_wait3A_141 = tpu.memref_slice %arg9[%add3A_126, %dma_wait3A_140] : memref<196x128xi32, #tpu.memory_space<vmem>> -> memref<1x128xi32, #tpu.memory_space<vmem>>
      %dma_wait3A_142 = tpu.memref_squeeze %dma_wait3A_141 : memref<1x128xi32, #tpu.memory_space<vmem>> -> memref<128xi32, #tpu.memory_space<vmem>>
      %dma_wait3A_143 = arith.constant 0 : i32
      %dma_wait3A_144 = arith.constant 0 : i32
      %dma_wait3A_145 = tpu.memref_slice %arg3[%dma_wait3A_143, %dma_wait3A_144] : memref<50000x8xf32, #tpu.memory_space<hbm>> -> memref<50000x8xf32, #tpu.memory_space<hbm>>
      tpu.wait_indirect_dma semaphore(%arg21 : memref<!tpu.dma_semaphore, #tpu.memory_space<semaphore_mem>>) src(%dma_wait3A_145 : memref<50000x8xf32, #tpu.memory_space<hbm>>) dst(%arg17 : memref<128x8xf32, #tpu.memory_space<vmem>>)
      %mul3A_146 = arith.constant 196 : i32
      %mul3A_147 = arith.muli %add3A, %mul3A_146 : i32
      %add3A_148 = arith.addi %mul3A_147, %add3A_126 : i32
      %mul3A_149 = arith.constant 128 : i32
      %mul3A_150 = arith.muli %add3A_148, %mul3A_149 : i32
      "tpu.region"() ({
        %run_scoped3A = tpu.sem_alloc : memref<!tpu.dma_semaphore, #tpu.memory_space<semaphore_mem>>
        %dma_start3A_151 = arith.constant 0 : i32
        %dma_start3A_152 = tpu.memref_slice %arg6[%mul3A_150, %dma_start3A_151] : memref<802816x32xf32, #tpu.memory_space<hbm>> -> memref<128x32xf32, #tpu.memory_space<hbm>>
        %dma_start3A_153 = arith.constant 0 : i32
        %dma_start3A_154 = tpu.memref_slice %arg6[%mul3A_150, %dma_start3A_153] : memref<802816x32xf32, #tpu.memory_space<hbm>> -> memref<128x32xf32, #tpu.memory_space<hbm>>
        tpu.enqueue_dma source(%arg16 : memref<128x32xf32, #tpu.memory_space<vmem>>) target(%dma_start3A_154 : memref<128x32xf32, #tpu.memory_space<hbm>>) target_semaphore(%run_scoped3A : memref<!tpu.dma_semaphore, #tpu.memory_space<semaphore_mem>>)
        %dma_wait3A_155 = arith.constant 0 : i32
        %dma_wait3A_156 = tpu.memref_slice %arg6[%mul3A_150, %dma_wait3A_155] : memref<802816x32xf32, #tpu.memory_space<hbm>> -> memref<128x32xf32, #tpu.memory_space<hbm>>
        %dma_wait3A_157 = arith.constant 0 : i32
        %dma_wait3A_158 = tpu.memref_slice %arg6[%mul3A_150, %dma_wait3A_157] : memref<802816x32xf32, #tpu.memory_space<hbm>> -> memref<128x32xf32, #tpu.memory_space<hbm>>
        tpu.wait_dma2 semaphore(%run_scoped3A : memref<!tpu.dma_semaphore, #tpu.memory_space<semaphore_mem>>) src(%arg16 : memref<128x32xf32, #tpu.memory_space<vmem>>) dst(%dma_wait3A_158 : memref<128x32xf32, #tpu.memory_space<hbm>>)
        tpu.yield
      }) : () -> ()
      "tpu.region"() ({
        %run_scoped3A = tpu.sem_alloc : memref<!tpu.dma_semaphore, #tpu.memory_space<semaphore_mem>>
        %dma_start3A_151 = arith.constant 0 : i32
        %dma_start3A_152 = tpu.memref_slice %arg7[%mul3A_150, %dma_start3A_151] : memref<802816x8xf32, #tpu.memory_space<hbm>> -> memref<128x8xf32, #tpu.memory_space<hbm>>
        %dma_start3A_153 = arith.constant 0 : i32
        %dma_start3A_154 = tpu.memref_slice %arg7[%mul3A_150, %dma_start3A_153] : memref<802816x8xf32, #tpu.memory_space<hbm>> -> memref<128x8xf32, #tpu.memory_space<hbm>>
        tpu.enqueue_dma source(%arg17 : memref<128x8xf32, #tpu.memory_space<vmem>>) target(%dma_start3A_154 : memref<128x8xf32, #tpu.memory_space<hbm>>) target_semaphore(%run_scoped3A : memref<!tpu.dma_semaphore, #tpu.memory_space<semaphore_mem>>)
        %dma_wait3A_155 = arith.constant 0 : i32
        %dma_wait3A_156 = tpu.memref_slice %arg7[%mul3A_150, %dma_wait3A_155] : memref<802816x8xf32, #tpu.memory_space<hbm>> -> memref<128x8xf32, #tpu.memory_space<hbm>>
        %dma_wait3A_157 = arith.constant 0 : i32
        %dma_wait3A_158 = tpu.memref_slice %arg7[%mul3A_150, %dma_wait3A_157] : memref<802816x8xf32, #tpu.memory_space<hbm>> -> memref<128x8xf32, #tpu.memory_space<hbm>>
        tpu.wait_dma2 semaphore(%run_scoped3A : memref<!tpu.dma_semaphore, #tpu.memory_space<semaphore_mem>>) src(%arg17 : memref<128x8xf32, #tpu.memory_space<vmem>>) dst(%dma_wait3A_158 : memref<128x8xf32, #tpu.memory_space<hbm>>)
        tpu.yield
      }) : () -> ()
    }
    %scan3A_45 = arith.constant 49 : i32
    return
  }
}

#map = affine_map<(d0, d1) -> (0, 0)>
#map1 = affine_map<(d0, d1) -> (0, 0, 0)>
module attributes {stable_mosaic.version = 14 : i64} {
  func.func @_gather_body(%arg0: i32, %arg1: i32, %arg2: memref<50000x32xf32, #tpu.memory_space<hbm>>, %arg3: memref<50000x8xf32, #tpu.memory_space<hbm>>, %arg4: memref<32x196x128xi32, #tpu.memory_space<hbm>>, %arg5: memref<32x196x128xi32, #tpu.memory_space<hbm>>, %arg6: memref<802816x32xf32, #tpu.memory_space<hbm>>, %arg7: memref<802816x8xf32, #tpu.memory_space<hbm>>, %arg8: memref<196x128xi32, #tpu.memory_space<vmem>>, %arg9: memref<196x128xi32, #tpu.memory_space<vmem>>, %arg10: memref<128x32xf32, #tpu.memory_space<vmem>>, %arg11: memref<128x8xf32, #tpu.memory_space<vmem>>, %arg12: memref<128x32xf32, #tpu.memory_space<vmem>>, %arg13: memref<128x8xf32, #tpu.memory_space<vmem>>, %arg14: memref<128x32xf32, #tpu.memory_space<vmem>>, %arg15: memref<128x8xf32, #tpu.memory_space<vmem>>, %arg16: memref<128x32xf32, #tpu.memory_space<vmem>>, %arg17: memref<128x8xf32, #tpu.memory_space<vmem>>, %arg18: memref<!tpu.dma_semaphore, #tpu.memory_space<semaphore_mem>>, %arg19: memref<!tpu.dma_semaphore, #tpu.memory_space<semaphore_mem>>, %arg20: memref<!tpu.dma_semaphore, #tpu.memory_space<semaphore_mem>>, %arg21: memref<!tpu.dma_semaphore, #tpu.memory_space<semaphore_mem>>) attributes {dimension_semantics = [#tpu.dimension_semantics<core_parallel>, #tpu.dimension_semantics<subcore_parallel>], iteration_bounds = array<i64: 2, 16>, scalar_prefetch = 0 : i64, scratch_operands = 14 : i64, tpu.core_type = #tpu.core_type<sc_vector_subcore>, window_params = [{transform_indices = #map}, {transform_indices = #map}, {transform_indices = #map1}, {transform_indices = #map1}, {transform_indices = #map}, {transform_indices = #map}]} {
    %mul3A = arith.constant 2 : i32
    %mul3A_0 = arith.muli %arg1, %mul3A : i32
    %add3A = arith.addi %mul3A_0, %arg0 : i32
    "tpu.region"() ({
      %run_scoped3A = tpu.sem_alloc : memref<!tpu.dma_semaphore, #tpu.memory_space<semaphore_mem>>
      %dma_start3A_46 = arith.constant 0 : i32
      %dma_start3A_47 = arith.constant 0 : i32
      %dma_start3A_48 = tpu.memref_slice %arg4[%add3A, %dma_start3A_46, %dma_start3A_47] : memref<32x196x128xi32, #tpu.memory_space<hbm>> -> memref<1x196x128xi32, #tpu.memory_space<hbm>>
      %dma_start3A_49 = tpu.memref_squeeze %dma_start3A_48 : memref<1x196x128xi32, #tpu.memory_space<hbm>> -> memref<196x128xi32, #tpu.memory_space<hbm>>
      %dma_start3A_50 = arith.constant 0 : i32
      %dma_start3A_51 = arith.constant 0 : i32
      %dma_start3A_52 = tpu.memref_slice %arg4[%add3A, %dma_start3A_50, %dma_start3A_51] : memref<32x196x128xi32, #tpu.memory_space<hbm>> -> memref<1x196x128xi32, #tpu.memory_space<hbm>>
      %dma_start3A_53 = tpu.memref_squeeze %dma_start3A_52 : memref<1x196x128xi32, #tpu.memory_space<hbm>> -> memref<196x128xi32, #tpu.memory_space<hbm>>
      tpu.enqueue_dma source(%dma_start3A_53 : memref<196x128xi32, #tpu.memory_space<hbm>>) target(%arg8 : memref<196x128xi32, #tpu.memory_space<vmem>>) target_semaphore(%run_scoped3A : memref<!tpu.dma_semaphore, #tpu.memory_space<semaphore_mem>>)
      %dma_wait3A = arith.constant 0 : i32
      %dma_wait3A_54 = arith.constant 0 : i32
      %dma_wait3A_55 = tpu.memref_slice %arg4[%add3A, %dma_wait3A, %dma_wait3A_54] : memref<32x196x128xi32, #tpu.memory_space<hbm>> -> memref<1x196x128xi32, #tpu.memory_space<hbm>>
      %dma_wait3A_56 = tpu.memref_squeeze %dma_wait3A_55 : memref<1x196x128xi32, #tpu.memory_space<hbm>> -> memref<196x128xi32, #tpu.memory_space<hbm>>
      %dma_wait3A_57 = arith.constant 0 : i32
      %dma_wait3A_58 = arith.constant 0 : i32
      %dma_wait3A_59 = tpu.memref_slice %arg4[%add3A, %dma_wait3A_57, %dma_wait3A_58] : memref<32x196x128xi32, #tpu.memory_space<hbm>> -> memref<1x196x128xi32, #tpu.memory_space<hbm>>
      %dma_wait3A_60 = tpu.memref_squeeze %dma_wait3A_59 : memref<1x196x128xi32, #tpu.memory_space<hbm>> -> memref<196x128xi32, #tpu.memory_space<hbm>>
      tpu.wait_dma2 semaphore(%run_scoped3A : memref<!tpu.dma_semaphore, #tpu.memory_space<semaphore_mem>>) src(%dma_wait3A_60 : memref<196x128xi32, #tpu.memory_space<hbm>>) dst(%arg8 : memref<196x128xi32, #tpu.memory_space<vmem>>)
      tpu.yield
    }) : () -> ()
    "tpu.region"() ({
      %run_scoped3A = tpu.sem_alloc : memref<!tpu.dma_semaphore, #tpu.memory_space<semaphore_mem>>
      %dma_start3A_46 = arith.constant 0 : i32
      %dma_start3A_47 = arith.constant 0 : i32
      %dma_start3A_48 = tpu.memref_slice %arg5[%add3A, %dma_start3A_46, %dma_start3A_47] : memref<32x196x128xi32, #tpu.memory_space<hbm>> -> memref<1x196x128xi32, #tpu.memory_space<hbm>>
      %dma_start3A_49 = tpu.memref_squeeze %dma_start3A_48 : memref<1x196x128xi32, #tpu.memory_space<hbm>> -> memref<196x128xi32, #tpu.memory_space<hbm>>
      %dma_start3A_50 = arith.constant 0 : i32
      %dma_start3A_51 = arith.constant 0 : i32
      %dma_start3A_52 = tpu.memref_slice %arg5[%add3A, %dma_start3A_50, %dma_start3A_51] : memref<32x196x128xi32, #tpu.memory_space<hbm>> -> memref<1x196x128xi32, #tpu.memory_space<hbm>>
      %dma_start3A_53 = tpu.memref_squeeze %dma_start3A_52 : memref<1x196x128xi32, #tpu.memory_space<hbm>> -> memref<196x128xi32, #tpu.memory_space<hbm>>
      tpu.enqueue_dma source(%dma_start3A_53 : memref<196x128xi32, #tpu.memory_space<hbm>>) target(%arg9 : memref<196x128xi32, #tpu.memory_space<vmem>>) target_semaphore(%run_scoped3A : memref<!tpu.dma_semaphore, #tpu.memory_space<semaphore_mem>>)
      %dma_wait3A = arith.constant 0 : i32
      %dma_wait3A_54 = arith.constant 0 : i32
      %dma_wait3A_55 = tpu.memref_slice %arg5[%add3A, %dma_wait3A, %dma_wait3A_54] : memref<32x196x128xi32, #tpu.memory_space<hbm>> -> memref<1x196x128xi32, #tpu.memory_space<hbm>>
      %dma_wait3A_56 = tpu.memref_squeeze %dma_wait3A_55 : memref<1x196x128xi32, #tpu.memory_space<hbm>> -> memref<196x128xi32, #tpu.memory_space<hbm>>
      %dma_wait3A_57 = arith.constant 0 : i32
      %dma_wait3A_58 = arith.constant 0 : i32
      %dma_wait3A_59 = tpu.memref_slice %arg5[%add3A, %dma_wait3A_57, %dma_wait3A_58] : memref<32x196x128xi32, #tpu.memory_space<hbm>> -> memref<1x196x128xi32, #tpu.memory_space<hbm>>
      %dma_wait3A_60 = tpu.memref_squeeze %dma_wait3A_59 : memref<1x196x128xi32, #tpu.memory_space<hbm>> -> memref<196x128xi32, #tpu.memory_space<hbm>>
      tpu.wait_dma2 semaphore(%run_scoped3A : memref<!tpu.dma_semaphore, #tpu.memory_space<semaphore_mem>>) src(%dma_wait3A_60 : memref<196x128xi32, #tpu.memory_space<hbm>>) dst(%arg9 : memref<196x128xi32, #tpu.memory_space<vmem>>)
      tpu.yield
    }) : () -> ()
    %dma_start3A = arith.constant 0 : i32
    %dma_start3A_1 = arith.constant 0 : i32
    %dma_start3A_2 = tpu.memref_slice %arg8[%dma_start3A, %dma_start3A_1] : memref<196x128xi32, #tpu.memory_space<vmem>> -> memref<1x128xi32, #tpu.memory_space<vmem>>
    %dma_start3A_3 = tpu.memref_squeeze %dma_start3A_2 : memref<1x128xi32, #tpu.memory_space<vmem>> -> memref<128xi32, #tpu.memory_space<vmem>>
    %dma_start3A_4 = arith.constant 0 : i32
    %dma_start3A_5 = arith.constant 0 : i32
    %dma_start3A_6 = tpu.memref_slice %arg2[%dma_start3A_4, %dma_start3A_5] : memref<50000x32xf32, #tpu.memory_space<hbm>> -> memref<50000x32xf32, #tpu.memory_space<hbm>>
    tpu.enqueue_indirect_dma source(%dma_start3A_6 : memref<50000x32xf32, #tpu.memory_space<hbm>>) target(%arg10 : memref<128x32xf32, #tpu.memory_space<vmem>>) offsets(%dma_start3A_3 : memref<128xi32, #tpu.memory_space<vmem>>) semaphore(%arg18 : memref<!tpu.dma_semaphore, #tpu.memory_space<semaphore_mem>>)
    %dma_start3A_7 = arith.constant 0 : i32
    %dma_start3A_8 = arith.constant 0 : i32
    %dma_start3A_9 = tpu.memref_slice %arg9[%dma_start3A_7, %dma_start3A_8] : memref<196x128xi32, #tpu.memory_space<vmem>> -> memref<1x128xi32, #tpu.memory_space<vmem>>
    %dma_start3A_10 = tpu.memref_squeeze %dma_start3A_9 : memref<1x128xi32, #tpu.memory_space<vmem>> -> memref<128xi32, #tpu.memory_space<vmem>>
    %dma_start3A_11 = arith.constant 0 : i32
    %dma_start3A_12 = arith.constant 0 : i32
    %dma_start3A_13 = tpu.memref_slice %arg3[%dma_start3A_11, %dma_start3A_12] : memref<50000x8xf32, #tpu.memory_space<hbm>> -> memref<50000x8xf32, #tpu.memory_space<hbm>>
    tpu.enqueue_indirect_dma source(%dma_start3A_13 : memref<50000x8xf32, #tpu.memory_space<hbm>>) target(%arg11 : memref<128x8xf32, #tpu.memory_space<vmem>>) offsets(%dma_start3A_10 : memref<128xi32, #tpu.memory_space<vmem>>) semaphore(%arg18 : memref<!tpu.dma_semaphore, #tpu.memory_space<semaphore_mem>>)
    %dma_start3A_14 = arith.constant 1 : i32
    %dma_start3A_15 = arith.constant 0 : i32
    %dma_start3A_16 = tpu.memref_slice %arg8[%dma_start3A_14, %dma_start3A_15] : memref<196x128xi32, #tpu.memory_space<vmem>> -> memref<1x128xi32, #tpu.memory_space<vmem>>
    %dma_start3A_17 = tpu.memref_squeeze %dma_start3A_16 : memref<1x128xi32, #tpu.memory_space<vmem>> -> memref<128xi32, #tpu.memory_space<vmem>>
    %dma_start3A_18 = arith.constant 0 : i32
    %dma_start3A_19 = arith.constant 0 : i32
    %dma_start3A_20 = tpu.memref_slice %arg2[%dma_start3A_18, %dma_start3A_19] : memref<50000x32xf32, #tpu.memory_space<hbm>> -> memref<50000x32xf32, #tpu.memory_space<hbm>>
    tpu.enqueue_indirect_dma source(%dma_start3A_20 : memref<50000x32xf32, #tpu.memory_space<hbm>>) target(%arg12 : memref<128x32xf32, #tpu.memory_space<vmem>>) offsets(%dma_start3A_17 : memref<128xi32, #tpu.memory_space<vmem>>) semaphore(%arg19 : memref<!tpu.dma_semaphore, #tpu.memory_space<semaphore_mem>>)
    %dma_start3A_21 = arith.constant 1 : i32
    %dma_start3A_22 = arith.constant 0 : i32
    %dma_start3A_23 = tpu.memref_slice %arg9[%dma_start3A_21, %dma_start3A_22] : memref<196x128xi32, #tpu.memory_space<vmem>> -> memref<1x128xi32, #tpu.memory_space<vmem>>
    %dma_start3A_24 = tpu.memref_squeeze %dma_start3A_23 : memref<1x128xi32, #tpu.memory_space<vmem>> -> memref<128xi32, #tpu.memory_space<vmem>>
    %dma_start3A_25 = arith.constant 0 : i32
    %dma_start3A_26 = arith.constant 0 : i32
    %dma_start3A_27 = tpu.memref_slice %arg3[%dma_start3A_25, %dma_start3A_26] : memref<50000x8xf32, #tpu.memory_space<hbm>> -> memref<50000x8xf32, #tpu.memory_space<hbm>>
    tpu.enqueue_indirect_dma source(%dma_start3A_27 : memref<50000x8xf32, #tpu.memory_space<hbm>>) target(%arg13 : memref<128x8xf32, #tpu.memory_space<vmem>>) offsets(%dma_start3A_24 : memref<128xi32, #tpu.memory_space<vmem>>) semaphore(%arg19 : memref<!tpu.dma_semaphore, #tpu.memory_space<semaphore_mem>>)
    %dma_start3A_28 = arith.constant 2 : i32
    %dma_start3A_29 = arith.constant 0 : i32
    %dma_start3A_30 = tpu.memref_slice %arg8[%dma_start3A_28, %dma_start3A_29] : memref<196x128xi32, #tpu.memory_space<vmem>> -> memref<1x128xi32, #tpu.memory_space<vmem>>
    %dma_start3A_31 = tpu.memref_squeeze %dma_start3A_30 : memref<1x128xi32, #tpu.memory_space<vmem>> -> memref<128xi32, #tpu.memory_space<vmem>>
    %dma_start3A_32 = arith.constant 0 : i32
    %dma_start3A_33 = arith.constant 0 : i32
    %dma_start3A_34 = tpu.memref_slice %arg2[%dma_start3A_32, %dma_start3A_33] : memref<50000x32xf32, #tpu.memory_space<hbm>> -> memref<50000x32xf32, #tpu.memory_space<hbm>>
    tpu.enqueue_indirect_dma source(%dma_start3A_34 : memref<50000x32xf32, #tpu.memory_space<hbm>>) target(%arg14 : memref<128x32xf32, #tpu.memory_space<vmem>>) offsets(%dma_start3A_31 : memref<128xi32, #tpu.memory_space<vmem>>) semaphore(%arg20 : memref<!tpu.dma_semaphore, #tpu.memory_space<semaphore_mem>>)
    %dma_start3A_35 = arith.constant 2 : i32
    %dma_start3A_36 = arith.constant 0 : i32
    %dma_start3A_37 = tpu.memref_slice %arg9[%dma_start3A_35, %dma_start3A_36] : memref<196x128xi32, #tpu.memory_space<vmem>> -> memref<1x128xi32, #tpu.memory_space<vmem>>
    %dma_start3A_38 = tpu.memref_squeeze %dma_start3A_37 : memref<1x128xi32, #tpu.memory_space<vmem>> -> memref<128xi32, #tpu.memory_space<vmem>>
    %dma_start3A_39 = arith.constant 0 : i32
    %dma_start3A_40 = arith.constant 0 : i32
    %dma_start3A_41 = tpu.memref_slice %arg3[%dma_start3A_39, %dma_start3A_40] : memref<50000x8xf32, #tpu.memory_space<hbm>> -> memref<50000x8xf32, #tpu.memory_space<hbm>>
    tpu.enqueue_indirect_dma source(%dma_start3A_41 : memref<50000x8xf32, #tpu.memory_space<hbm>>) target(%arg15 : memref<128x8xf32, #tpu.memory_space<vmem>>) offsets(%dma_start3A_38 : memref<128xi32, #tpu.memory_space<vmem>>) semaphore(%arg20 : memref<!tpu.dma_semaphore, #tpu.memory_space<semaphore_mem>>)
    %scan3A = arith.constant 0 : i32
    %scan3A_42 = arith.constant 49 : i32
    %scan3A_43 = arith.addi %scan3A, %scan3A_42 : i32
    %scan3A_44 = arith.constant 1 : i32
    scf.for %scan3A_46 = %scan3A to %scan3A_43 step %scan3A_44  : i32 {
      %mul3A_47 = arith.constant 4 : i32
      %mul3A_48 = arith.muli %scan3A_46, %mul3A_47 : i32
      %add3A_49 = arith.constant 0 : i32
      %add3A_50 = arith.addi %add3A_49, %mul3A_48 : i32
      %add3A_51 = arith.constant 0 : i32
      %add3A_52 = arith.addi %add3A_50, %add3A_51 : i32
      %add3A_53 = arith.constant 3 : i32
      %add3A_54 = arith.addi %add3A_52, %add3A_53 : i32
      %lt3A = arith.constant 196 : i32
      %lt3A_55 = arith.cmpi slt, %add3A_54, %lt3A : i32
      %convert_element_type3A = arith.extui %lt3A_55 : i1 to i32
      %cond3A = arith.constant 0 : i32
      %cond3A_56 = arith.cmpi ne, %convert_element_type3A, %cond3A : i32
      scf.if %cond3A_56 {
        %add3A_151 = arith.constant 3 : i32
        %add3A_152 = arith.addi %add3A_52, %add3A_151 : i32
        %dma_start3A_153 = arith.constant 0 : i32
        %dma_start3A_154 = tpu.memref_slice %arg8[%add3A_152, %dma_start3A_153] : memref<196x128xi32, #tpu.memory_space<vmem>> -> memref<1x128xi32, #tpu.memory_space<vmem>>
        %dma_start3A_155 = tpu.memref_squeeze %dma_start3A_154 : memref<1x128xi32, #tpu.memory_space<vmem>> -> memref<128xi32, #tpu.memory_space<vmem>>
        %dma_start3A_156 = arith.constant 0 : i32
        %dma_start3A_157 = arith.constant 0 : i32
        %dma_start3A_158 = tpu.memref_slice %arg2[%dma_start3A_156, %dma_start3A_157] : memref<50000x32xf32, #tpu.memory_space<hbm>> -> memref<50000x32xf32, #tpu.memory_space<hbm>>
        tpu.enqueue_indirect_dma source(%dma_start3A_158 : memref<50000x32xf32, #tpu.memory_space<hbm>>) target(%arg16 : memref<128x32xf32, #tpu.memory_space<vmem>>) offsets(%dma_start3A_155 : memref<128xi32, #tpu.memory_space<vmem>>) semaphore(%arg21 : memref<!tpu.dma_semaphore, #tpu.memory_space<semaphore_mem>>)
        %dma_start3A_159 = arith.constant 0 : i32
        %dma_start3A_160 = tpu.memref_slice %arg9[%add3A_152, %dma_start3A_159] : memref<196x128xi32, #tpu.memory_space<vmem>> -> memref<1x128xi32, #tpu.memory_space<vmem>>
        %dma_start3A_161 = tpu.memref_squeeze %dma_start3A_160 : memref<1x128xi32, #tpu.memory_space<vmem>> -> memref<128xi32, #tpu.memory_space<vmem>>
        %dma_start3A_162 = arith.constant 0 : i32
        %dma_start3A_163 = arith.constant 0 : i32
        %dma_start3A_164 = tpu.memref_slice %arg3[%dma_start3A_162, %dma_start3A_163] : memref<50000x8xf32, #tpu.memory_space<hbm>> -> memref<50000x8xf32, #tpu.memory_space<hbm>>
        tpu.enqueue_indirect_dma source(%dma_start3A_164 : memref<50000x8xf32, #tpu.memory_space<hbm>>) target(%arg17 : memref<128x8xf32, #tpu.memory_space<vmem>>) offsets(%dma_start3A_161 : memref<128xi32, #tpu.memory_space<vmem>>) semaphore(%arg21 : memref<!tpu.dma_semaphore, #tpu.memory_space<semaphore_mem>>)
      } else {
      }
      %dma_wait3A = arith.constant 0 : i32
      %dma_wait3A_57 = tpu.memref_slice %arg8[%add3A_52, %dma_wait3A] : memref<196x128xi32, #tpu.memory_space<vmem>> -> memref<1x128xi32, #tpu.memory_space<vmem>>
      %dma_wait3A_58 = tpu.memref_squeeze %dma_wait3A_57 : memref<1x128xi32, #tpu.memory_space<vmem>> -> memref<128xi32, #tpu.memory_space<vmem>>
      %dma_wait3A_59 = arith.constant 0 : i32
      %dma_wait3A_60 = arith.constant 0 : i32
      %dma_wait3A_61 = tpu.memref_slice %arg2[%dma_wait3A_59, %dma_wait3A_60] : memref<50000x32xf32, #tpu.memory_space<hbm>> -> memref<50000x32xf32, #tpu.memory_space<hbm>>
      tpu.wait_indirect_dma semaphore(%arg18 : memref<!tpu.dma_semaphore, #tpu.memory_space<semaphore_mem>>) src(%dma_wait3A_61 : memref<50000x32xf32, #tpu.memory_space<hbm>>) dst(%arg10 : memref<128x32xf32, #tpu.memory_space<vmem>>)
      %dma_wait3A_62 = arith.constant 0 : i32
      %dma_wait3A_63 = tpu.memref_slice %arg9[%add3A_52, %dma_wait3A_62] : memref<196x128xi32, #tpu.memory_space<vmem>> -> memref<1x128xi32, #tpu.memory_space<vmem>>
      %dma_wait3A_64 = tpu.memref_squeeze %dma_wait3A_63 : memref<1x128xi32, #tpu.memory_space<vmem>> -> memref<128xi32, #tpu.memory_space<vmem>>
      %dma_wait3A_65 = arith.constant 0 : i32
      %dma_wait3A_66 = arith.constant 0 : i32
      %dma_wait3A_67 = tpu.memref_slice %arg3[%dma_wait3A_65, %dma_wait3A_66] : memref<50000x8xf32, #tpu.memory_space<hbm>> -> memref<50000x8xf32, #tpu.memory_space<hbm>>
      tpu.wait_indirect_dma semaphore(%arg18 : memref<!tpu.dma_semaphore, #tpu.memory_space<semaphore_mem>>) src(%dma_wait3A_67 : memref<50000x8xf32, #tpu.memory_space<hbm>>) dst(%arg11 : memref<128x8xf32, #tpu.memory_space<vmem>>)
      %mul3A_68 = arith.constant 196 : i32
      %mul3A_69 = arith.muli %add3A, %mul3A_68 : i32
      %add3A_70 = arith.addi %mul3A_69, %add3A_52 : i32
      %mul3A_71 = arith.constant 128 : i32
      %mul3A_72 = arith.muli %add3A_70, %mul3A_71 : i32
      "tpu.region"() ({
        %run_scoped3A = tpu.sem_alloc : memref<!tpu.dma_semaphore, #tpu.memory_space<semaphore_mem>>
        %dma_start3A_151 = arith.constant 0 : i32
        %dma_start3A_152 = tpu.memref_slice %arg6[%mul3A_72, %dma_start3A_151] : memref<802816x32xf32, #tpu.memory_space<hbm>> -> memref<128x32xf32, #tpu.memory_space<hbm>>
        %dma_start3A_153 = arith.constant 0 : i32
        %dma_start3A_154 = tpu.memref_slice %arg6[%mul3A_72, %dma_start3A_153] : memref<802816x32xf32, #tpu.memory_space<hbm>> -> memref<128x32xf32, #tpu.memory_space<hbm>>
        tpu.enqueue_dma source(%arg10 : memref<128x32xf32, #tpu.memory_space<vmem>>) target(%dma_start3A_154 : memref<128x32xf32, #tpu.memory_space<hbm>>) target_semaphore(%run_scoped3A : memref<!tpu.dma_semaphore, #tpu.memory_space<semaphore_mem>>)
        %dma_wait3A_155 = arith.constant 0 : i32
        %dma_wait3A_156 = tpu.memref_slice %arg6[%mul3A_72, %dma_wait3A_155] : memref<802816x32xf32, #tpu.memory_space<hbm>> -> memref<128x32xf32, #tpu.memory_space<hbm>>
        %dma_wait3A_157 = arith.constant 0 : i32
        %dma_wait3A_158 = tpu.memref_slice %arg6[%mul3A_72, %dma_wait3A_157] : memref<802816x32xf32, #tpu.memory_space<hbm>> -> memref<128x32xf32, #tpu.memory_space<hbm>>
        tpu.wait_dma2 semaphore(%run_scoped3A : memref<!tpu.dma_semaphore, #tpu.memory_space<semaphore_mem>>) src(%arg10 : memref<128x32xf32, #tpu.memory_space<vmem>>) dst(%dma_wait3A_158 : memref<128x32xf32, #tpu.memory_space<hbm>>)
        tpu.yield
      }) : () -> ()
      "tpu.region"() ({
        %run_scoped3A = tpu.sem_alloc : memref<!tpu.dma_semaphore, #tpu.memory_space<semaphore_mem>>
        %dma_start3A_151 = arith.constant 0 : i32
        %dma_start3A_152 = tpu.memref_slice %arg7[%mul3A_72, %dma_start3A_151] : memref<802816x8xf32, #tpu.memory_space<hbm>> -> memref<128x8xf32, #tpu.memory_space<hbm>>
        %dma_start3A_153 = arith.constant 0 : i32
        %dma_start3A_154 = tpu.memref_slice %arg7[%mul3A_72, %dma_start3A_153] : memref<802816x8xf32, #tpu.memory_space<hbm>> -> memref<128x8xf32, #tpu.memory_space<hbm>>
        tpu.enqueue_dma source(%arg11 : memref<128x8xf32, #tpu.memory_space<vmem>>) target(%dma_start3A_154 : memref<128x8xf32, #tpu.memory_space<hbm>>) target_semaphore(%run_scoped3A : memref<!tpu.dma_semaphore, #tpu.memory_space<semaphore_mem>>)
        %dma_wait3A_155 = arith.constant 0 : i32
        %dma_wait3A_156 = tpu.memref_slice %arg7[%mul3A_72, %dma_wait3A_155] : memref<802816x8xf32, #tpu.memory_space<hbm>> -> memref<128x8xf32, #tpu.memory_space<hbm>>
        %dma_wait3A_157 = arith.constant 0 : i32
        %dma_wait3A_158 = tpu.memref_slice %arg7[%mul3A_72, %dma_wait3A_157] : memref<802816x8xf32, #tpu.memory_space<hbm>> -> memref<128x8xf32, #tpu.memory_space<hbm>>
        tpu.wait_dma2 semaphore(%run_scoped3A : memref<!tpu.dma_semaphore, #tpu.memory_space<semaphore_mem>>) src(%arg11 : memref<128x8xf32, #tpu.memory_space<vmem>>) dst(%dma_wait3A_158 : memref<128x8xf32, #tpu.memory_space<hbm>>)
        tpu.yield
      }) : () -> ()
      %add3A_73 = arith.constant 1 : i32
      %add3A_74 = arith.addi %add3A_50, %add3A_73 : i32
      %add3A_75 = arith.constant 3 : i32
      %add3A_76 = arith.addi %add3A_74, %add3A_75 : i32
      %lt3A_77 = arith.constant 196 : i32
      %lt3A_78 = arith.cmpi slt, %add3A_76, %lt3A_77 : i32
      %convert_element_type3A_79 = arith.extui %lt3A_78 : i1 to i32
      %cond3A_80 = arith.constant 0 : i32
      %cond3A_81 = arith.cmpi ne, %convert_element_type3A_79, %cond3A_80 : i32
      scf.if %cond3A_81 {
        %add3A_151 = arith.constant 3 : i32
        %add3A_152 = arith.addi %add3A_74, %add3A_151 : i32
        %dma_start3A_153 = arith.constant 0 : i32
        %dma_start3A_154 = tpu.memref_slice %arg8[%add3A_152, %dma_start3A_153] : memref<196x128xi32, #tpu.memory_space<vmem>> -> memref<1x128xi32, #tpu.memory_space<vmem>>
        %dma_start3A_155 = tpu.memref_squeeze %dma_start3A_154 : memref<1x128xi32, #tpu.memory_space<vmem>> -> memref<128xi32, #tpu.memory_space<vmem>>
        %dma_start3A_156 = arith.constant 0 : i32
        %dma_start3A_157 = arith.constant 0 : i32
        %dma_start3A_158 = tpu.memref_slice %arg2[%dma_start3A_156, %dma_start3A_157] : memref<50000x32xf32, #tpu.memory_space<hbm>> -> memref<50000x32xf32, #tpu.memory_space<hbm>>
        tpu.enqueue_indirect_dma source(%dma_start3A_158 : memref<50000x32xf32, #tpu.memory_space<hbm>>) target(%arg10 : memref<128x32xf32, #tpu.memory_space<vmem>>) offsets(%dma_start3A_155 : memref<128xi32, #tpu.memory_space<vmem>>) semaphore(%arg18 : memref<!tpu.dma_semaphore, #tpu.memory_space<semaphore_mem>>)
        %dma_start3A_159 = arith.constant 0 : i32
        %dma_start3A_160 = tpu.memref_slice %arg9[%add3A_152, %dma_start3A_159] : memref<196x128xi32, #tpu.memory_space<vmem>> -> memref<1x128xi32, #tpu.memory_space<vmem>>
        %dma_start3A_161 = tpu.memref_squeeze %dma_start3A_160 : memref<1x128xi32, #tpu.memory_space<vmem>> -> memref<128xi32, #tpu.memory_space<vmem>>
        %dma_start3A_162 = arith.constant 0 : i32
        %dma_start3A_163 = arith.constant 0 : i32
        %dma_start3A_164 = tpu.memref_slice %arg3[%dma_start3A_162, %dma_start3A_163] : memref<50000x8xf32, #tpu.memory_space<hbm>> -> memref<50000x8xf32, #tpu.memory_space<hbm>>
        tpu.enqueue_indirect_dma source(%dma_start3A_164 : memref<50000x8xf32, #tpu.memory_space<hbm>>) target(%arg11 : memref<128x8xf32, #tpu.memory_space<vmem>>) offsets(%dma_start3A_161 : memref<128xi32, #tpu.memory_space<vmem>>) semaphore(%arg18 : memref<!tpu.dma_semaphore, #tpu.memory_space<semaphore_mem>>)
      } else {
      }
      %dma_wait3A_82 = arith.constant 0 : i32
      %dma_wait3A_83 = tpu.memref_slice %arg8[%add3A_74, %dma_wait3A_82] : memref<196x128xi32, #tpu.memory_space<vmem>> -> memref<1x128xi32, #tpu.memory_space<vmem>>
      %dma_wait3A_84 = tpu.memref_squeeze %dma_wait3A_83 : memref<1x128xi32, #tpu.memory_space<vmem>> -> memref<128xi32, #tpu.memory_space<vmem>>
      %dma_wait3A_85 = arith.constant 0 : i32
      %dma_wait3A_86 = arith.constant 0 : i32
      %dma_wait3A_87 = tpu.memref_slice %arg2[%dma_wait3A_85, %dma_wait3A_86] : memref<50000x32xf32, #tpu.memory_space<hbm>> -> memref<50000x32xf32, #tpu.memory_space<hbm>>
      tpu.wait_indirect_dma semaphore(%arg19 : memref<!tpu.dma_semaphore, #tpu.memory_space<semaphore_mem>>) src(%dma_wait3A_87 : memref<50000x32xf32, #tpu.memory_space<hbm>>) dst(%arg12 : memref<128x32xf32, #tpu.memory_space<vmem>>)
      %dma_wait3A_88 = arith.constant 0 : i32
      %dma_wait3A_89 = tpu.memref_slice %arg9[%add3A_74, %dma_wait3A_88] : memref<196x128xi32, #tpu.memory_space<vmem>> -> memref<1x128xi32, #tpu.memory_space<vmem>>
      %dma_wait3A_90 = tpu.memref_squeeze %dma_wait3A_89 : memref<1x128xi32, #tpu.memory_space<vmem>> -> memref<128xi32, #tpu.memory_space<vmem>>
      %dma_wait3A_91 = arith.constant 0 : i32
      %dma_wait3A_92 = arith.constant 0 : i32
      %dma_wait3A_93 = tpu.memref_slice %arg3[%dma_wait3A_91, %dma_wait3A_92] : memref<50000x8xf32, #tpu.memory_space<hbm>> -> memref<50000x8xf32, #tpu.memory_space<hbm>>
      tpu.wait_indirect_dma semaphore(%arg19 : memref<!tpu.dma_semaphore, #tpu.memory_space<semaphore_mem>>) src(%dma_wait3A_93 : memref<50000x8xf32, #tpu.memory_space<hbm>>) dst(%arg13 : memref<128x8xf32, #tpu.memory_space<vmem>>)
      %mul3A_94 = arith.constant 196 : i32
      %mul3A_95 = arith.muli %add3A, %mul3A_94 : i32
      %add3A_96 = arith.addi %mul3A_95, %add3A_74 : i32
      %mul3A_97 = arith.constant 128 : i32
      %mul3A_98 = arith.muli %add3A_96, %mul3A_97 : i32
      "tpu.region"() ({
        %run_scoped3A = tpu.sem_alloc : memref<!tpu.dma_semaphore, #tpu.memory_space<semaphore_mem>>
        %dma_start3A_151 = arith.constant 0 : i32
        %dma_start3A_152 = tpu.memref_slice %arg6[%mul3A_98, %dma_start3A_151] : memref<802816x32xf32, #tpu.memory_space<hbm>> -> memref<128x32xf32, #tpu.memory_space<hbm>>
        %dma_start3A_153 = arith.constant 0 : i32
        %dma_start3A_154 = tpu.memref_slice %arg6[%mul3A_98, %dma_start3A_153] : memref<802816x32xf32, #tpu.memory_space<hbm>> -> memref<128x32xf32, #tpu.memory_space<hbm>>
        tpu.enqueue_dma source(%arg12 : memref<128x32xf32, #tpu.memory_space<vmem>>) target(%dma_start3A_154 : memref<128x32xf32, #tpu.memory_space<hbm>>) target_semaphore(%run_scoped3A : memref<!tpu.dma_semaphore, #tpu.memory_space<semaphore_mem>>)
        %dma_wait3A_155 = arith.constant 0 : i32
        %dma_wait3A_156 = tpu.memref_slice %arg6[%mul3A_98, %dma_wait3A_155] : memref<802816x32xf32, #tpu.memory_space<hbm>> -> memref<128x32xf32, #tpu.memory_space<hbm>>
        %dma_wait3A_157 = arith.constant 0 : i32
        %dma_wait3A_158 = tpu.memref_slice %arg6[%mul3A_98, %dma_wait3A_157] : memref<802816x32xf32, #tpu.memory_space<hbm>> -> memref<128x32xf32, #tpu.memory_space<hbm>>
        tpu.wait_dma2 semaphore(%run_scoped3A : memref<!tpu.dma_semaphore, #tpu.memory_space<semaphore_mem>>) src(%arg12 : memref<128x32xf32, #tpu.memory_space<vmem>>) dst(%dma_wait3A_158 : memref<128x32xf32, #tpu.memory_space<hbm>>)
        tpu.yield
      }) : () -> ()
      "tpu.region"() ({
        %run_scoped3A = tpu.sem_alloc : memref<!tpu.dma_semaphore, #tpu.memory_space<semaphore_mem>>
        %dma_start3A_151 = arith.constant 0 : i32
        %dma_start3A_152 = tpu.memref_slice %arg7[%mul3A_98, %dma_start3A_151] : memref<802816x8xf32, #tpu.memory_space<hbm>> -> memref<128x8xf32, #tpu.memory_space<hbm>>
        %dma_start3A_153 = arith.constant 0 : i32
        %dma_start3A_154 = tpu.memref_slice %arg7[%mul3A_98, %dma_start3A_153] : memref<802816x8xf32, #tpu.memory_space<hbm>> -> memref<128x8xf32, #tpu.memory_space<hbm>>
        tpu.enqueue_dma source(%arg13 : memref<128x8xf32, #tpu.memory_space<vmem>>) target(%dma_start3A_154 : memref<128x8xf32, #tpu.memory_space<hbm>>) target_semaphore(%run_scoped3A : memref<!tpu.dma_semaphore, #tpu.memory_space<semaphore_mem>>)
        %dma_wait3A_155 = arith.constant 0 : i32
        %dma_wait3A_156 = tpu.memref_slice %arg7[%mul3A_98, %dma_wait3A_155] : memref<802816x8xf32, #tpu.memory_space<hbm>> -> memref<128x8xf32, #tpu.memory_space<hbm>>
        %dma_wait3A_157 = arith.constant 0 : i32
        %dma_wait3A_158 = tpu.memref_slice %arg7[%mul3A_98, %dma_wait3A_157] : memref<802816x8xf32, #tpu.memory_space<hbm>> -> memref<128x8xf32, #tpu.memory_space<hbm>>
        tpu.wait_dma2 semaphore(%run_scoped3A : memref<!tpu.dma_semaphore, #tpu.memory_space<semaphore_mem>>) src(%arg13 : memref<128x8xf32, #tpu.memory_space<vmem>>) dst(%dma_wait3A_158 : memref<128x8xf32, #tpu.memory_space<hbm>>)
        tpu.yield
      }) : () -> ()
      %add3A_99 = arith.constant 2 : i32
      %add3A_100 = arith.addi %add3A_50, %add3A_99 : i32
      %add3A_101 = arith.constant 3 : i32
      %add3A_102 = arith.addi %add3A_100, %add3A_101 : i32
      %lt3A_103 = arith.constant 196 : i32
      %lt3A_104 = arith.cmpi slt, %add3A_102, %lt3A_103 : i32
      %convert_element_type3A_105 = arith.extui %lt3A_104 : i1 to i32
      %cond3A_106 = arith.constant 0 : i32
      %cond3A_107 = arith.cmpi ne, %convert_element_type3A_105, %cond3A_106 : i32
      scf.if %cond3A_107 {
        %add3A_151 = arith.constant 3 : i32
        %add3A_152 = arith.addi %add3A_100, %add3A_151 : i32
        %dma_start3A_153 = arith.constant 0 : i32
        %dma_start3A_154 = tpu.memref_slice %arg8[%add3A_152, %dma_start3A_153] : memref<196x128xi32, #tpu.memory_space<vmem>> -> memref<1x128xi32, #tpu.memory_space<vmem>>
        %dma_start3A_155 = tpu.memref_squeeze %dma_start3A_154 : memref<1x128xi32, #tpu.memory_space<vmem>> -> memref<128xi32, #tpu.memory_space<vmem>>
        %dma_start3A_156 = arith.constant 0 : i32
        %dma_start3A_157 = arith.constant 0 : i32
        %dma_start3A_158 = tpu.memref_slice %arg2[%dma_start3A_156, %dma_start3A_157] : memref<50000x32xf32, #tpu.memory_space<hbm>> -> memref<50000x32xf32, #tpu.memory_space<hbm>>
        tpu.enqueue_indirect_dma source(%dma_start3A_158 : memref<50000x32xf32, #tpu.memory_space<hbm>>) target(%arg12 : memref<128x32xf32, #tpu.memory_space<vmem>>) offsets(%dma_start3A_155 : memref<128xi32, #tpu.memory_space<vmem>>) semaphore(%arg19 : memref<!tpu.dma_semaphore, #tpu.memory_space<semaphore_mem>>)
        %dma_start3A_159 = arith.constant 0 : i32
        %dma_start3A_160 = tpu.memref_slice %arg9[%add3A_152, %dma_start3A_159] : memref<196x128xi32, #tpu.memory_space<vmem>> -> memref<1x128xi32, #tpu.memory_space<vmem>>
        %dma_start3A_161 = tpu.memref_squeeze %dma_start3A_160 : memref<1x128xi32, #tpu.memory_space<vmem>> -> memref<128xi32, #tpu.memory_space<vmem>>
        %dma_start3A_162 = arith.constant 0 : i32
        %dma_start3A_163 = arith.constant 0 : i32
        %dma_start3A_164 = tpu.memref_slice %arg3[%dma_start3A_162, %dma_start3A_163] : memref<50000x8xf32, #tpu.memory_space<hbm>> -> memref<50000x8xf32, #tpu.memory_space<hbm>>
        tpu.enqueue_indirect_dma source(%dma_start3A_164 : memref<50000x8xf32, #tpu.memory_space<hbm>>) target(%arg13 : memref<128x8xf32, #tpu.memory_space<vmem>>) offsets(%dma_start3A_161 : memref<128xi32, #tpu.memory_space<vmem>>) semaphore(%arg19 : memref<!tpu.dma_semaphore, #tpu.memory_space<semaphore_mem>>)
      } else {
      }
      %dma_wait3A_108 = arith.constant 0 : i32
      %dma_wait3A_109 = tpu.memref_slice %arg8[%add3A_100, %dma_wait3A_108] : memref<196x128xi32, #tpu.memory_space<vmem>> -> memref<1x128xi32, #tpu.memory_space<vmem>>
      %dma_wait3A_110 = tpu.memref_squeeze %dma_wait3A_109 : memref<1x128xi32, #tpu.memory_space<vmem>> -> memref<128xi32, #tpu.memory_space<vmem>>
      %dma_wait3A_111 = arith.constant 0 : i32
      %dma_wait3A_112 = arith.constant 0 : i32
      %dma_wait3A_113 = tpu.memref_slice %arg2[%dma_wait3A_111, %dma_wait3A_112] : memref<50000x32xf32, #tpu.memory_space<hbm>> -> memref<50000x32xf32, #tpu.memory_space<hbm>>
      tpu.wait_indirect_dma semaphore(%arg20 : memref<!tpu.dma_semaphore, #tpu.memory_space<semaphore_mem>>) src(%dma_wait3A_113 : memref<50000x32xf32, #tpu.memory_space<hbm>>) dst(%arg14 : memref<128x32xf32, #tpu.memory_space<vmem>>)
      %dma_wait3A_114 = arith.constant 0 : i32
      %dma_wait3A_115 = tpu.memref_slice %arg9[%add3A_100, %dma_wait3A_114] : memref<196x128xi32, #tpu.memory_space<vmem>> -> memref<1x128xi32, #tpu.memory_space<vmem>>
      %dma_wait3A_116 = tpu.memref_squeeze %dma_wait3A_115 : memref<1x128xi32, #tpu.memory_space<vmem>> -> memref<128xi32, #tpu.memory_space<vmem>>
      %dma_wait3A_117 = arith.constant 0 : i32
      %dma_wait3A_118 = arith.constant 0 : i32
      %dma_wait3A_119 = tpu.memref_slice %arg3[%dma_wait3A_117, %dma_wait3A_118] : memref<50000x8xf32, #tpu.memory_space<hbm>> -> memref<50000x8xf32, #tpu.memory_space<hbm>>
      tpu.wait_indirect_dma semaphore(%arg20 : memref<!tpu.dma_semaphore, #tpu.memory_space<semaphore_mem>>) src(%dma_wait3A_119 : memref<50000x8xf32, #tpu.memory_space<hbm>>) dst(%arg15 : memref<128x8xf32, #tpu.memory_space<vmem>>)
      %mul3A_120 = arith.constant 196 : i32
      %mul3A_121 = arith.muli %add3A, %mul3A_120 : i32
      %add3A_122 = arith.addi %mul3A_121, %add3A_100 : i32
      %mul3A_123 = arith.constant 128 : i32
      %mul3A_124 = arith.muli %add3A_122, %mul3A_123 : i32
      "tpu.region"() ({
        %run_scoped3A = tpu.sem_alloc : memref<!tpu.dma_semaphore, #tpu.memory_space<semaphore_mem>>
        %dma_start3A_151 = arith.constant 0 : i32
        %dma_start3A_152 = tpu.memref_slice %arg6[%mul3A_124, %dma_start3A_151] : memref<802816x32xf32, #tpu.memory_space<hbm>> -> memref<128x32xf32, #tpu.memory_space<hbm>>
        %dma_start3A_153 = arith.constant 0 : i32
        %dma_start3A_154 = tpu.memref_slice %arg6[%mul3A_124, %dma_start3A_153] : memref<802816x32xf32, #tpu.memory_space<hbm>> -> memref<128x32xf32, #tpu.memory_space<hbm>>
        tpu.enqueue_dma source(%arg14 : memref<128x32xf32, #tpu.memory_space<vmem>>) target(%dma_start3A_154 : memref<128x32xf32, #tpu.memory_space<hbm>>) target_semaphore(%run_scoped3A : memref<!tpu.dma_semaphore, #tpu.memory_space<semaphore_mem>>)
        %dma_wait3A_155 = arith.constant 0 : i32
        %dma_wait3A_156 = tpu.memref_slice %arg6[%mul3A_124, %dma_wait3A_155] : memref<802816x32xf32, #tpu.memory_space<hbm>> -> memref<128x32xf32, #tpu.memory_space<hbm>>
        %dma_wait3A_157 = arith.constant 0 : i32
        %dma_wait3A_158 = tpu.memref_slice %arg6[%mul3A_124, %dma_wait3A_157] : memref<802816x32xf32, #tpu.memory_space<hbm>> -> memref<128x32xf32, #tpu.memory_space<hbm>>
        tpu.wait_dma2 semaphore(%run_scoped3A : memref<!tpu.dma_semaphore, #tpu.memory_space<semaphore_mem>>) src(%arg14 : memref<128x32xf32, #tpu.memory_space<vmem>>) dst(%dma_wait3A_158 : memref<128x32xf32, #tpu.memory_space<hbm>>)
        tpu.yield
      }) : () -> ()
      "tpu.region"() ({
        %run_scoped3A = tpu.sem_alloc : memref<!tpu.dma_semaphore, #tpu.memory_space<semaphore_mem>>
        %dma_start3A_151 = arith.constant 0 : i32
        %dma_start3A_152 = tpu.memref_slice %arg7[%mul3A_124, %dma_start3A_151] : memref<802816x8xf32, #tpu.memory_space<hbm>> -> memref<128x8xf32, #tpu.memory_space<hbm>>
        %dma_start3A_153 = arith.constant 0 : i32
        %dma_start3A_154 = tpu.memref_slice %arg7[%mul3A_124, %dma_start3A_153] : memref<802816x8xf32, #tpu.memory_space<hbm>> -> memref<128x8xf32, #tpu.memory_space<hbm>>
        tpu.enqueue_dma source(%arg15 : memref<128x8xf32, #tpu.memory_space<vmem>>) target(%dma_start3A_154 : memref<128x8xf32, #tpu.memory_space<hbm>>) target_semaphore(%run_scoped3A : memref<!tpu.dma_semaphore, #tpu.memory_space<semaphore_mem>>)
        %dma_wait3A_155 = arith.constant 0 : i32
        %dma_wait3A_156 = tpu.memref_slice %arg7[%mul3A_124, %dma_wait3A_155] : memref<802816x8xf32, #tpu.memory_space<hbm>> -> memref<128x8xf32, #tpu.memory_space<hbm>>
        %dma_wait3A_157 = arith.constant 0 : i32
        %dma_wait3A_158 = tpu.memref_slice %arg7[%mul3A_124, %dma_wait3A_157] : memref<802816x8xf32, #tpu.memory_space<hbm>> -> memref<128x8xf32, #tpu.memory_space<hbm>>
        tpu.wait_dma2 semaphore(%run_scoped3A : memref<!tpu.dma_semaphore, #tpu.memory_space<semaphore_mem>>) src(%arg15 : memref<128x8xf32, #tpu.memory_space<vmem>>) dst(%dma_wait3A_158 : memref<128x8xf32, #tpu.memory_space<hbm>>)
        tpu.yield
      }) : () -> ()
      %add3A_125 = arith.constant 3 : i32
      %add3A_126 = arith.addi %add3A_50, %add3A_125 : i32
      %add3A_127 = arith.constant 3 : i32
      %add3A_128 = arith.addi %add3A_126, %add3A_127 : i32
      %lt3A_129 = arith.constant 196 : i32
      %lt3A_130 = arith.cmpi slt, %add3A_128, %lt3A_129 : i32
      %convert_element_type3A_131 = arith.extui %lt3A_130 : i1 to i32
      %cond3A_132 = arith.constant 0 : i32
      %cond3A_133 = arith.cmpi ne, %convert_element_type3A_131, %cond3A_132 : i32
      scf.if %cond3A_133 {
        %add3A_151 = arith.constant 3 : i32
        %add3A_152 = arith.addi %add3A_126, %add3A_151 : i32
        %dma_start3A_153 = arith.constant 0 : i32
        %dma_start3A_154 = tpu.memref_slice %arg8[%add3A_152, %dma_start3A_153] : memref<196x128xi32, #tpu.memory_space<vmem>> -> memref<1x128xi32, #tpu.memory_space<vmem>>
        %dma_start3A_155 = tpu.memref_squeeze %dma_start3A_154 : memref<1x128xi32, #tpu.memory_space<vmem>> -> memref<128xi32, #tpu.memory_space<vmem>>
        %dma_start3A_156 = arith.constant 0 : i32
        %dma_start3A_157 = arith.constant 0 : i32
        %dma_start3A_158 = tpu.memref_slice %arg2[%dma_start3A_156, %dma_start3A_157] : memref<50000x32xf32, #tpu.memory_space<hbm>> -> memref<50000x32xf32, #tpu.memory_space<hbm>>
        tpu.enqueue_indirect_dma source(%dma_start3A_158 : memref<50000x32xf32, #tpu.memory_space<hbm>>) target(%arg14 : memref<128x32xf32, #tpu.memory_space<vmem>>) offsets(%dma_start3A_155 : memref<128xi32, #tpu.memory_space<vmem>>) semaphore(%arg20 : memref<!tpu.dma_semaphore, #tpu.memory_space<semaphore_mem>>)
        %dma_start3A_159 = arith.constant 0 : i32
        %dma_start3A_160 = tpu.memref_slice %arg9[%add3A_152, %dma_start3A_159] : memref<196x128xi32, #tpu.memory_space<vmem>> -> memref<1x128xi32, #tpu.memory_space<vmem>>
        %dma_start3A_161 = tpu.memref_squeeze %dma_start3A_160 : memref<1x128xi32, #tpu.memory_space<vmem>> -> memref<128xi32, #tpu.memory_space<vmem>>
        %dma_start3A_162 = arith.constant 0 : i32
        %dma_start3A_163 = arith.constant 0 : i32
        %dma_start3A_164 = tpu.memref_slice %arg3[%dma_start3A_162, %dma_start3A_163] : memref<50000x8xf32, #tpu.memory_space<hbm>> -> memref<50000x8xf32, #tpu.memory_space<hbm>>
        tpu.enqueue_indirect_dma source(%dma_start3A_164 : memref<50000x8xf32, #tpu.memory_space<hbm>>) target(%arg15 : memref<128x8xf32, #tpu.memory_space<vmem>>) offsets(%dma_start3A_161 : memref<128xi32, #tpu.memory_space<vmem>>) semaphore(%arg20 : memref<!tpu.dma_semaphore, #tpu.memory_space<semaphore_mem>>)
      } else {
      }
      %dma_wait3A_134 = arith.constant 0 : i32
      %dma_wait3A_135 = tpu.memref_slice %arg8[%add3A_126, %dma_wait3A_134] : memref<196x128xi32, #tpu.memory_space<vmem>> -> memref<1x128xi32, #tpu.memory_space<vmem>>
      %dma_wait3A_136 = tpu.memref_squeeze %dma_wait3A_135 : memref<1x128xi32, #tpu.memory_space<vmem>> -> memref<128xi32, #tpu.memory_space<vmem>>
      %dma_wait3A_137 = arith.constant 0 : i32
      %dma_wait3A_138 = arith.constant 0 : i32
      %dma_wait3A_139 = tpu.memref_slice %arg2[%dma_wait3A_137, %dma_wait3A_138] : memref<50000x32xf32, #tpu.memory_space<hbm>> -> memref<50000x32xf32, #tpu.memory_space<hbm>>
      tpu.wait_indirect_dma semaphore(%arg21 : memref<!tpu.dma_semaphore, #tpu.memory_space<semaphore_mem>>) src(%dma_wait3A_139 : memref<50000x32xf32, #tpu.memory_space<hbm>>) dst(%arg16 : memref<128x32xf32, #tpu.memory_space<vmem>>)
      %dma_wait3A_140 = arith.constant 0 : i32
      %dma_wait3A_141 = tpu.memref_slice %arg9[%add3A_126, %dma_wait3A_140] : memref<196x128xi32, #tpu.memory_space<vmem>> -> memref<1x128xi32, #tpu.memory_space<vmem>>
      %dma_wait3A_142 = tpu.memref_squeeze %dma_wait3A_141 : memref<1x128xi32, #tpu.memory_space<vmem>> -> memref<128xi32, #tpu.memory_space<vmem>>
      %dma_wait3A_143 = arith.constant 0 : i32
      %dma_wait3A_144 = arith.constant 0 : i32
      %dma_wait3A_145 = tpu.memref_slice %arg3[%dma_wait3A_143, %dma_wait3A_144] : memref<50000x8xf32, #tpu.memory_space<hbm>> -> memref<50000x8xf32, #tpu.memory_space<hbm>>
      tpu.wait_indirect_dma semaphore(%arg21 : memref<!tpu.dma_semaphore, #tpu.memory_space<semaphore_mem>>) src(%dma_wait3A_145 : memref<50000x8xf32, #tpu.memory_space<hbm>>) dst(%arg17 : memref<128x8xf32, #tpu.memory_space<vmem>>)
      %mul3A_146 = arith.constant 196 : i32
      %mul3A_147 = arith.muli %add3A, %mul3A_146 : i32
      %add3A_148 = arith.addi %mul3A_147, %add3A_126 : i32
      %mul3A_149 = arith.constant 128 : i32
      %mul3A_150 = arith.muli %add3A_148, %mul3A_149 : i32
      "tpu.region"() ({
        %run_scoped3A = tpu.sem_alloc : memref<!tpu.dma_semaphore, #tpu.memory_space<semaphore_mem>>
        %dma_start3A_151 = arith.constant 0 : i32
        %dma_start3A_152 = tpu.memref_slice %arg6[%mul3A_150, %dma_start3A_151] : memref<802816x32xf32, #tpu.memory_space<hbm>> -> memref<128x32xf32, #tpu.memory_space<hbm>>
        %dma_start3A_153 = arith.constant 0 : i32
        %dma_start3A_154 = tpu.memref_slice %arg6[%mul3A_150, %dma_start3A_153] : memref<802816x32xf32, #tpu.memory_space<hbm>> -> memref<128x32xf32, #tpu.memory_space<hbm>>
        tpu.enqueue_dma source(%arg16 : memref<128x32xf32, #tpu.memory_space<vmem>>) target(%dma_start3A_154 : memref<128x32xf32, #tpu.memory_space<hbm>>) target_semaphore(%run_scoped3A : memref<!tpu.dma_semaphore, #tpu.memory_space<semaphore_mem>>)
        %dma_wait3A_155 = arith.constant 0 : i32
        %dma_wait3A_156 = tpu.memref_slice %arg6[%mul3A_150, %dma_wait3A_155] : memref<802816x32xf32, #tpu.memory_space<hbm>> -> memref<128x32xf32, #tpu.memory_space<hbm>>
        %dma_wait3A_157 = arith.constant 0 : i32
        %dma_wait3A_158 = tpu.memref_slice %arg6[%mul3A_150, %dma_wait3A_157] : memref<802816x32xf32, #tpu.memory_space<hbm>> -> memref<128x32xf32, #tpu.memory_space<hbm>>
        tpu.wait_dma2 semaphore(%run_scoped3A : memref<!tpu.dma_semaphore, #tpu.memory_space<semaphore_mem>>) src(%arg16 : memref<128x32xf32, #tpu.memory_space<vmem>>) dst(%dma_wait3A_158 : memref<128x32xf32, #tpu.memory_space<hbm>>)
        tpu.yield
      }) : () -> ()
      "tpu.region"() ({
        %run_scoped3A = tpu.sem_alloc : memref<!tpu.dma_semaphore, #tpu.memory_space<semaphore_mem>>
        %dma_start3A_151 = arith.constant 0 : i32
        %dma_start3A_152 = tpu.memref_slice %arg7[%mul3A_150, %dma_start3A_151] : memref<802816x8xf32, #tpu.memory_space<hbm>> -> memref<128x8xf32, #tpu.memory_space<hbm>>
        %dma_start3A_153 = arith.constant 0 : i32
        %dma_start3A_154 = tpu.memref_slice %arg7[%mul3A_150, %dma_start3A_153] : memref<802816x8xf32, #tpu.memory_space<hbm>> -> memref<128x8xf32, #tpu.memory_space<hbm>>
        tpu.enqueue_dma source(%arg17 : memref<128x8xf32, #tpu.memory_space<vmem>>) target(%dma_start3A_154 : memref<128x8xf32, #tpu.memory_space<hbm>>) target_semaphore(%run_scoped3A : memref<!tpu.dma_semaphore, #tpu.memory_space<semaphore_mem>>)
        %dma_wait3A_155 = arith.constant 0 : i32
        %dma_wait3A_156 = tpu.memref_slice %arg7[%mul3A_150, %dma_wait3A_155] : memref<802816x8xf32, #tpu.memory_space<hbm>> -> memref<128x8xf32, #tpu.memory_space<hbm>>
        %dma_wait3A_157 = arith.constant 0 : i32
        %dma_wait3A_158 = tpu.memref_slice %arg7[%mul3A_150, %dma_wait3A_157] : memref<802816x8xf32, #tpu.memory_space<hbm>> -> memref<128x8xf32, #tpu.memory_space<hbm>>
        tpu.wait_dma2 semaphore(%run_scoped3A : memref<!tpu.dma_semaphore, #tpu.memory_space<semaphore_mem>>) src(%arg17 : memref<128x8xf32, #tpu.memory_space<vmem>>) dst(%dma_wait3A_158 : memref<128x8xf32, #tpu.memory_space<hbm>>)
        tpu.yield
      }) : () -> ()
    }
    %scan3A_45 = arith.constant 49 : i32
    return
  }
}

#map = affine_map<(d0, d1) -> (0, 0)>
#map1 = affine_map<(d0, d1) -> (0, 0, 0)>
module attributes {stable_mosaic.version = 14 : i64} {
  func.func @_gather_body(%arg0: i32, %arg1: i32, %arg2: memref<50000x32xf32, #tpu.memory_space<hbm>>, %arg3: memref<50000x8xf32, #tpu.memory_space<hbm>>, %arg4: memref<32x196x128xi32, #tpu.memory_space<hbm>>, %arg5: memref<32x196x128xi32, #tpu.memory_space<hbm>>, %arg6: memref<802816x32xf32, #tpu.memory_space<hbm>>, %arg7: memref<802816x8xf32, #tpu.memory_space<hbm>>, %arg8: memref<196x128xi32, #tpu.memory_space<vmem>>, %arg9: memref<196x128xi32, #tpu.memory_space<vmem>>, %arg10: memref<128x32xf32, #tpu.memory_space<vmem>>, %arg11: memref<128x8xf32, #tpu.memory_space<vmem>>, %arg12: memref<128x32xf32, #tpu.memory_space<vmem>>, %arg13: memref<128x8xf32, #tpu.memory_space<vmem>>, %arg14: memref<128x32xf32, #tpu.memory_space<vmem>>, %arg15: memref<128x8xf32, #tpu.memory_space<vmem>>, %arg16: memref<128x32xf32, #tpu.memory_space<vmem>>, %arg17: memref<128x8xf32, #tpu.memory_space<vmem>>, %arg18: memref<!tpu.dma_semaphore, #tpu.memory_space<semaphore_mem>>, %arg19: memref<!tpu.dma_semaphore, #tpu.memory_space<semaphore_mem>>, %arg20: memref<!tpu.dma_semaphore, #tpu.memory_space<semaphore_mem>>, %arg21: memref<!tpu.dma_semaphore, #tpu.memory_space<semaphore_mem>>) attributes {dimension_semantics = [#tpu.dimension_semantics<core_parallel>, #tpu.dimension_semantics<subcore_parallel>], iteration_bounds = array<i64: 2, 16>, scalar_prefetch = 0 : i64, scratch_operands = 14 : i64, tpu.core_type = #tpu.core_type<sc_vector_subcore>, window_params = [{transform_indices = #map}, {transform_indices = #map}, {transform_indices = #map1}, {transform_indices = #map1}, {transform_indices = #map}, {transform_indices = #map}]} {
    %mul3A = arith.constant 2 : i32
    %mul3A_0 = arith.muli %arg1, %mul3A : i32
    %add3A = arith.addi %mul3A_0, %arg0 : i32
    "tpu.region"() ({
      %run_scoped3A = tpu.sem_alloc : memref<!tpu.dma_semaphore, #tpu.memory_space<semaphore_mem>>
      %dma_start3A_46 = arith.constant 0 : i32
      %dma_start3A_47 = arith.constant 0 : i32
      %dma_start3A_48 = tpu.memref_slice %arg4[%add3A, %dma_start3A_46, %dma_start3A_47] : memref<32x196x128xi32, #tpu.memory_space<hbm>> -> memref<1x196x128xi32, #tpu.memory_space<hbm>>
      %dma_start3A_49 = tpu.memref_squeeze %dma_start3A_48 : memref<1x196x128xi32, #tpu.memory_space<hbm>> -> memref<196x128xi32, #tpu.memory_space<hbm>>
      %dma_start3A_50 = arith.constant 0 : i32
      %dma_start3A_51 = arith.constant 0 : i32
      %dma_start3A_52 = tpu.memref_slice %arg4[%add3A, %dma_start3A_50, %dma_start3A_51] : memref<32x196x128xi32, #tpu.memory_space<hbm>> -> memref<1x196x128xi32, #tpu.memory_space<hbm>>
      %dma_start3A_53 = tpu.memref_squeeze %dma_start3A_52 : memref<1x196x128xi32, #tpu.memory_space<hbm>> -> memref<196x128xi32, #tpu.memory_space<hbm>>
      tpu.enqueue_dma source(%dma_start3A_53 : memref<196x128xi32, #tpu.memory_space<hbm>>) target(%arg8 : memref<196x128xi32, #tpu.memory_space<vmem>>) target_semaphore(%run_scoped3A : memref<!tpu.dma_semaphore, #tpu.memory_space<semaphore_mem>>)
      %dma_wait3A = arith.constant 0 : i32
      %dma_wait3A_54 = arith.constant 0 : i32
      %dma_wait3A_55 = tpu.memref_slice %arg4[%add3A, %dma_wait3A, %dma_wait3A_54] : memref<32x196x128xi32, #tpu.memory_space<hbm>> -> memref<1x196x128xi32, #tpu.memory_space<hbm>>
      %dma_wait3A_56 = tpu.memref_squeeze %dma_wait3A_55 : memref<1x196x128xi32, #tpu.memory_space<hbm>> -> memref<196x128xi32, #tpu.memory_space<hbm>>
      %dma_wait3A_57 = arith.constant 0 : i32
      %dma_wait3A_58 = arith.constant 0 : i32
      %dma_wait3A_59 = tpu.memref_slice %arg4[%add3A, %dma_wait3A_57, %dma_wait3A_58] : memref<32x196x128xi32, #tpu.memory_space<hbm>> -> memref<1x196x128xi32, #tpu.memory_space<hbm>>
      %dma_wait3A_60 = tpu.memref_squeeze %dma_wait3A_59 : memref<1x196x128xi32, #tpu.memory_space<hbm>> -> memref<196x128xi32, #tpu.memory_space<hbm>>
      tpu.wait_dma2 semaphore(%run_scoped3A : memref<!tpu.dma_semaphore, #tpu.memory_space<semaphore_mem>>) src(%dma_wait3A_60 : memref<196x128xi32, #tpu.memory_space<hbm>>) dst(%arg8 : memref<196x128xi32, #tpu.memory_space<vmem>>)
      tpu.yield
    }) : () -> ()
    "tpu.region"() ({
      %run_scoped3A = tpu.sem_alloc : memref<!tpu.dma_semaphore, #tpu.memory_space<semaphore_mem>>
      %dma_start3A_46 = arith.constant 0 : i32
      %dma_start3A_47 = arith.constant 0 : i32
      %dma_start3A_48 = tpu.memref_slice %arg5[%add3A, %dma_start3A_46, %dma_start3A_47] : memref<32x196x128xi32, #tpu.memory_space<hbm>> -> memref<1x196x128xi32, #tpu.memory_space<hbm>>
      %dma_start3A_49 = tpu.memref_squeeze %dma_start3A_48 : memref<1x196x128xi32, #tpu.memory_space<hbm>> -> memref<196x128xi32, #tpu.memory_space<hbm>>
      %dma_start3A_50 = arith.constant 0 : i32
      %dma_start3A_51 = arith.constant 0 : i32
      %dma_start3A_52 = tpu.memref_slice %arg5[%add3A, %dma_start3A_50, %dma_start3A_51] : memref<32x196x128xi32, #tpu.memory_space<hbm>> -> memref<1x196x128xi32, #tpu.memory_space<hbm>>
      %dma_start3A_53 = tpu.memref_squeeze %dma_start3A_52 : memref<1x196x128xi32, #tpu.memory_space<hbm>> -> memref<196x128xi32, #tpu.memory_space<hbm>>
      tpu.enqueue_dma source(%dma_start3A_53 : memref<196x128xi32, #tpu.memory_space<hbm>>) target(%arg9 : memref<196x128xi32, #tpu.memory_space<vmem>>) target_semaphore(%run_scoped3A : memref<!tpu.dma_semaphore, #tpu.memory_space<semaphore_mem>>)
      %dma_wait3A = arith.constant 0 : i32
      %dma_wait3A_54 = arith.constant 0 : i32
      %dma_wait3A_55 = tpu.memref_slice %arg5[%add3A, %dma_wait3A, %dma_wait3A_54] : memref<32x196x128xi32, #tpu.memory_space<hbm>> -> memref<1x196x128xi32, #tpu.memory_space<hbm>>
      %dma_wait3A_56 = tpu.memref_squeeze %dma_wait3A_55 : memref<1x196x128xi32, #tpu.memory_space<hbm>> -> memref<196x128xi32, #tpu.memory_space<hbm>>
      %dma_wait3A_57 = arith.constant 0 : i32
      %dma_wait3A_58 = arith.constant 0 : i32
      %dma_wait3A_59 = tpu.memref_slice %arg5[%add3A, %dma_wait3A_57, %dma_wait3A_58] : memref<32x196x128xi32, #tpu.memory_space<hbm>> -> memref<1x196x128xi32, #tpu.memory_space<hbm>>
      %dma_wait3A_60 = tpu.memref_squeeze %dma_wait3A_59 : memref<1x196x128xi32, #tpu.memory_space<hbm>> -> memref<196x128xi32, #tpu.memory_space<hbm>>
      tpu.wait_dma2 semaphore(%run_scoped3A : memref<!tpu.dma_semaphore, #tpu.memory_space<semaphore_mem>>) src(%dma_wait3A_60 : memref<196x128xi32, #tpu.memory_space<hbm>>) dst(%arg9 : memref<196x128xi32, #tpu.memory_space<vmem>>)
      tpu.yield
    }) : () -> ()
    %dma_start3A = arith.constant 0 : i32
    %dma_start3A_1 = arith.constant 0 : i32
    %dma_start3A_2 = tpu.memref_slice %arg8[%dma_start3A, %dma_start3A_1] : memref<196x128xi32, #tpu.memory_space<vmem>> -> memref<1x128xi32, #tpu.memory_space<vmem>>
    %dma_start3A_3 = tpu.memref_squeeze %dma_start3A_2 : memref<1x128xi32, #tpu.memory_space<vmem>> -> memref<128xi32, #tpu.memory_space<vmem>>
    %dma_start3A_4 = arith.constant 0 : i32
    %dma_start3A_5 = arith.constant 0 : i32
    %dma_start3A_6 = tpu.memref_slice %arg2[%dma_start3A_4, %dma_start3A_5] : memref<50000x32xf32, #tpu.memory_space<hbm>> -> memref<50000x32xf32, #tpu.memory_space<hbm>>
    tpu.enqueue_indirect_dma source(%dma_start3A_6 : memref<50000x32xf32, #tpu.memory_space<hbm>>) target(%arg10 : memref<128x32xf32, #tpu.memory_space<vmem>>) offsets(%dma_start3A_3 : memref<128xi32, #tpu.memory_space<vmem>>) semaphore(%arg18 : memref<!tpu.dma_semaphore, #tpu.memory_space<semaphore_mem>>)
    %dma_start3A_7 = arith.constant 0 : i32
    %dma_start3A_8 = arith.constant 0 : i32
    %dma_start3A_9 = tpu.memref_slice %arg9[%dma_start3A_7, %dma_start3A_8] : memref<196x128xi32, #tpu.memory_space<vmem>> -> memref<1x128xi32, #tpu.memory_space<vmem>>
    %dma_start3A_10 = tpu.memref_squeeze %dma_start3A_9 : memref<1x128xi32, #tpu.memory_space<vmem>> -> memref<128xi32, #tpu.memory_space<vmem>>
    %dma_start3A_11 = arith.constant 0 : i32
    %dma_start3A_12 = arith.constant 0 : i32
    %dma_start3A_13 = tpu.memref_slice %arg3[%dma_start3A_11, %dma_start3A_12] : memref<50000x8xf32, #tpu.memory_space<hbm>> -> memref<50000x8xf32, #tpu.memory_space<hbm>>
    tpu.enqueue_indirect_dma source(%dma_start3A_13 : memref<50000x8xf32, #tpu.memory_space<hbm>>) target(%arg11 : memref<128x8xf32, #tpu.memory_space<vmem>>) offsets(%dma_start3A_10 : memref<128xi32, #tpu.memory_space<vmem>>) semaphore(%arg18 : memref<!tpu.dma_semaphore, #tpu.memory_space<semaphore_mem>>)
    %dma_start3A_14 = arith.constant 1 : i32
    %dma_start3A_15 = arith.constant 0 : i32
    %dma_start3A_16 = tpu.memref_slice %arg8[%dma_start3A_14, %dma_start3A_15] : memref<196x128xi32, #tpu.memory_space<vmem>> -> memref<1x128xi32, #tpu.memory_space<vmem>>
    %dma_start3A_17 = tpu.memref_squeeze %dma_start3A_16 : memref<1x128xi32, #tpu.memory_space<vmem>> -> memref<128xi32, #tpu.memory_space<vmem>>
    %dma_start3A_18 = arith.constant 0 : i32
    %dma_start3A_19 = arith.constant 0 : i32
    %dma_start3A_20 = tpu.memref_slice %arg2[%dma_start3A_18, %dma_start3A_19] : memref<50000x32xf32, #tpu.memory_space<hbm>> -> memref<50000x32xf32, #tpu.memory_space<hbm>>
    tpu.enqueue_indirect_dma source(%dma_start3A_20 : memref<50000x32xf32, #tpu.memory_space<hbm>>) target(%arg12 : memref<128x32xf32, #tpu.memory_space<vmem>>) offsets(%dma_start3A_17 : memref<128xi32, #tpu.memory_space<vmem>>) semaphore(%arg19 : memref<!tpu.dma_semaphore, #tpu.memory_space<semaphore_mem>>)
    %dma_start3A_21 = arith.constant 1 : i32
    %dma_start3A_22 = arith.constant 0 : i32
    %dma_start3A_23 = tpu.memref_slice %arg9[%dma_start3A_21, %dma_start3A_22] : memref<196x128xi32, #tpu.memory_space<vmem>> -> memref<1x128xi32, #tpu.memory_space<vmem>>
    %dma_start3A_24 = tpu.memref_squeeze %dma_start3A_23 : memref<1x128xi32, #tpu.memory_space<vmem>> -> memref<128xi32, #tpu.memory_space<vmem>>
    %dma_start3A_25 = arith.constant 0 : i32
    %dma_start3A_26 = arith.constant 0 : i32
    %dma_start3A_27 = tpu.memref_slice %arg3[%dma_start3A_25, %dma_start3A_26] : memref<50000x8xf32, #tpu.memory_space<hbm>> -> memref<50000x8xf32, #tpu.memory_space<hbm>>
    tpu.enqueue_indirect_dma source(%dma_start3A_27 : memref<50000x8xf32, #tpu.memory_space<hbm>>) target(%arg13 : memref<128x8xf32, #tpu.memory_space<vmem>>) offsets(%dma_start3A_24 : memref<128xi32, #tpu.memory_space<vmem>>) semaphore(%arg19 : memref<!tpu.dma_semaphore, #tpu.memory_space<semaphore_mem>>)
    %dma_start3A_28 = arith.constant 2 : i32
    %dma_start3A_29 = arith.constant 0 : i32
    %dma_start3A_30 = tpu.memref_slice %arg8[%dma_start3A_28, %dma_start3A_29] : memref<196x128xi32, #tpu.memory_space<vmem>> -> memref<1x128xi32, #tpu.memory_space<vmem>>
    %dma_start3A_31 = tpu.memref_squeeze %dma_start3A_30 : memref<1x128xi32, #tpu.memory_space<vmem>> -> memref<128xi32, #tpu.memory_space<vmem>>
    %dma_start3A_32 = arith.constant 0 : i32
    %dma_start3A_33 = arith.constant 0 : i32
    %dma_start3A_34 = tpu.memref_slice %arg2[%dma_start3A_32, %dma_start3A_33] : memref<50000x32xf32, #tpu.memory_space<hbm>> -> memref<50000x32xf32, #tpu.memory_space<hbm>>
    tpu.enqueue_indirect_dma source(%dma_start3A_34 : memref<50000x32xf32, #tpu.memory_space<hbm>>) target(%arg14 : memref<128x32xf32, #tpu.memory_space<vmem>>) offsets(%dma_start3A_31 : memref<128xi32, #tpu.memory_space<vmem>>) semaphore(%arg20 : memref<!tpu.dma_semaphore, #tpu.memory_space<semaphore_mem>>)
    %dma_start3A_35 = arith.constant 2 : i32
    %dma_start3A_36 = arith.constant 0 : i32
    %dma_start3A_37 = tpu.memref_slice %arg9[%dma_start3A_35, %dma_start3A_36] : memref<196x128xi32, #tpu.memory_space<vmem>> -> memref<1x128xi32, #tpu.memory_space<vmem>>
    %dma_start3A_38 = tpu.memref_squeeze %dma_start3A_37 : memref<1x128xi32, #tpu.memory_space<vmem>> -> memref<128xi32, #tpu.memory_space<vmem>>
    %dma_start3A_39 = arith.constant 0 : i32
    %dma_start3A_40 = arith.constant 0 : i32
    %dma_start3A_41 = tpu.memref_slice %arg3[%dma_start3A_39, %dma_start3A_40] : memref<50000x8xf32, #tpu.memory_space<hbm>> -> memref<50000x8xf32, #tpu.memory_space<hbm>>
    tpu.enqueue_indirect_dma source(%dma_start3A_41 : memref<50000x8xf32, #tpu.memory_space<hbm>>) target(%arg15 : memref<128x8xf32, #tpu.memory_space<vmem>>) offsets(%dma_start3A_38 : memref<128xi32, #tpu.memory_space<vmem>>) semaphore(%arg20 : memref<!tpu.dma_semaphore, #tpu.memory_space<semaphore_mem>>)
    %scan3A = arith.constant 0 : i32
    %scan3A_42 = arith.constant 49 : i32
    %scan3A_43 = arith.addi %scan3A, %scan3A_42 : i32
    %scan3A_44 = arith.constant 1 : i32
    scf.for %scan3A_46 = %scan3A to %scan3A_43 step %scan3A_44  : i32 {
      %mul3A_47 = arith.constant 4 : i32
      %mul3A_48 = arith.muli %scan3A_46, %mul3A_47 : i32
      %add3A_49 = arith.constant 0 : i32
      %add3A_50 = arith.addi %add3A_49, %mul3A_48 : i32
      %add3A_51 = arith.constant 0 : i32
      %add3A_52 = arith.addi %add3A_50, %add3A_51 : i32
      %add3A_53 = arith.constant 3 : i32
      %add3A_54 = arith.addi %add3A_52, %add3A_53 : i32
      %lt3A = arith.constant 196 : i32
      %lt3A_55 = arith.cmpi slt, %add3A_54, %lt3A : i32
      %convert_element_type3A = arith.extui %lt3A_55 : i1 to i32
      %cond3A = arith.constant 0 : i32
      %cond3A_56 = arith.cmpi ne, %convert_element_type3A, %cond3A : i32
      scf.if %cond3A_56 {
        %add3A_151 = arith.constant 3 : i32
        %add3A_152 = arith.addi %add3A_52, %add3A_151 : i32
        %dma_start3A_153 = arith.constant 0 : i32
        %dma_start3A_154 = tpu.memref_slice %arg8[%add3A_152, %dma_start3A_153] : memref<196x128xi32, #tpu.memory_space<vmem>> -> memref<1x128xi32, #tpu.memory_space<vmem>>
        %dma_start3A_155 = tpu.memref_squeeze %dma_start3A_154 : memref<1x128xi32, #tpu.memory_space<vmem>> -> memref<128xi32, #tpu.memory_space<vmem>>
        %dma_start3A_156 = arith.constant 0 : i32
        %dma_start3A_157 = arith.constant 0 : i32
        %dma_start3A_158 = tpu.memref_slice %arg2[%dma_start3A_156, %dma_start3A_157] : memref<50000x32xf32, #tpu.memory_space<hbm>> -> memref<50000x32xf32, #tpu.memory_space<hbm>>
        tpu.enqueue_indirect_dma source(%dma_start3A_158 : memref<50000x32xf32, #tpu.memory_space<hbm>>) target(%arg16 : memref<128x32xf32, #tpu.memory_space<vmem>>) offsets(%dma_start3A_155 : memref<128xi32, #tpu.memory_space<vmem>>) semaphore(%arg21 : memref<!tpu.dma_semaphore, #tpu.memory_space<semaphore_mem>>)
        %dma_start3A_159 = arith.constant 0 : i32
        %dma_start3A_160 = tpu.memref_slice %arg9[%add3A_152, %dma_start3A_159] : memref<196x128xi32, #tpu.memory_space<vmem>> -> memref<1x128xi32, #tpu.memory_space<vmem>>
        %dma_start3A_161 = tpu.memref_squeeze %dma_start3A_160 : memref<1x128xi32, #tpu.memory_space<vmem>> -> memref<128xi32, #tpu.memory_space<vmem>>
        %dma_start3A_162 = arith.constant 0 : i32
        %dma_start3A_163 = arith.constant 0 : i32
        %dma_start3A_164 = tpu.memref_slice %arg3[%dma_start3A_162, %dma_start3A_163] : memref<50000x8xf32, #tpu.memory_space<hbm>> -> memref<50000x8xf32, #tpu.memory_space<hbm>>
        tpu.enqueue_indirect_dma source(%dma_start3A_164 : memref<50000x8xf32, #tpu.memory_space<hbm>>) target(%arg17 : memref<128x8xf32, #tpu.memory_space<vmem>>) offsets(%dma_start3A_161 : memref<128xi32, #tpu.memory_space<vmem>>) semaphore(%arg21 : memref<!tpu.dma_semaphore, #tpu.memory_space<semaphore_mem>>)
      } else {
      }
      %dma_wait3A = arith.constant 0 : i32
      %dma_wait3A_57 = tpu.memref_slice %arg8[%add3A_52, %dma_wait3A] : memref<196x128xi32, #tpu.memory_space<vmem>> -> memref<1x128xi32, #tpu.memory_space<vmem>>
      %dma_wait3A_58 = tpu.memref_squeeze %dma_wait3A_57 : memref<1x128xi32, #tpu.memory_space<vmem>> -> memref<128xi32, #tpu.memory_space<vmem>>
      %dma_wait3A_59 = arith.constant 0 : i32
      %dma_wait3A_60 = arith.constant 0 : i32
      %dma_wait3A_61 = tpu.memref_slice %arg2[%dma_wait3A_59, %dma_wait3A_60] : memref<50000x32xf32, #tpu.memory_space<hbm>> -> memref<50000x32xf32, #tpu.memory_space<hbm>>
      tpu.wait_indirect_dma semaphore(%arg18 : memref<!tpu.dma_semaphore, #tpu.memory_space<semaphore_mem>>) src(%dma_wait3A_61 : memref<50000x32xf32, #tpu.memory_space<hbm>>) dst(%arg10 : memref<128x32xf32, #tpu.memory_space<vmem>>)
      %dma_wait3A_62 = arith.constant 0 : i32
      %dma_wait3A_63 = tpu.memref_slice %arg9[%add3A_52, %dma_wait3A_62] : memref<196x128xi32, #tpu.memory_space<vmem>> -> memref<1x128xi32, #tpu.memory_space<vmem>>
      %dma_wait3A_64 = tpu.memref_squeeze %dma_wait3A_63 : memref<1x128xi32, #tpu.memory_space<vmem>> -> memref<128xi32, #tpu.memory_space<vmem>>
      %dma_wait3A_65 = arith.constant 0 : i32
      %dma_wait3A_66 = arith.constant 0 : i32
      %dma_wait3A_67 = tpu.memref_slice %arg3[%dma_wait3A_65, %dma_wait3A_66] : memref<50000x8xf32, #tpu.memory_space<hbm>> -> memref<50000x8xf32, #tpu.memory_space<hbm>>
      tpu.wait_indirect_dma semaphore(%arg18 : memref<!tpu.dma_semaphore, #tpu.memory_space<semaphore_mem>>) src(%dma_wait3A_67 : memref<50000x8xf32, #tpu.memory_space<hbm>>) dst(%arg11 : memref<128x8xf32, #tpu.memory_space<vmem>>)
      %mul3A_68 = arith.constant 196 : i32
      %mul3A_69 = arith.muli %add3A, %mul3A_68 : i32
      %add3A_70 = arith.addi %mul3A_69, %add3A_52 : i32
      %mul3A_71 = arith.constant 128 : i32
      %mul3A_72 = arith.muli %add3A_70, %mul3A_71 : i32
      "tpu.region"() ({
        %run_scoped3A = tpu.sem_alloc : memref<!tpu.dma_semaphore, #tpu.memory_space<semaphore_mem>>
        %dma_start3A_151 = arith.constant 0 : i32
        %dma_start3A_152 = tpu.memref_slice %arg6[%mul3A_72, %dma_start3A_151] : memref<802816x32xf32, #tpu.memory_space<hbm>> -> memref<128x32xf32, #tpu.memory_space<hbm>>
        %dma_start3A_153 = arith.constant 0 : i32
        %dma_start3A_154 = tpu.memref_slice %arg6[%mul3A_72, %dma_start3A_153] : memref<802816x32xf32, #tpu.memory_space<hbm>> -> memref<128x32xf32, #tpu.memory_space<hbm>>
        tpu.enqueue_dma source(%arg10 : memref<128x32xf32, #tpu.memory_space<vmem>>) target(%dma_start3A_154 : memref<128x32xf32, #tpu.memory_space<hbm>>) target_semaphore(%run_scoped3A : memref<!tpu.dma_semaphore, #tpu.memory_space<semaphore_mem>>)
        %dma_wait3A_155 = arith.constant 0 : i32
        %dma_wait3A_156 = tpu.memref_slice %arg6[%mul3A_72, %dma_wait3A_155] : memref<802816x32xf32, #tpu.memory_space<hbm>> -> memref<128x32xf32, #tpu.memory_space<hbm>>
        %dma_wait3A_157 = arith.constant 0 : i32
        %dma_wait3A_158 = tpu.memref_slice %arg6[%mul3A_72, %dma_wait3A_157] : memref<802816x32xf32, #tpu.memory_space<hbm>> -> memref<128x32xf32, #tpu.memory_space<hbm>>
        tpu.wait_dma2 semaphore(%run_scoped3A : memref<!tpu.dma_semaphore, #tpu.memory_space<semaphore_mem>>) src(%arg10 : memref<128x32xf32, #tpu.memory_space<vmem>>) dst(%dma_wait3A_158 : memref<128x32xf32, #tpu.memory_space<hbm>>)
        tpu.yield
      }) : () -> ()
      "tpu.region"() ({
        %run_scoped3A = tpu.sem_alloc : memref<!tpu.dma_semaphore, #tpu.memory_space<semaphore_mem>>
        %dma_start3A_151 = arith.constant 0 : i32
        %dma_start3A_152 = tpu.memref_slice %arg7[%mul3A_72, %dma_start3A_151] : memref<802816x8xf32, #tpu.memory_space<hbm>> -> memref<128x8xf32, #tpu.memory_space<hbm>>
        %dma_start3A_153 = arith.constant 0 : i32
        %dma_start3A_154 = tpu.memref_slice %arg7[%mul3A_72, %dma_start3A_153] : memref<802816x8xf32, #tpu.memory_space<hbm>> -> memref<128x8xf32, #tpu.memory_space<hbm>>
        tpu.enqueue_dma source(%arg11 : memref<128x8xf32, #tpu.memory_space<vmem>>) target(%dma_start3A_154 : memref<128x8xf32, #tpu.memory_space<hbm>>) target_semaphore(%run_scoped3A : memref<!tpu.dma_semaphore, #tpu.memory_space<semaphore_mem>>)
        %dma_wait3A_155 = arith.constant 0 : i32
        %dma_wait3A_156 = tpu.memref_slice %arg7[%mul3A_72, %dma_wait3A_155] : memref<802816x8xf32, #tpu.memory_space<hbm>> -> memref<128x8xf32, #tpu.memory_space<hbm>>
        %dma_wait3A_157 = arith.constant 0 : i32
        %dma_wait3A_158 = tpu.memref_slice %arg7[%mul3A_72, %dma_wait3A_157] : memref<802816x8xf32, #tpu.memory_space<hbm>> -> memref<128x8xf32, #tpu.memory_space<hbm>>
        tpu.wait_dma2 semaphore(%run_scoped3A : memref<!tpu.dma_semaphore, #tpu.memory_space<semaphore_mem>>) src(%arg11 : memref<128x8xf32, #tpu.memory_space<vmem>>) dst(%dma_wait3A_158 : memref<128x8xf32, #tpu.memory_space<hbm>>)
        tpu.yield
      }) : () -> ()
      %add3A_73 = arith.constant 1 : i32
      %add3A_74 = arith.addi %add3A_50, %add3A_73 : i32
      %add3A_75 = arith.constant 3 : i32
      %add3A_76 = arith.addi %add3A_74, %add3A_75 : i32
      %lt3A_77 = arith.constant 196 : i32
      %lt3A_78 = arith.cmpi slt, %add3A_76, %lt3A_77 : i32
      %convert_element_type3A_79 = arith.extui %lt3A_78 : i1 to i32
      %cond3A_80 = arith.constant 0 : i32
      %cond3A_81 = arith.cmpi ne, %convert_element_type3A_79, %cond3A_80 : i32
      scf.if %cond3A_81 {
        %add3A_151 = arith.constant 3 : i32
        %add3A_152 = arith.addi %add3A_74, %add3A_151 : i32
        %dma_start3A_153 = arith.constant 0 : i32
        %dma_start3A_154 = tpu.memref_slice %arg8[%add3A_152, %dma_start3A_153] : memref<196x128xi32, #tpu.memory_space<vmem>> -> memref<1x128xi32, #tpu.memory_space<vmem>>
        %dma_start3A_155 = tpu.memref_squeeze %dma_start3A_154 : memref<1x128xi32, #tpu.memory_space<vmem>> -> memref<128xi32, #tpu.memory_space<vmem>>
        %dma_start3A_156 = arith.constant 0 : i32
        %dma_start3A_157 = arith.constant 0 : i32
        %dma_start3A_158 = tpu.memref_slice %arg2[%dma_start3A_156, %dma_start3A_157] : memref<50000x32xf32, #tpu.memory_space<hbm>> -> memref<50000x32xf32, #tpu.memory_space<hbm>>
        tpu.enqueue_indirect_dma source(%dma_start3A_158 : memref<50000x32xf32, #tpu.memory_space<hbm>>) target(%arg10 : memref<128x32xf32, #tpu.memory_space<vmem>>) offsets(%dma_start3A_155 : memref<128xi32, #tpu.memory_space<vmem>>) semaphore(%arg18 : memref<!tpu.dma_semaphore, #tpu.memory_space<semaphore_mem>>)
        %dma_start3A_159 = arith.constant 0 : i32
        %dma_start3A_160 = tpu.memref_slice %arg9[%add3A_152, %dma_start3A_159] : memref<196x128xi32, #tpu.memory_space<vmem>> -> memref<1x128xi32, #tpu.memory_space<vmem>>
        %dma_start3A_161 = tpu.memref_squeeze %dma_start3A_160 : memref<1x128xi32, #tpu.memory_space<vmem>> -> memref<128xi32, #tpu.memory_space<vmem>>
        %dma_start3A_162 = arith.constant 0 : i32
        %dma_start3A_163 = arith.constant 0 : i32
        %dma_start3A_164 = tpu.memref_slice %arg3[%dma_start3A_162, %dma_start3A_163] : memref<50000x8xf32, #tpu.memory_space<hbm>> -> memref<50000x8xf32, #tpu.memory_space<hbm>>
        tpu.enqueue_indirect_dma source(%dma_start3A_164 : memref<50000x8xf32, #tpu.memory_space<hbm>>) target(%arg11 : memref<128x8xf32, #tpu.memory_space<vmem>>) offsets(%dma_start3A_161 : memref<128xi32, #tpu.memory_space<vmem>>) semaphore(%arg18 : memref<!tpu.dma_semaphore, #tpu.memory_space<semaphore_mem>>)
      } else {
      }
      %dma_wait3A_82 = arith.constant 0 : i32
      %dma_wait3A_83 = tpu.memref_slice %arg8[%add3A_74, %dma_wait3A_82] : memref<196x128xi32, #tpu.memory_space<vmem>> -> memref<1x128xi32, #tpu.memory_space<vmem>>
      %dma_wait3A_84 = tpu.memref_squeeze %dma_wait3A_83 : memref<1x128xi32, #tpu.memory_space<vmem>> -> memref<128xi32, #tpu.memory_space<vmem>>
      %dma_wait3A_85 = arith.constant 0 : i32
      %dma_wait3A_86 = arith.constant 0 : i32
      %dma_wait3A_87 = tpu.memref_slice %arg2[%dma_wait3A_85, %dma_wait3A_86] : memref<50000x32xf32, #tpu.memory_space<hbm>> -> memref<50000x32xf32, #tpu.memory_space<hbm>>
      tpu.wait_indirect_dma semaphore(%arg19 : memref<!tpu.dma_semaphore, #tpu.memory_space<semaphore_mem>>) src(%dma_wait3A_87 : memref<50000x32xf32, #tpu.memory_space<hbm>>) dst(%arg12 : memref<128x32xf32, #tpu.memory_space<vmem>>)
      %dma_wait3A_88 = arith.constant 0 : i32
      %dma_wait3A_89 = tpu.memref_slice %arg9[%add3A_74, %dma_wait3A_88] : memref<196x128xi32, #tpu.memory_space<vmem>> -> memref<1x128xi32, #tpu.memory_space<vmem>>
      %dma_wait3A_90 = tpu.memref_squeeze %dma_wait3A_89 : memref<1x128xi32, #tpu.memory_space<vmem>> -> memref<128xi32, #tpu.memory_space<vmem>>
      %dma_wait3A_91 = arith.constant 0 : i32
      %dma_wait3A_92 = arith.constant 0 : i32
      %dma_wait3A_93 = tpu.memref_slice %arg3[%dma_wait3A_91, %dma_wait3A_92] : memref<50000x8xf32, #tpu.memory_space<hbm>> -> memref<50000x8xf32, #tpu.memory_space<hbm>>
      tpu.wait_indirect_dma semaphore(%arg19 : memref<!tpu.dma_semaphore, #tpu.memory_space<semaphore_mem>>) src(%dma_wait3A_93 : memref<50000x8xf32, #tpu.memory_space<hbm>>) dst(%arg13 : memref<128x8xf32, #tpu.memory_space<vmem>>)
      %mul3A_94 = arith.constant 196 : i32
      %mul3A_95 = arith.muli %add3A, %mul3A_94 : i32
      %add3A_96 = arith.addi %mul3A_95, %add3A_74 : i32
      %mul3A_97 = arith.constant 128 : i32
      %mul3A_98 = arith.muli %add3A_96, %mul3A_97 : i32
      "tpu.region"() ({
        %run_scoped3A = tpu.sem_alloc : memref<!tpu.dma_semaphore, #tpu.memory_space<semaphore_mem>>
        %dma_start3A_151 = arith.constant 0 : i32
        %dma_start3A_152 = tpu.memref_slice %arg6[%mul3A_98, %dma_start3A_151] : memref<802816x32xf32, #tpu.memory_space<hbm>> -> memref<128x32xf32, #tpu.memory_space<hbm>>
        %dma_start3A_153 = arith.constant 0 : i32
        %dma_start3A_154 = tpu.memref_slice %arg6[%mul3A_98, %dma_start3A_153] : memref<802816x32xf32, #tpu.memory_space<hbm>> -> memref<128x32xf32, #tpu.memory_space<hbm>>
        tpu.enqueue_dma source(%arg12 : memref<128x32xf32, #tpu.memory_space<vmem>>) target(%dma_start3A_154 : memref<128x32xf32, #tpu.memory_space<hbm>>) target_semaphore(%run_scoped3A : memref<!tpu.dma_semaphore, #tpu.memory_space<semaphore_mem>>)
        %dma_wait3A_155 = arith.constant 0 : i32
        %dma_wait3A_156 = tpu.memref_slice %arg6[%mul3A_98, %dma_wait3A_155] : memref<802816x32xf32, #tpu.memory_space<hbm>> -> memref<128x32xf32, #tpu.memory_space<hbm>>
        %dma_wait3A_157 = arith.constant 0 : i32
        %dma_wait3A_158 = tpu.memref_slice %arg6[%mul3A_98, %dma_wait3A_157] : memref<802816x32xf32, #tpu.memory_space<hbm>> -> memref<128x32xf32, #tpu.memory_space<hbm>>
        tpu.wait_dma2 semaphore(%run_scoped3A : memref<!tpu.dma_semaphore, #tpu.memory_space<semaphore_mem>>) src(%arg12 : memref<128x32xf32, #tpu.memory_space<vmem>>) dst(%dma_wait3A_158 : memref<128x32xf32, #tpu.memory_space<hbm>>)
        tpu.yield
      }) : () -> ()
      "tpu.region"() ({
        %run_scoped3A = tpu.sem_alloc : memref<!tpu.dma_semaphore, #tpu.memory_space<semaphore_mem>>
        %dma_start3A_151 = arith.constant 0 : i32
        %dma_start3A_152 = tpu.memref_slice %arg7[%mul3A_98, %dma_start3A_151] : memref<802816x8xf32, #tpu.memory_space<hbm>> -> memref<128x8xf32, #tpu.memory_space<hbm>>
        %dma_start3A_153 = arith.constant 0 : i32
        %dma_start3A_154 = tpu.memref_slice %arg7[%mul3A_98, %dma_start3A_153] : memref<802816x8xf32, #tpu.memory_space<hbm>> -> memref<128x8xf32, #tpu.memory_space<hbm>>
        tpu.enqueue_dma source(%arg13 : memref<128x8xf32, #tpu.memory_space<vmem>>) target(%dma_start3A_154 : memref<128x8xf32, #tpu.memory_space<hbm>>) target_semaphore(%run_scoped3A : memref<!tpu.dma_semaphore, #tpu.memory_space<semaphore_mem>>)
        %dma_wait3A_155 = arith.constant 0 : i32
        %dma_wait3A_156 = tpu.memref_slice %arg7[%mul3A_98, %dma_wait3A_155] : memref<802816x8xf32, #tpu.memory_space<hbm>> -> memref<128x8xf32, #tpu.memory_space<hbm>>
        %dma_wait3A_157 = arith.constant 0 : i32
        %dma_wait3A_158 = tpu.memref_slice %arg7[%mul3A_98, %dma_wait3A_157] : memref<802816x8xf32, #tpu.memory_space<hbm>> -> memref<128x8xf32, #tpu.memory_space<hbm>>
        tpu.wait_dma2 semaphore(%run_scoped3A : memref<!tpu.dma_semaphore, #tpu.memory_space<semaphore_mem>>) src(%arg13 : memref<128x8xf32, #tpu.memory_space<vmem>>) dst(%dma_wait3A_158 : memref<128x8xf32, #tpu.memory_space<hbm>>)
        tpu.yield
      }) : () -> ()
      %add3A_99 = arith.constant 2 : i32
      %add3A_100 = arith.addi %add3A_50, %add3A_99 : i32
      %add3A_101 = arith.constant 3 : i32
      %add3A_102 = arith.addi %add3A_100, %add3A_101 : i32
      %lt3A_103 = arith.constant 196 : i32
      %lt3A_104 = arith.cmpi slt, %add3A_102, %lt3A_103 : i32
      %convert_element_type3A_105 = arith.extui %lt3A_104 : i1 to i32
      %cond3A_106 = arith.constant 0 : i32
      %cond3A_107 = arith.cmpi ne, %convert_element_type3A_105, %cond3A_106 : i32
      scf.if %cond3A_107 {
        %add3A_151 = arith.constant 3 : i32
        %add3A_152 = arith.addi %add3A_100, %add3A_151 : i32
        %dma_start3A_153 = arith.constant 0 : i32
        %dma_start3A_154 = tpu.memref_slice %arg8[%add3A_152, %dma_start3A_153] : memref<196x128xi32, #tpu.memory_space<vmem>> -> memref<1x128xi32, #tpu.memory_space<vmem>>
        %dma_start3A_155 = tpu.memref_squeeze %dma_start3A_154 : memref<1x128xi32, #tpu.memory_space<vmem>> -> memref<128xi32, #tpu.memory_space<vmem>>
        %dma_start3A_156 = arith.constant 0 : i32
        %dma_start3A_157 = arith.constant 0 : i32
        %dma_start3A_158 = tpu.memref_slice %arg2[%dma_start3A_156, %dma_start3A_157] : memref<50000x32xf32, #tpu.memory_space<hbm>> -> memref<50000x32xf32, #tpu.memory_space<hbm>>
        tpu.enqueue_indirect_dma source(%dma_start3A_158 : memref<50000x32xf32, #tpu.memory_space<hbm>>) target(%arg12 : memref<128x32xf32, #tpu.memory_space<vmem>>) offsets(%dma_start3A_155 : memref<128xi32, #tpu.memory_space<vmem>>) semaphore(%arg19 : memref<!tpu.dma_semaphore, #tpu.memory_space<semaphore_mem>>)
        %dma_start3A_159 = arith.constant 0 : i32
        %dma_start3A_160 = tpu.memref_slice %arg9[%add3A_152, %dma_start3A_159] : memref<196x128xi32, #tpu.memory_space<vmem>> -> memref<1x128xi32, #tpu.memory_space<vmem>>
        %dma_start3A_161 = tpu.memref_squeeze %dma_start3A_160 : memref<1x128xi32, #tpu.memory_space<vmem>> -> memref<128xi32, #tpu.memory_space<vmem>>
        %dma_start3A_162 = arith.constant 0 : i32
        %dma_start3A_163 = arith.constant 0 : i32
        %dma_start3A_164 = tpu.memref_slice %arg3[%dma_start3A_162, %dma_start3A_163] : memref<50000x8xf32, #tpu.memory_space<hbm>> -> memref<50000x8xf32, #tpu.memory_space<hbm>>
        tpu.enqueue_indirect_dma source(%dma_start3A_164 : memref<50000x8xf32, #tpu.memory_space<hbm>>) target(%arg13 : memref<128x8xf32, #tpu.memory_space<vmem>>) offsets(%dma_start3A_161 : memref<128xi32, #tpu.memory_space<vmem>>) semaphore(%arg19 : memref<!tpu.dma_semaphore, #tpu.memory_space<semaphore_mem>>)
      } else {
      }
      %dma_wait3A_108 = arith.constant 0 : i32
      %dma_wait3A_109 = tpu.memref_slice %arg8[%add3A_100, %dma_wait3A_108] : memref<196x128xi32, #tpu.memory_space<vmem>> -> memref<1x128xi32, #tpu.memory_space<vmem>>
      %dma_wait3A_110 = tpu.memref_squeeze %dma_wait3A_109 : memref<1x128xi32, #tpu.memory_space<vmem>> -> memref<128xi32, #tpu.memory_space<vmem>>
      %dma_wait3A_111 = arith.constant 0 : i32
      %dma_wait3A_112 = arith.constant 0 : i32
      %dma_wait3A_113 = tpu.memref_slice %arg2[%dma_wait3A_111, %dma_wait3A_112] : memref<50000x32xf32, #tpu.memory_space<hbm>> -> memref<50000x32xf32, #tpu.memory_space<hbm>>
      tpu.wait_indirect_dma semaphore(%arg20 : memref<!tpu.dma_semaphore, #tpu.memory_space<semaphore_mem>>) src(%dma_wait3A_113 : memref<50000x32xf32, #tpu.memory_space<hbm>>) dst(%arg14 : memref<128x32xf32, #tpu.memory_space<vmem>>)
      %dma_wait3A_114 = arith.constant 0 : i32
      %dma_wait3A_115 = tpu.memref_slice %arg9[%add3A_100, %dma_wait3A_114] : memref<196x128xi32, #tpu.memory_space<vmem>> -> memref<1x128xi32, #tpu.memory_space<vmem>>
      %dma_wait3A_116 = tpu.memref_squeeze %dma_wait3A_115 : memref<1x128xi32, #tpu.memory_space<vmem>> -> memref<128xi32, #tpu.memory_space<vmem>>
      %dma_wait3A_117 = arith.constant 0 : i32
      %dma_wait3A_118 = arith.constant 0 : i32
      %dma_wait3A_119 = tpu.memref_slice %arg3[%dma_wait3A_117, %dma_wait3A_118] : memref<50000x8xf32, #tpu.memory_space<hbm>> -> memref<50000x8xf32, #tpu.memory_space<hbm>>
      tpu.wait_indirect_dma semaphore(%arg20 : memref<!tpu.dma_semaphore, #tpu.memory_space<semaphore_mem>>) src(%dma_wait3A_119 : memref<50000x8xf32, #tpu.memory_space<hbm>>) dst(%arg15 : memref<128x8xf32, #tpu.memory_space<vmem>>)
      %mul3A_120 = arith.constant 196 : i32
      %mul3A_121 = arith.muli %add3A, %mul3A_120 : i32
      %add3A_122 = arith.addi %mul3A_121, %add3A_100 : i32
      %mul3A_123 = arith.constant 128 : i32
      %mul3A_124 = arith.muli %add3A_122, %mul3A_123 : i32
      "tpu.region"() ({
        %run_scoped3A = tpu.sem_alloc : memref<!tpu.dma_semaphore, #tpu.memory_space<semaphore_mem>>
        %dma_start3A_151 = arith.constant 0 : i32
        %dma_start3A_152 = tpu.memref_slice %arg6[%mul3A_124, %dma_start3A_151] : memref<802816x32xf32, #tpu.memory_space<hbm>> -> memref<128x32xf32, #tpu.memory_space<hbm>>
        %dma_start3A_153 = arith.constant 0 : i32
        %dma_start3A_154 = tpu.memref_slice %arg6[%mul3A_124, %dma_start3A_153] : memref<802816x32xf32, #tpu.memory_space<hbm>> -> memref<128x32xf32, #tpu.memory_space<hbm>>
        tpu.enqueue_dma source(%arg14 : memref<128x32xf32, #tpu.memory_space<vmem>>) target(%dma_start3A_154 : memref<128x32xf32, #tpu.memory_space<hbm>>) target_semaphore(%run_scoped3A : memref<!tpu.dma_semaphore, #tpu.memory_space<semaphore_mem>>)
        %dma_wait3A_155 = arith.constant 0 : i32
        %dma_wait3A_156 = tpu.memref_slice %arg6[%mul3A_124, %dma_wait3A_155] : memref<802816x32xf32, #tpu.memory_space<hbm>> -> memref<128x32xf32, #tpu.memory_space<hbm>>
        %dma_wait3A_157 = arith.constant 0 : i32
        %dma_wait3A_158 = tpu.memref_slice %arg6[%mul3A_124, %dma_wait3A_157] : memref<802816x32xf32, #tpu.memory_space<hbm>> -> memref<128x32xf32, #tpu.memory_space<hbm>>
        tpu.wait_dma2 semaphore(%run_scoped3A : memref<!tpu.dma_semaphore, #tpu.memory_space<semaphore_mem>>) src(%arg14 : memref<128x32xf32, #tpu.memory_space<vmem>>) dst(%dma_wait3A_158 : memref<128x32xf32, #tpu.memory_space<hbm>>)
        tpu.yield
      }) : () -> ()
      "tpu.region"() ({
        %run_scoped3A = tpu.sem_alloc : memref<!tpu.dma_semaphore, #tpu.memory_space<semaphore_mem>>
        %dma_start3A_151 = arith.constant 0 : i32
        %dma_start3A_152 = tpu.memref_slice %arg7[%mul3A_124, %dma_start3A_151] : memref<802816x8xf32, #tpu.memory_space<hbm>> -> memref<128x8xf32, #tpu.memory_space<hbm>>
        %dma_start3A_153 = arith.constant 0 : i32
        %dma_start3A_154 = tpu.memref_slice %arg7[%mul3A_124, %dma_start3A_153] : memref<802816x8xf32, #tpu.memory_space<hbm>> -> memref<128x8xf32, #tpu.memory_space<hbm>>
        tpu.enqueue_dma source(%arg15 : memref<128x8xf32, #tpu.memory_space<vmem>>) target(%dma_start3A_154 : memref<128x8xf32, #tpu.memory_space<hbm>>) target_semaphore(%run_scoped3A : memref<!tpu.dma_semaphore, #tpu.memory_space<semaphore_mem>>)
        %dma_wait3A_155 = arith.constant 0 : i32
        %dma_wait3A_156 = tpu.memref_slice %arg7[%mul3A_124, %dma_wait3A_155] : memref<802816x8xf32, #tpu.memory_space<hbm>> -> memref<128x8xf32, #tpu.memory_space<hbm>>
        %dma_wait3A_157 = arith.constant 0 : i32
        %dma_wait3A_158 = tpu.memref_slice %arg7[%mul3A_124, %dma_wait3A_157] : memref<802816x8xf32, #tpu.memory_space<hbm>> -> memref<128x8xf32, #tpu.memory_space<hbm>>
        tpu.wait_dma2 semaphore(%run_scoped3A : memref<!tpu.dma_semaphore, #tpu.memory_space<semaphore_mem>>) src(%arg15 : memref<128x8xf32, #tpu.memory_space<vmem>>) dst(%dma_wait3A_158 : memref<128x8xf32, #tpu.memory_space<hbm>>)
        tpu.yield
      }) : () -> ()
      %add3A_125 = arith.constant 3 : i32
      %add3A_126 = arith.addi %add3A_50, %add3A_125 : i32
      %add3A_127 = arith.constant 3 : i32
      %add3A_128 = arith.addi %add3A_126, %add3A_127 : i32
      %lt3A_129 = arith.constant 196 : i32
      %lt3A_130 = arith.cmpi slt, %add3A_128, %lt3A_129 : i32
      %convert_element_type3A_131 = arith.extui %lt3A_130 : i1 to i32
      %cond3A_132 = arith.constant 0 : i32
      %cond3A_133 = arith.cmpi ne, %convert_element_type3A_131, %cond3A_132 : i32
      scf.if %cond3A_133 {
        %add3A_151 = arith.constant 3 : i32
        %add3A_152 = arith.addi %add3A_126, %add3A_151 : i32
        %dma_start3A_153 = arith.constant 0 : i32
        %dma_start3A_154 = tpu.memref_slice %arg8[%add3A_152, %dma_start3A_153] : memref<196x128xi32, #tpu.memory_space<vmem>> -> memref<1x128xi32, #tpu.memory_space<vmem>>
        %dma_start3A_155 = tpu.memref_squeeze %dma_start3A_154 : memref<1x128xi32, #tpu.memory_space<vmem>> -> memref<128xi32, #tpu.memory_space<vmem>>
        %dma_start3A_156 = arith.constant 0 : i32
        %dma_start3A_157 = arith.constant 0 : i32
        %dma_start3A_158 = tpu.memref_slice %arg2[%dma_start3A_156, %dma_start3A_157] : memref<50000x32xf32, #tpu.memory_space<hbm>> -> memref<50000x32xf32, #tpu.memory_space<hbm>>
        tpu.enqueue_indirect_dma source(%dma_start3A_158 : memref<50000x32xf32, #tpu.memory_space<hbm>>) target(%arg14 : memref<128x32xf32, #tpu.memory_space<vmem>>) offsets(%dma_start3A_155 : memref<128xi32, #tpu.memory_space<vmem>>) semaphore(%arg20 : memref<!tpu.dma_semaphore, #tpu.memory_space<semaphore_mem>>)
        %dma_start3A_159 = arith.constant 0 : i32
        %dma_start3A_160 = tpu.memref_slice %arg9[%add3A_152, %dma_start3A_159] : memref<196x128xi32, #tpu.memory_space<vmem>> -> memref<1x128xi32, #tpu.memory_space<vmem>>
        %dma_start3A_161 = tpu.memref_squeeze %dma_start3A_160 : memref<1x128xi32, #tpu.memory_space<vmem>> -> memref<128xi32, #tpu.memory_space<vmem>>
        %dma_start3A_162 = arith.constant 0 : i32
        %dma_start3A_163 = arith.constant 0 : i32
        %dma_start3A_164 = tpu.memref_slice %arg3[%dma_start3A_162, %dma_start3A_163] : memref<50000x8xf32, #tpu.memory_space<hbm>> -> memref<50000x8xf32, #tpu.memory_space<hbm>>
        tpu.enqueue_indirect_dma source(%dma_start3A_164 : memref<50000x8xf32, #tpu.memory_space<hbm>>) target(%arg15 : memref<128x8xf32, #tpu.memory_space<vmem>>) offsets(%dma_start3A_161 : memref<128xi32, #tpu.memory_space<vmem>>) semaphore(%arg20 : memref<!tpu.dma_semaphore, #tpu.memory_space<semaphore_mem>>)
      } else {
      }
      %dma_wait3A_134 = arith.constant 0 : i32
      %dma_wait3A_135 = tpu.memref_slice %arg8[%add3A_126, %dma_wait3A_134] : memref<196x128xi32, #tpu.memory_space<vmem>> -> memref<1x128xi32, #tpu.memory_space<vmem>>
      %dma_wait3A_136 = tpu.memref_squeeze %dma_wait3A_135 : memref<1x128xi32, #tpu.memory_space<vmem>> -> memref<128xi32, #tpu.memory_space<vmem>>
      %dma_wait3A_137 = arith.constant 0 : i32
      %dma_wait3A_138 = arith.constant 0 : i32
      %dma_wait3A_139 = tpu.memref_slice %arg2[%dma_wait3A_137, %dma_wait3A_138] : memref<50000x32xf32, #tpu.memory_space<hbm>> -> memref<50000x32xf32, #tpu.memory_space<hbm>>
      tpu.wait_indirect_dma semaphore(%arg21 : memref<!tpu.dma_semaphore, #tpu.memory_space<semaphore_mem>>) src(%dma_wait3A_139 : memref<50000x32xf32, #tpu.memory_space<hbm>>) dst(%arg16 : memref<128x32xf32, #tpu.memory_space<vmem>>)
      %dma_wait3A_140 = arith.constant 0 : i32
      %dma_wait3A_141 = tpu.memref_slice %arg9[%add3A_126, %dma_wait3A_140] : memref<196x128xi32, #tpu.memory_space<vmem>> -> memref<1x128xi32, #tpu.memory_space<vmem>>
      %dma_wait3A_142 = tpu.memref_squeeze %dma_wait3A_141 : memref<1x128xi32, #tpu.memory_space<vmem>> -> memref<128xi32, #tpu.memory_space<vmem>>
      %dma_wait3A_143 = arith.constant 0 : i32
      %dma_wait3A_144 = arith.constant 0 : i32
      %dma_wait3A_145 = tpu.memref_slice %arg3[%dma_wait3A_143, %dma_wait3A_144] : memref<50000x8xf32, #tpu.memory_space<hbm>> -> memref<50000x8xf32, #tpu.memory_space<hbm>>
      tpu.wait_indirect_dma semaphore(%arg21 : memref<!tpu.dma_semaphore, #tpu.memory_space<semaphore_mem>>) src(%dma_wait3A_145 : memref<50000x8xf32, #tpu.memory_space<hbm>>) dst(%arg17 : memref<128x8xf32, #tpu.memory_space<vmem>>)
      %mul3A_146 = arith.constant 196 : i32
      %mul3A_147 = arith.muli %add3A, %mul3A_146 : i32
      %add3A_148 = arith.addi %mul3A_147, %add3A_126 : i32
      %mul3A_149 = arith.constant 128 : i32
      %mul3A_150 = arith.muli %add3A_148, %mul3A_149 : i32
      "tpu.region"() ({
        %run_scoped3A = tpu.sem_alloc : memref<!tpu.dma_semaphore, #tpu.memory_space<semaphore_mem>>
        %dma_start3A_151 = arith.constant 0 : i32
        %dma_start3A_152 = tpu.memref_slice %arg6[%mul3A_150, %dma_start3A_151] : memref<802816x32xf32, #tpu.memory_space<hbm>> -> memref<128x32xf32, #tpu.memory_space<hbm>>
        %dma_start3A_153 = arith.constant 0 : i32
        %dma_start3A_154 = tpu.memref_slice %arg6[%mul3A_150, %dma_start3A_153] : memref<802816x32xf32, #tpu.memory_space<hbm>> -> memref<128x32xf32, #tpu.memory_space<hbm>>
        tpu.enqueue_dma source(%arg16 : memref<128x32xf32, #tpu.memory_space<vmem>>) target(%dma_start3A_154 : memref<128x32xf32, #tpu.memory_space<hbm>>) target_semaphore(%run_scoped3A : memref<!tpu.dma_semaphore, #tpu.memory_space<semaphore_mem>>)
        %dma_wait3A_155 = arith.constant 0 : i32
        %dma_wait3A_156 = tpu.memref_slice %arg6[%mul3A_150, %dma_wait3A_155] : memref<802816x32xf32, #tpu.memory_space<hbm>> -> memref<128x32xf32, #tpu.memory_space<hbm>>
        %dma_wait3A_157 = arith.constant 0 : i32
        %dma_wait3A_158 = tpu.memref_slice %arg6[%mul3A_150, %dma_wait3A_157] : memref<802816x32xf32, #tpu.memory_space<hbm>> -> memref<128x32xf32, #tpu.memory_space<hbm>>
        tpu.wait_dma2 semaphore(%run_scoped3A : memref<!tpu.dma_semaphore, #tpu.memory_space<semaphore_mem>>) src(%arg16 : memref<128x32xf32, #tpu.memory_space<vmem>>) dst(%dma_wait3A_158 : memref<128x32xf32, #tpu.memory_space<hbm>>)
        tpu.yield
      }) : () -> ()
      "tpu.region"() ({
        %run_scoped3A = tpu.sem_alloc : memref<!tpu.dma_semaphore, #tpu.memory_space<semaphore_mem>>
        %dma_start3A_151 = arith.constant 0 : i32
        %dma_start3A_152 = tpu.memref_slice %arg7[%mul3A_150, %dma_start3A_151] : memref<802816x8xf32, #tpu.memory_space<hbm>> -> memref<128x8xf32, #tpu.memory_space<hbm>>
        %dma_start3A_153 = arith.constant 0 : i32
        %dma_start3A_154 = tpu.memref_slice %arg7[%mul3A_150, %dma_start3A_153] : memref<802816x8xf32, #tpu.memory_space<hbm>> -> memref<128x8xf32, #tpu.memory_space<hbm>>
        tpu.enqueue_dma source(%arg17 : memref<128x8xf32, #tpu.memory_space<vmem>>) target(%dma_start3A_154 : memref<128x8xf32, #tpu.memory_space<hbm>>) target_semaphore(%run_scoped3A : memref<!tpu.dma_semaphore, #tpu.memory_space<semaphore_mem>>)
        %dma_wait3A_155 = arith.constant 0 : i32
        %dma_wait3A_156 = tpu.memref_slice %arg7[%mul3A_150, %dma_wait3A_155] : memref<802816x8xf32, #tpu.memory_space<hbm>> -> memref<128x8xf32, #tpu.memory_space<hbm>>
        %dma_wait3A_157 = arith.constant 0 : i32
        %dma_wait3A_158 = tpu.memref_slice %arg7[%mul3A_150, %dma_wait3A_157] : memref<802816x8xf32, #tpu.memory_space<hbm>> -> memref<128x8xf32, #tpu.memory_space<hbm>>
        tpu.wait_dma2 semaphore(%run_scoped3A : memref<!tpu.dma_semaphore, #tpu.memory_space<semaphore_mem>>) src(%arg17 : memref<128x8xf32, #tpu.memory_space<vmem>>) dst(%dma_wait3A_158 : memref<128x8xf32, #tpu.memory_space<hbm>>)
        tpu.yield
      }) : () -> ()
    }
    %scan3A_45 = arith.constant 49 : i32
    return
  }
}

module attributes {stable_mosaic.version = 14 : i64} {
  func.func @_stats_body(%arg0: i32, %arg1: memref<2000x1xf32, #tpu.memory_space<vmem>>, %arg2: memref<1x1xf32, #tpu.memory_space<vmem>>, %arg3: memref<1x1xf32, #tpu.memory_space<vmem>>) attributes {dimension_semantics = [#tpu.dimension_semantics<arbitrary>], iteration_bounds = array<i64: 25>, scalar_prefetch = 0 : i64, scratch_operands = 0 : i64, tpu.core_type = #tpu.core_type<tc>, window_params = [{transform_indices = @transform_0, window_bounds = array<i64: 2000, 1>}, {pipeline_mode = #tpu.pipeline_mode<synchronous>, transform_indices = @transform_1, window_bounds = array<i64: 1, 1>}, {pipeline_mode = #tpu.pipeline_mode<synchronous>, transform_indices = @transform_2, window_bounds = array<i64: 1, 1>}]} {
    %eq3A = arith.constant 0 : i32
    %eq3A_0 = arith.cmpi eq, %arg0, %eq3A : i32
    %convert_element_type3A = arith.extui %eq3A_0 : i1 to i32
    %cond3A = arith.constant 0 : i32
    %cond3A_1 = arith.cmpi ne, %convert_element_type3A, %cond3A : i32
    scf.if %cond3A_1 {
      %broadcast_in_dim3A_20 = arith.constant 0.000000e+00 : f32
      %broadcast_in_dim3A_21 = vector.broadcast %broadcast_in_dim3A_20 : f32 to vector<1x1xf32>
      %swap3A_22 = arith.constant 0 : index
      %swap3A_23 = arith.constant 0 : index
      %swap3A_24 = vector.load %arg2[%swap3A_22, %swap3A_23] : memref<1x1xf32, #tpu.memory_space<vmem>>, vector<1x1xf32>
      tpu.vector_store %arg2[%swap3A_22, %swap3A_23], %broadcast_in_dim3A_21 {strides = array<i32>} : memref<1x1xf32, #tpu.memory_space<vmem>>, vector<1x1xf32>,
      %broadcast_in_dim3A_25 = arith.constant 0.000000e+00 : f32
      %broadcast_in_dim3A_26 = vector.broadcast %broadcast_in_dim3A_25 : f32 to vector<1x1xf32>
      %swap3A_27 = arith.constant 0 : index
      %swap3A_28 = arith.constant 0 : index
      %swap3A_29 = vector.load %arg3[%swap3A_27, %swap3A_28] : memref<1x1xf32, #tpu.memory_space<vmem>>, vector<1x1xf32>
      tpu.vector_store %arg3[%swap3A_27, %swap3A_28], %broadcast_in_dim3A_26 {strides = array<i32>} : memref<1x1xf32, #tpu.memory_space<vmem>>, vector<1x1xf32>,
    } else {
    }
    %get3A = arith.constant 0 : index
    %get3A_2 = arith.constant 0 : index
    %get3A_3 = vector.load %arg1[%get3A, %get3A_2] : memref<2000x1xf32, #tpu.memory_space<vmem>>, vector<2000x1xf32>
    %get3A_4 = arith.constant 0 : index
    %get3A_5 = arith.constant 0 : index
    %get3A_6 = vector.load %arg2[%get3A_4, %get3A_5] : memref<1x1xf32, #tpu.memory_space<vmem>>, vector<1x1xf32>
    %reduce_sum3A = arith.constant dense<0.000000e+00> : vector<1xf32>
    %reduce_sum3A_7 = vector.multi_reduction <add>, %get3A_3, %reduce_sum3A [0] : vector<2000x1xf32> to vector<1xf32>
    %broadcast_in_dim3A = vector.shape_cast %reduce_sum3A_7 : vector<1xf32> to vector<1x1xf32>
    %add3A = arith.addf %get3A_6, %broadcast_in_dim3A : vector<1x1xf32>
    %swap3A = arith.constant 0 : index
    %swap3A_8 = arith.constant 0 : index
    %swap3A_9 = vector.load %arg2[%swap3A, %swap3A_8] : memref<1x1xf32, #tpu.memory_space<vmem>>, vector<1x1xf32>
    tpu.vector_store %arg2[%swap3A, %swap3A_8], %add3A {strides = array<i32>} : memref<1x1xf32, #tpu.memory_space<vmem>>, vector<1x1xf32>,
    %get3A_10 = arith.constant 0 : index
    %get3A_11 = arith.constant 0 : index
    %get3A_12 = vector.load %arg3[%get3A_10, %get3A_11] : memref<1x1xf32, #tpu.memory_space<vmem>>, vector<1x1xf32>
    %mul3A = arith.mulf %get3A_3, %get3A_3 : vector<2000x1xf32>
    %reduce_sum3A_13 = arith.constant dense<0.000000e+00> : vector<1xf32>
    %reduce_sum3A_14 = vector.multi_reduction <add>, %mul3A, %reduce_sum3A_13 [0] : vector<2000x1xf32> to vector<1xf32>
    %broadcast_in_dim3A_15 = vector.shape_cast %reduce_sum3A_14 : vector<1xf32> to vector<1x1xf32>
    %add3A_16 = arith.addf %get3A_12, %broadcast_in_dim3A_15 : vector<1x1xf32>
    %swap3A_17 = arith.constant 0 : index
    %swap3A_18 = arith.constant 0 : index
    %swap3A_19 = vector.load %arg3[%swap3A_17, %swap3A_18] : memref<1x1xf32, #tpu.memory_space<vmem>>, vector<1x1xf32>
    tpu.vector_store %arg3[%swap3A_17, %swap3A_18], %add3A_16 {strides = array<i32>} : memref<1x1xf32, #tpu.memory_space<vmem>>, vector<1x1xf32>,
    return
  }
  func.func @transform_0(%arg0: i32) -> (i32, i32) {
    %c0_i32 = arith.constant 0 : i32
    %c0_i32_0 = arith.constant 0 : i32
    return %arg0, %c0_i32 : i32, i32
  }
  func.func @transform_1(%arg0: i32) -> (i32, i32) {
    %c0_i32 = arith.constant 0 : i32
    %c0_i32_0 = arith.constant 0 : i32
    %c0_i32_1 = arith.constant 0 : i32
    return %c0_i32, %c0_i32_0 : i32, i32
  }
  func.func @transform_2(%arg0: i32) -> (i32, i32) {
    %c0_i32 = arith.constant 0 : i32
    %c0_i32_0 = arith.constant 0 : i32
    %c0_i32_1 = arith.constant 0 : i32
    return %c0_i32, %c0_i32_0 : i32, i32
  }
}

module attributes {stable_mosaic.version = 14 : i64} {
  func.func @_pre0_body(%arg0: i32, %arg1: memref<2000x1xf32, #tpu.memory_space<vmem>>, %arg2: memref<2xf32, #tpu.memory_space<smem>>, %arg3: memref<1x18xf32, #tpu.memory_space<vmem>>, %arg4: memref<1x18xf32, #tpu.memory_space<vmem>>, %arg5: memref<18x14xf32, #tpu.memory_space<vmem>>, %arg6: memref<18x8xf32, #tpu.memory_space<vmem>>, %arg7: memref<2000x1xf32, #tpu.memory_space<vmem>>, %arg8: memref<2000x32xf32, #tpu.memory_space<vmem>>, %arg9: memref<2000x8xf32, #tpu.memory_space<vmem>>) attributes {dimension_semantics = [#tpu.dimension_semantics<arbitrary>], iteration_bounds = array<i64: 25>, scalar_prefetch = 0 : i64, scratch_operands = 0 : i64, tpu.core_type = #tpu.core_type<tc>, window_params = [{transform_indices = @transform_0, window_bounds = array<i64: 2000, 1>}, {transform_indices = @transform_1, window_bounds = array<i64: 2>}, {pipeline_mode = #tpu.pipeline_mode<synchronous>, transform_indices = @transform_2, window_bounds = array<i64: 1, 18>}, {pipeline_mode = #tpu.pipeline_mode<synchronous>, transform_indices = @transform_3, window_bounds = array<i64: 1, 18>}, {pipeline_mode = #tpu.pipeline_mode<synchronous>, transform_indices = @transform_4, window_bounds = array<i64: 18, 14>}, {pipeline_mode = #tpu.pipeline_mode<synchronous>, transform_indices = @transform_5, window_bounds = array<i64: 18, 8>}, {transform_indices = @transform_6, window_bounds = array<i64: 2000, 1>}, {transform_indices = @transform_7, window_bounds = array<i64: 2000, 32>}, {transform_indices = @transform_8, window_bounds = array<i64: 2000, 8>}]} {
    %get3A = arith.constant 0 : index
    %get3A_0 = arith.constant 0 : index
    %get3A_1 = vector.load %arg1[%get3A, %get3A_0] : memref<2000x1xf32, #tpu.memory_space<vmem>>, vector<2000x1xf32>
    %get3A_2 = arith.constant 0 : index
    %get3A_3 = memref.load %arg2[%get3A_2] : memref<2xf32, #tpu.memory_space<smem>>
    %mul3A = vector.broadcast %get3A_3 : f32 to vector<2000x1xf32>
    %mul3A_4 = arith.mulf %get3A_1, %mul3A : vector<2000x1xf32>
    %get3A_5 = arith.constant 1 : index
    %get3A_6 = memref.load %arg2[%get3A_5] : memref<2xf32, #tpu.memory_space<smem>>
    %add3A = vector.broadcast %get3A_6 : f32 to vector<2000x1xf32>
    %add3A_7 = arith.addf %mul3A_4, %add3A : vector<2000x1xf32>
    %swap3A = arith.constant 0 : index
    %swap3A_8 = arith.constant 0 : index
    %swap3A_9 = vector.load %arg7[%swap3A, %swap3A_8] : memref<2000x1xf32, #tpu.memory_space<vmem>>, vector<2000x1xf32>
    tpu.vector_store %arg7[%swap3A, %swap3A_8], %add3A_7 {strides = array<i32>} : memref<2000x1xf32, #tpu.memory_space<vmem>>, vector<2000x1xf32>,
    %get3A_10 = arith.constant 0 : index
    %get3A_11 = arith.constant 0 : index
    %get3A_12 = vector.load %arg3[%get3A_10, %get3A_11] : memref<1x18xf32, #tpu.memory_space<vmem>>, vector<1x18xf32>
    %mul3A_13 = vector.broadcast %add3A_7 : vector<2000x1xf32> to vector<2000x18xf32>
    %mul3A_14 = vector.broadcast %get3A_12 : vector<1x18xf32> to vector<2000x18xf32>
    %mul3A_15 = arith.mulf %mul3A_13, %mul3A_14 : vector<2000x18xf32>
    %get3A_16 = arith.constant 0 : index
    %get3A_17 = arith.constant 0 : index
    %get3A_18 = vector.load %arg4[%get3A_16, %get3A_17] : memref<1x18xf32, #tpu.memory_space<vmem>>, vector<1x18xf32>
    %add3A_19 = vector.broadcast %get3A_18 : vector<1x18xf32> to vector<2000x18xf32>
    %add3A_20 = arith.addf %mul3A_15, %add3A_19 : vector<2000x18xf32>
    %convert_element_type3A = arith.truncf %add3A_20 : vector<2000x18xf32> to vector<2000x18xbf16>
    %convert_element_type3A_21 = arith.extf %convert_element_type3A : vector<2000x18xbf16> to vector<2000x18xf32>
    %get3A_22 = arith.constant 0 : index
    %get3A_23 = arith.constant 0 : index
    %get3A_24 = vector.load %arg5[%get3A_22, %get3A_23] : memref<18x14xf32, #tpu.memory_space<vmem>>, vector<18x14xf32>
    %dot_general3A = arith.constant dense<0.000000e+00> : vector<2000x14xf32>
    %dot_general3A_25 = tpu.matmul %convert_element_type3A_21, %get3A_24, %dot_general3A {dimension_numbers = #tpu.dot_dimension_numbers<[1], [0], [0], [1], [0, 0, 1, 1], [], []>, transpose_lhs_hint = false} : vector<2000x18xf32>, vector<18x14xf32>, vector<2000x14xf32> -> vector<2000x14xf32>
    %concatenate3A = tpu.concatenate %add3A_20, %dot_general3A_25 in 1 : vector<2000x18xf32>, vector<2000x14xf32> -> vector<2000x32xf32>
    %swap3A_26 = arith.constant 0 : index
    %swap3A_27 = arith.constant 0 : index
    %swap3A_28 = vector.load %arg8[%swap3A_26, %swap3A_27] : memref<2000x32xf32, #tpu.memory_space<vmem>>, vector<2000x32xf32>
    tpu.vector_store %arg8[%swap3A_26, %swap3A_27], %concatenate3A {strides = array<i32>} : memref<2000x32xf32, #tpu.memory_space<vmem>>, vector<2000x32xf32>,
    %get3A_29 = arith.constant 0 : index
    %get3A_30 = arith.constant 0 : index
    %get3A_31 = vector.load %arg6[%get3A_29, %get3A_30] : memref<18x8xf32, #tpu.memory_space<vmem>>, vector<18x8xf32>
    %dot_general3A_32 = arith.constant dense<0.000000e+00> : vector<2000x8xf32>
    %dot_general3A_33 = tpu.matmul %convert_element_type3A_21, %get3A_31, %dot_general3A_32 {dimension_numbers = #tpu.dot_dimension_numbers<[1], [0], [0], [1], [0, 0, 1, 1], [], []>, transpose_lhs_hint = false} : vector<2000x18xf32>, vector<18x8xf32>, vector<2000x8xf32> -> vector<2000x8xf32>
    %swap3A_34 = arith.constant 0 : index
    %swap3A_35 = arith.constant 0 : index
    %swap3A_36 = vector.load %arg9[%swap3A_34, %swap3A_35] : memref<2000x8xf32, #tpu.memory_space<vmem>>, vector<2000x8xf32>
    tpu.vector_store %arg9[%swap3A_34, %swap3A_35], %dot_general3A_33 {strides = array<i32>} : memref<2000x8xf32, #tpu.memory_space<vmem>>, vector<2000x8xf32>,
    return
  }
  func.func @transform_0(%arg0: i32) -> (i32, i32) {
    %c0_i32 = arith.constant 0 : i32
    %c0_i32_0 = arith.constant 0 : i32
    return %arg0, %c0_i32 : i32, i32
  }
  func.func @transform_1(%arg0: i32) -> i32 {
    %c0_i32 = arith.constant 0 : i32
    %c0_i32_0 = arith.constant 0 : i32
    return %c0_i32 : i32
  }
  func.func @transform_2(%arg0: i32) -> (i32, i32) {
    %c0_i32 = arith.constant 0 : i32
    %c0_i32_0 = arith.constant 0 : i32
    %c0_i32_1 = arith.constant 0 : i32
    return %c0_i32, %c0_i32_0 : i32, i32
  }
  func.func @transform_3(%arg0: i32) -> (i32, i32) {
    %c0_i32 = arith.constant 0 : i32
    %c0_i32_0 = arith.constant 0 : i32
    %c0_i32_1 = arith.constant 0 : i32
    return %c0_i32, %c0_i32_0 : i32, i32
  }
  func.func @transform_4(%arg0: i32) -> (i32, i32) {
    %c0_i32 = arith.constant 0 : i32
    %c0_i32_0 = arith.constant 0 : i32
    %c0_i32_1 = arith.constant 0 : i32
    return %c0_i32, %c0_i32_0 : i32, i32
  }
  func.func @transform_5(%arg0: i32) -> (i32, i32) {
    %c0_i32 = arith.constant 0 : i32
    %c0_i32_0 = arith.constant 0 : i32
    %c0_i32_1 = arith.constant 0 : i32
    return %c0_i32, %c0_i32_0 : i32, i32
  }
  func.func @transform_6(%arg0: i32) -> (i32, i32) {
    %c0_i32 = arith.constant 0 : i32
    %c0_i32_0 = arith.constant 0 : i32
    return %arg0, %c0_i32 : i32, i32
  }
  func.func @transform_7(%arg0: i32) -> (i32, i32) {
    %c0_i32 = arith.constant 0 : i32
    %c0_i32_0 = arith.constant 0 : i32
    return %arg0, %c0_i32 : i32, i32
  }
  func.func @transform_8(%arg0: i32) -> (i32, i32) {
    %c0_i32 = arith.constant 0 : i32
    %c0_i32_0 = arith.constant 0 : i32
    return %arg0, %c0_i32 : i32, i32
  }
}

module attributes {stable_mosaic.version = 14 : i64} {
  func.func @_lambda_(%arg0: i32, %arg1: memref<400x16x32xf32, #tpu.memory_space<vmem>>, %arg2: memref<400x16x8xf32, #tpu.memory_space<vmem>>, %arg3: memref<400x16xf32, #tpu.memory_space<vmem>>, %arg4: memref<400x16xf32, #tpu.memory_space<vmem>>, %arg5: memref<3x32xf32, #tpu.memory_space<vmem>>, %arg6: memref<3xf32, #tpu.memory_space<smem>>, %arg7: memref<400x18xf32, #tpu.memory_space<vmem>>, %arg8: memref<1x18xf32, #tpu.memory_space<vmem>>, %arg9: memref<1x18xf32, #tpu.memory_space<vmem>>) attributes {dimension_semantics = [#tpu.dimension_semantics<arbitrary>], iteration_bounds = array<i64: 125>, scalar_prefetch = 0 : i64, scratch_operands = 0 : i64, tpu.core_type = #tpu.core_type<tc>, window_params = [{transform_indices = @transform_0, window_bounds = array<i64: 400, 16, 32>}, {transform_indices = @transform_1, window_bounds = array<i64: 400, 16, 8>}, {transform_indices = @transform_2, window_bounds = array<i64: 400, 16>}, {transform_indices = @transform_3, window_bounds = array<i64: 400, 16>}, {pipeline_mode = #tpu.pipeline_mode<synchronous>, transform_indices = @transform_4, window_bounds = array<i64: 3, 32>}, {transform_indices = @transform_5, window_bounds = array<i64: 3>}, {transform_indices = @transform_6, window_bounds = array<i64: 400, 18>}, {pipeline_mode = #tpu.pipeline_mode<synchronous>, transform_indices = @transform_7, window_bounds = array<i64: 1, 18>}, {pipeline_mode = #tpu.pipeline_mode<synchronous>, transform_indices = @transform_8, window_bounds = array<i64: 1, 18>}]} {
    %get3A = arith.constant 0 : index
    %get3A_0 = arith.constant 0 : index
    %get3A_1 = arith.constant 0 : index
    %get3A_2 = vector.load %arg1[%get3A, %get3A_0, %get3A_1] : memref<400x16x32xf32, #tpu.memory_space<vmem>>, vector<400x16x32xf32>
    %slice3A = vector.extract_strided_slice %get3A_2 {offsets = [0, 0, 18], sizes = [400, 16, 3], strides = [1, 1, 1]} : vector<400x16x32xf32> to vector<400x16x3xf32>
    %get3A_3 = arith.constant 0 : index
    %get3A_4 = arith.constant 0 : index
    %get3A_5 = arith.constant 0 : index
    %get3A_6 = vector.load %arg2[%get3A_3, %get3A_4, %get3A_5] : memref<400x16x8xf32, #tpu.memory_space<vmem>>, vector<400x16x8xf32>
    %slice3A_7 = vector.extract_strided_slice %get3A_6 {offsets = [0, 0, 0], sizes = [400, 16, 3], strides = [1, 1, 1]} : vector<400x16x8xf32> to vector<400x16x3xf32>
    %add3A = arith.addf %slice3A, %slice3A_7 : vector<400x16x3xf32>
    %get3A_8 = arith.constant 0 : index
    %get3A_9 = memref.load %arg6[%get3A_8] : memref<3xf32, #tpu.memory_space<smem>>
    %add3A_10 = vector.broadcast %get3A_9 : f32 to vector<400x16x3xf32>
    %add3A_11 = arith.addf %add3A, %add3A_10 : vector<400x16x3xf32>
    %get3A_12 = arith.constant 0 : index
    %get3A_13 = arith.constant 0 : index
    %get3A_14 = vector.load %arg3[%get3A_12, %get3A_13] : memref<400x16xf32, #tpu.memory_space<vmem>>, vector<400x16xf32>
    %convert_element_type3A = arith.truncf %get3A_14 : vector<400x16xf32> to vector<400x16xbf16>
    %convert_element_type3A_15 = arith.extf %convert_element_type3A : vector<400x16xbf16> to vector<400x16xf32>
    %get3A_16 = arith.constant 1 : index
    %get3A_17 = memref.load %arg6[%get3A_16] : memref<3xf32, #tpu.memory_space<smem>>
    %mul3A = vector.broadcast %get3A_17 : f32 to vector<400x16xf32>
    %mul3A_18 = arith.mulf %convert_element_type3A_15, %mul3A : vector<400x16xf32>
    %get3A_19 = arith.constant 0 : index
    %get3A_20 = arith.constant 0 : index
    %get3A_21 = vector.load %arg4[%get3A_19, %get3A_20] : memref<400x16xf32, #tpu.memory_space<vmem>>, vector<400x16xf32>
    %convert_element_type3A_22 = arith.truncf %get3A_21 : vector<400x16xf32> to vector<400x16xbf16>
    %convert_element_type3A_23 = arith.extf %convert_element_type3A_22 : vector<400x16xbf16> to vector<400x16xf32>
    %get3A_24 = arith.constant 2 : index
    %get3A_25 = memref.load %arg6[%get3A_24] : memref<3xf32, #tpu.memory_space<smem>>
    %mul3A_26 = vector.broadcast %get3A_25 : f32 to vector<400x16xf32>
    %mul3A_27 = arith.mulf %convert_element_type3A_23, %mul3A_26 : vector<400x16xf32>
    %add3A_28 = arith.addf %mul3A_18, %mul3A_27 : vector<400x16xf32>
    %broadcast_in_dim3A = vector.shape_cast %add3A_28 : vector<400x16xf32> to vector<400x16x1xf32>
    %add3A_29 = vector.broadcast %broadcast_in_dim3A : vector<400x16x1xf32> to vector<400x16x3xf32>
    %add3A_30 = arith.addf %add3A_11, %add3A_29 : vector<400x16x3xf32>
    %reduce_max3A = arith.constant dense<0xFF800000> : vector<400x3xf32>
    %reduce_max3A_31 = vector.multi_reduction <maximumf>, %add3A_30, %reduce_max3A [1] : vector<400x16x3xf32> to vector<400x3xf32>
    %broadcast_in_dim3A_32 = vector.shape_cast %reduce_max3A_31 : vector<400x3xf32> to vector<400x1x3xf32>
    %sub3A = vector.broadcast %broadcast_in_dim3A_32 : vector<400x1x3xf32> to vector<400x16x3xf32>
    %sub3A_33 = arith.subf %add3A_30, %sub3A : vector<400x16x3xf32>
    %exp3A = math.exp %sub3A_33 : vector<400x16x3xf32>
    %reduce_sum3A = arith.constant dense<0.000000e+00> : vector<400x3xf32>
    %reduce_sum3A_34 = vector.multi_reduction <add>, %exp3A, %reduce_sum3A [1] : vector<400x16x3xf32> to vector<400x3xf32>
    %broadcast_in_dim3A_35 = vector.shape_cast %reduce_sum3A_34 : vector<400x3xf32> to vector<400x1x3xf32>
    %div3A = vector.broadcast %broadcast_in_dim3A_35 : vector<400x1x3xf32> to vector<400x16x3xf32>
    %div3A_36 = arith.divf %exp3A, %div3A : vector<400x16x3xf32>
    %get3A_37 = arith.constant 0 : index
    %get3A_38 = arith.constant 0 : index
    %get3A_39 = vector.load %arg5[%get3A_37, %get3A_38] : memref<3x32xf32, #tpu.memory_space<vmem>>, vector<3x32xf32>
    %dot_general3A = arith.constant dense<0.000000e+00> : vector<400x16x32xf32>
    %dot_general3A_40 = tpu.matmul %div3A_36, %get3A_39, %dot_general3A {dimension_numbers = #tpu.dot_dimension_numbers<[2], [0], [0, 1], [1], [0, 0, 0, 1, 1, 1], [], []>, precision = #tpu.contract_precision<fp32>, transpose_lhs_hint = false} : vector<400x16x3xf32>, vector<3x32xf32>, vector<400x16x32xf32> -> vector<400x16x32xf32>
    %mul3A_41 = arith.mulf %dot_general3A_40, %get3A_2 : vector<400x16x32xf32>
    %reduce_sum3A_42 = arith.constant dense<0.000000e+00> : vector<400x32xf32>
    %reduce_sum3A_43 = vector.multi_reduction <add>, %mul3A_41, %reduce_sum3A_42 [1] : vector<400x16x32xf32> to vector<400x32xf32>
    %slice3A_44 = vector.extract_strided_slice %reduce_sum3A_43 {offsets = [0, 0], sizes = [400, 18], strides = [1, 1]} : vector<400x32xf32> to vector<400x18xf32>
    %mul3A_45 = arith.constant 6.250000e-02 : f32
    %mul3A_46 = vector.broadcast %mul3A_45 : f32 to vector<400x18xf32>
    %mul3A_47 = arith.mulf %slice3A_44, %mul3A_46 : vector<400x18xf32>
    %swap3A = arith.constant 0 : index
    %swap3A_48 = arith.constant 0 : index
    %swap3A_49 = vector.load %arg7[%swap3A, %swap3A_48] : memref<400x18xf32, #tpu.memory_space<vmem>>, vector<400x18xf32>
    tpu.vector_store %arg7[%swap3A, %swap3A_48], %mul3A_47 {strides = array<i32>} : memref<400x18xf32, #tpu.memory_space<vmem>>, vector<400x18xf32>,
    %eq3A = arith.constant 0 : i32
    %eq3A_50 = arith.cmpi eq, %arg0, %eq3A : i32
    %convert_element_type3A_51 = arith.extui %eq3A_50 : i1 to i32
    %cond3A = arith.constant 0 : i32
    %cond3A_52 = arith.cmpi ne, %convert_element_type3A_51, %cond3A : i32
    scf.if %cond3A_52 {
      %broadcast_in_dim3A_74 = arith.constant 0.000000e+00 : f32
      %broadcast_in_dim3A_75 = vector.broadcast %broadcast_in_dim3A_74 : f32 to vector<1x18xf32>
      %swap3A_76 = arith.constant 0 : index
      %swap3A_77 = arith.constant 0 : index
      %swap3A_78 = vector.load %arg8[%swap3A_76, %swap3A_77] : memref<1x18xf32, #tpu.memory_space<vmem>>, vector<1x18xf32>
      tpu.vector_store %arg8[%swap3A_76, %swap3A_77], %broadcast_in_dim3A_75 {strides = array<i32>} : memref<1x18xf32, #tpu.memory_space<vmem>>, vector<1x18xf32>,
      %broadcast_in_dim3A_79 = arith.constant 0.000000e+00 : f32
      %broadcast_in_dim3A_80 = vector.broadcast %broadcast_in_dim3A_79 : f32 to vector<1x18xf32>
      %swap3A_81 = arith.constant 0 : index
      %swap3A_82 = arith.constant 0 : index
      %swap3A_83 = vector.load %arg9[%swap3A_81, %swap3A_82] : memref<1x18xf32, #tpu.memory_space<vmem>>, vector<1x18xf32>
      tpu.vector_store %arg9[%swap3A_81, %swap3A_82], %broadcast_in_dim3A_80 {strides = array<i32>} : memref<1x18xf32, #tpu.memory_space<vmem>>, vector<1x18xf32>,
    } else {
    }
    %get3A_53 = arith.constant 0 : index
    %get3A_54 = arith.constant 0 : index
    %get3A_55 = vector.load %arg8[%get3A_53, %get3A_54] : memref<1x18xf32, #tpu.memory_space<vmem>>, vector<1x18xf32>
    %reduce_sum3A_56 = arith.constant dense<0.000000e+00> : vector<18xf32>
    %reduce_sum3A_57 = vector.multi_reduction <add>, %mul3A_47, %reduce_sum3A_56 [0] : vector<400x18xf32> to vector<18xf32>
    %broadcast_in_dim3A_58 = vector.shape_cast %reduce_sum3A_57 : vector<18xf32> to vector<1x18xf32>
    %add3A_59 = arith.addf %get3A_55, %broadcast_in_dim3A_58 : vector<1x18xf32>
    %swap3A_60 = arith.constant 0 : index
    %swap3A_61 = arith.constant 0 : index
    %swap3A_62 = vector.load %arg8[%swap3A_60, %swap3A_61] : memref<1x18xf32, #tpu.memory_space<vmem>>, vector<1x18xf32>
    tpu.vector_store %arg8[%swap3A_60, %swap3A_61], %add3A_59 {strides = array<i32>} : memref<1x18xf32, #tpu.memory_space<vmem>>, vector<1x18xf32>,
    %get3A_63 = arith.constant 0 : index
    %get3A_64 = arith.constant 0 : index
    %get3A_65 = vector.load %arg9[%get3A_63, %get3A_64] : memref<1x18xf32, #tpu.memory_space<vmem>>, vector<1x18xf32>
    %mul3A_66 = arith.mulf %mul3A_47, %mul3A_47 : vector<400x18xf32>
    %reduce_sum3A_67 = arith.constant dense<0.000000e+00> : vector<18xf32>
    %reduce_sum3A_68 = vector.multi_reduction <add>, %mul3A_66, %reduce_sum3A_67 [0] : vector<400x18xf32> to vector<18xf32>
    %broadcast_in_dim3A_69 = vector.shape_cast %reduce_sum3A_68 : vector<18xf32> to vector<1x18xf32>
    %add3A_70 = arith.addf %get3A_65, %broadcast_in_dim3A_69 : vector<1x18xf32>
    %swap3A_71 = arith.constant 0 : index
    %swap3A_72 = arith.constant 0 : index
    %swap3A_73 = vector.load %arg9[%swap3A_71, %swap3A_72] : memref<1x18xf32, #tpu.memory_space<vmem>>, vector<1x18xf32>
    tpu.vector_store %arg9[%swap3A_71, %swap3A_72], %add3A_70 {strides = array<i32>} : memref<1x18xf32, #tpu.memory_space<vmem>>, vector<1x18xf32>,
    return
  }
  func.func @transform_0(%arg0: i32) -> (i32, i32, i32) {
    %c0_i32 = arith.constant 0 : i32
    %c0_i32_0 = arith.constant 0 : i32
    %c0_i32_1 = arith.constant 0 : i32
    return %arg0, %c0_i32, %c0_i32_0 : i32, i32, i32
  }
  func.func @transform_1(%arg0: i32) -> (i32, i32, i32) {
    %c0_i32 = arith.constant 0 : i32
    %c0_i32_0 = arith.constant 0 : i32
    %c0_i32_1 = arith.constant 0 : i32
    return %arg0, %c0_i32, %c0_i32_0 : i32, i32, i32
  }
  func.func @transform_2(%arg0: i32) -> (i32, i32) {
    %c0_i32 = arith.constant 0 : i32
    %c0_i32_0 = arith.constant 0 : i32
    return %arg0, %c0_i32 : i32, i32
  }
  func.func @transform_3(%arg0: i32) -> (i32, i32) {
    %c0_i32 = arith.constant 0 : i32
    %c0_i32_0 = arith.constant 0 : i32
    return %arg0, %c0_i32 : i32, i32
  }
  func.func @transform_4(%arg0: i32) -> (i32, i32) {
    %c0_i32 = arith.constant 0 : i32
    %c0_i32_0 = arith.constant 0 : i32
    %c0_i32_1 = arith.constant 0 : i32
    return %c0_i32, %c0_i32_0 : i32, i32
  }
  func.func @transform_5(%arg0: i32) -> i32 {
    %c0_i32 = arith.constant 0 : i32
    %c0_i32_0 = arith.constant 0 : i32
    return %c0_i32 : i32
  }
  func.func @transform_6(%arg0: i32) -> (i32, i32) {
    %c0_i32 = arith.constant 0 : i32
    %c0_i32_0 = arith.constant 0 : i32
    return %arg0, %c0_i32 : i32, i32
  }
  func.func @transform_7(%arg0: i32) -> (i32, i32) {
    %c0_i32 = arith.constant 0 : i32
    %c0_i32_0 = arith.constant 0 : i32
    %c0_i32_1 = arith.constant 0 : i32
    return %c0_i32, %c0_i32_0 : i32, i32
  }
  func.func @transform_8(%arg0: i32) -> (i32, i32) {
    %c0_i32 = arith.constant 0 : i32
    %c0_i32_0 = arith.constant 0 : i32
    %c0_i32_1 = arith.constant 0 : i32
    return %c0_i32, %c0_i32_0 : i32, i32
  }
}

module attributes {stable_mosaic.version = 14 : i64} {
  func.func @_lambda_(%arg0: i32, %arg1: memref<2000x1xf32, #tpu.memory_space<vmem>>, %arg2: memref<2000x18xf32, #tpu.memory_space<vmem>>, %arg3: memref<1x18xf32, #tpu.memory_space<vmem>>, %arg4: memref<1x18xf32, #tpu.memory_space<vmem>>, %arg5: memref<1x18xf32, #tpu.memory_space<vmem>>, %arg6: memref<18x18xf32, #tpu.memory_space<vmem>>, %arg7: memref<1x18xf32, #tpu.memory_space<vmem>>, %arg8: memref<18x14xf32, #tpu.memory_space<vmem>>, %arg9: memref<18x8xf32, #tpu.memory_space<vmem>>, %arg10: memref<2000x32xf32, #tpu.memory_space<vmem>>, %arg11: memref<2000x8xf32, #tpu.memory_space<vmem>>) attributes {dimension_semantics = [#tpu.dimension_semantics<arbitrary>], iteration_bounds = array<i64: 25>, scalar_prefetch = 0 : i64, scratch_operands = 0 : i64, tpu.core_type = #tpu.core_type<tc>, window_params = [{transform_indices = @transform_0, window_bounds = array<i64: 2000, 1>}, {transform_indices = @transform_1, window_bounds = array<i64: 2000, 18>}, {pipeline_mode = #tpu.pipeline_mode<synchronous>, transform_indices = @transform_2, window_bounds = array<i64: 1, 18>}, {pipeline_mode = #tpu.pipeline_mode<synchronous>, transform_indices = @transform_3, window_bounds = array<i64: 1, 18>}, {pipeline_mode = #tpu.pipeline_mode<synchronous>, transform_indices = @transform_4, window_bounds = array<i64: 1, 18>}, {pipeline_mode = #tpu.pipeline_mode<synchronous>, transform_indices = @transform_5, window_bounds = array<i64: 18, 18>}, {pipeline_mode = #tpu.pipeline_mode<synchronous>, transform_indices = @transform_6, window_bounds = array<i64: 1, 18>}, {pipeline_mode = #tpu.pipeline_mode<synchronous>, transform_indices = @transform_7, window_bounds = array<i64: 18, 14>}, {pipeline_mode = #tpu.pipeline_mode<synchronous>, transform_indices = @transform_8, window_bounds = array<i64: 18, 8>}, {transform_indices = @transform_9, window_bounds = array<i64: 2000, 32>}, {transform_indices = @transform_10, window_bounds = array<i64: 2000, 8>}]} {
    %get3A = arith.constant 0 : index
    %get3A_0 = arith.constant 0 : index
    %get3A_1 = vector.load %arg1[%get3A, %get3A_0] : memref<2000x1xf32, #tpu.memory_space<vmem>>, vector<2000x1xf32>
    %convert_element_type3A = arith.truncf %get3A_1 : vector<2000x1xf32> to vector<2000x1xbf16>
    %convert_element_type3A_2 = arith.extf %convert_element_type3A : vector<2000x1xbf16> to vector<2000x1xf32>
    %get3A_3 = arith.constant 0 : index
    %get3A_4 = arith.constant 0 : index
    %get3A_5 = vector.load %arg5[%get3A_3, %get3A_4] : memref<1x18xf32, #tpu.memory_space<vmem>>, vector<1x18xf32>
    %mul3A = vector.broadcast %convert_element_type3A_2 : vector<2000x1xf32> to vector<2000x18xf32>
    %mul3A_6 = vector.broadcast %get3A_5 : vector<1x18xf32> to vector<2000x18xf32>
    %mul3A_7 = arith.mulf %mul3A, %mul3A_6 : vector<2000x18xf32>
    %get3A_8 = arith.constant 0 : index
    %get3A_9 = arith.constant 0 : index
    %get3A_10 = vector.load %arg7[%get3A_8, %get3A_9] : memref<1x18xf32, #tpu.memory_space<vmem>>, vector<1x18xf32>
    %add3A = vector.broadcast %get3A_10 : vector<1x18xf32> to vector<2000x18xf32>
    %add3A_11 = arith.addf %mul3A_7, %add3A : vector<2000x18xf32>
    %get3A_12 = arith.constant 0 : index
    %get3A_13 = arith.constant 0 : index
    %get3A_14 = vector.load %arg2[%get3A_12, %get3A_13] : memref<2000x18xf32, #tpu.memory_space<vmem>>, vector<2000x18xf32>
    %get3A_15 = arith.constant 0 : index
    %get3A_16 = arith.constant 0 : index
    %get3A_17 = vector.load %arg3[%get3A_15, %get3A_16] : memref<1x18xf32, #tpu.memory_space<vmem>>, vector<1x18xf32>
    %mul3A_18 = vector.broadcast %get3A_17 : vector<1x18xf32> to vector<2000x18xf32>
    %mul3A_19 = arith.mulf %get3A_14, %mul3A_18 : vector<2000x18xf32>
    %get3A_20 = arith.constant 0 : index
    %get3A_21 = arith.constant 0 : index
    %get3A_22 = vector.load %arg4[%get3A_20, %get3A_21] : memref<1x18xf32, #tpu.memory_space<vmem>>, vector<1x18xf32>
    %add3A_23 = vector.broadcast %get3A_22 : vector<1x18xf32> to vector<2000x18xf32>
    %add3A_24 = arith.addf %mul3A_19, %add3A_23 : vector<2000x18xf32>
    %convert_element_type3A_25 = arith.truncf %add3A_24 : vector<2000x18xf32> to vector<2000x18xbf16>
    %convert_element_type3A_26 = arith.extf %convert_element_type3A_25 : vector<2000x18xbf16> to vector<2000x18xf32>
    %get3A_27 = arith.constant 0 : index
    %get3A_28 = arith.constant 0 : index
    %get3A_29 = vector.load %arg6[%get3A_27, %get3A_28] : memref<18x18xf32, #tpu.memory_space<vmem>>, vector<18x18xf32>
    %dot_general3A = arith.constant dense<0.000000e+00> : vector<2000x18xf32>
    %dot_general3A_30 = tpu.matmul %convert_element_type3A_26, %get3A_29, %dot_general3A {dimension_numbers = #tpu.dot_dimension_numbers<[1], [0], [0], [1], [0, 0, 1, 1], [], []>, transpose_lhs_hint = false} : vector<2000x18xf32>, vector<18x18xf32>, vector<2000x18xf32> -> vector<2000x18xf32>
    %add3A_31 = arith.addf %add3A_11, %dot_general3A_30 : vector<2000x18xf32>
    %convert_element_type3A_32 = arith.truncf %add3A_31 : vector<2000x18xf32> to vector<2000x18xbf16>
    %convert_element_type3A_33 = arith.extf %convert_element_type3A_32 : vector<2000x18xbf16> to vector<2000x18xf32>
    %get3A_34 = arith.constant 0 : index
    %get3A_35 = arith.constant 0 : index
    %get3A_36 = vector.load %arg8[%get3A_34, %get3A_35] : memref<18x14xf32, #tpu.memory_space<vmem>>, vector<18x14xf32>
    %dot_general3A_37 = arith.constant dense<0.000000e+00> : vector<2000x14xf32>
    %dot_general3A_38 = tpu.matmul %convert_element_type3A_33, %get3A_36, %dot_general3A_37 {dimension_numbers = #tpu.dot_dimension_numbers<[1], [0], [0], [1], [0, 0, 1, 1], [], []>, transpose_lhs_hint = false} : vector<2000x18xf32>, vector<18x14xf32>, vector<2000x14xf32> -> vector<2000x14xf32>
    %concatenate3A = tpu.concatenate %add3A_31, %dot_general3A_38 in 1 : vector<2000x18xf32>, vector<2000x14xf32> -> vector<2000x32xf32>
    %swap3A = arith.constant 0 : index
    %swap3A_39 = arith.constant 0 : index
    %swap3A_40 = vector.load %arg10[%swap3A, %swap3A_39] : memref<2000x32xf32, #tpu.memory_space<vmem>>, vector<2000x32xf32>
    tpu.vector_store %arg10[%swap3A, %swap3A_39], %concatenate3A {strides = array<i32>} : memref<2000x32xf32, #tpu.memory_space<vmem>>, vector<2000x32xf32>,
    %get3A_41 = arith.constant 0 : index
    %get3A_42 = arith.constant 0 : index
    %get3A_43 = vector.load %arg9[%get3A_41, %get3A_42] : memref<18x8xf32, #tpu.memory_space<vmem>>, vector<18x8xf32>
    %dot_general3A_44 = arith.constant dense<0.000000e+00> : vector<2000x8xf32>
    %dot_general3A_45 = tpu.matmul %convert_element_type3A_33, %get3A_43, %dot_general3A_44 {dimension_numbers = #tpu.dot_dimension_numbers<[1], [0], [0], [1], [0, 0, 1, 1], [], []>, transpose_lhs_hint = false} : vector<2000x18xf32>, vector<18x8xf32>, vector<2000x8xf32> -> vector<2000x8xf32>
    %swap3A_46 = arith.constant 0 : index
    %swap3A_47 = arith.constant 0 : index
    %swap3A_48 = vector.load %arg11[%swap3A_46, %swap3A_47] : memref<2000x8xf32, #tpu.memory_space<vmem>>, vector<2000x8xf32>
    tpu.vector_store %arg11[%swap3A_46, %swap3A_47], %dot_general3A_45 {strides = array<i32>} : memref<2000x8xf32, #tpu.memory_space<vmem>>, vector<2000x8xf32>,
    return
  }
  func.func @transform_0(%arg0: i32) -> (i32, i32) {
    %c0_i32 = arith.constant 0 : i32
    %c0_i32_0 = arith.constant 0 : i32
    return %arg0, %c0_i32 : i32, i32
  }
  func.func @transform_1(%arg0: i32) -> (i32, i32) {
    %c0_i32 = arith.constant 0 : i32
    %c0_i32_0 = arith.constant 0 : i32
    return %arg0, %c0_i32 : i32, i32
  }
  func.func @transform_2(%arg0: i32) -> (i32, i32) {
    %c0_i32 = arith.constant 0 : i32
    %c0_i32_0 = arith.constant 0 : i32
    %c0_i32_1 = arith.constant 0 : i32
    return %c0_i32, %c0_i32_0 : i32, i32
  }
  func.func @transform_3(%arg0: i32) -> (i32, i32) {
    %c0_i32 = arith.constant 0 : i32
    %c0_i32_0 = arith.constant 0 : i32
    %c0_i32_1 = arith.constant 0 : i32
    return %c0_i32, %c0_i32_0 : i32, i32
  }
  func.func @transform_4(%arg0: i32) -> (i32, i32) {
    %c0_i32 = arith.constant 0 : i32
    %c0_i32_0 = arith.constant 0 : i32
    %c0_i32_1 = arith.constant 0 : i32
    return %c0_i32, %c0_i32_0 : i32, i32
  }
  func.func @transform_5(%arg0: i32) -> (i32, i32) {
    %c0_i32 = arith.constant 0 : i32
    %c0_i32_0 = arith.constant 0 : i32
    %c0_i32_1 = arith.constant 0 : i32
    return %c0_i32, %c0_i32_0 : i32, i32
  }
  func.func @transform_6(%arg0: i32) -> (i32, i32) {
    %c0_i32 = arith.constant 0 : i32
    %c0_i32_0 = arith.constant 0 : i32
    %c0_i32_1 = arith.constant 0 : i32
    return %c0_i32, %c0_i32_0 : i32, i32
  }
  func.func @transform_7(%arg0: i32) -> (i32, i32) {
    %c0_i32 = arith.constant 0 : i32
    %c0_i32_0 = arith.constant 0 : i32
    %c0_i32_1 = arith.constant 0 : i32
    return %c0_i32, %c0_i32_0 : i32, i32
  }
  func.func @transform_8(%arg0: i32) -> (i32, i32) {
    %c0_i32 = arith.constant 0 : i32
    %c0_i32_0 = arith.constant 0 : i32
    %c0_i32_1 = arith.constant 0 : i32
    return %c0_i32, %c0_i32_0 : i32, i32
  }
  func.func @transform_9(%arg0: i32) -> (i32, i32) {
    %c0_i32 = arith.constant 0 : i32
    %c0_i32_0 = arith.constant 0 : i32
    return %arg0, %c0_i32 : i32, i32
  }
  func.func @transform_10(%arg0: i32) -> (i32, i32) {
    %c0_i32 = arith.constant 0 : i32
    %c0_i32_0 = arith.constant 0 : i32
    return %arg0, %c0_i32 : i32, i32
  }
}

module attributes {stable_mosaic.version = 14 : i64} {
  func.func @_lambda_(%arg0: i32, %arg1: memref<400x16x32xf32, #tpu.memory_space<vmem>>, %arg2: memref<400x16x8xf32, #tpu.memory_space<vmem>>, %arg3: memref<3x32xf32, #tpu.memory_space<vmem>>, %arg4: memref<3xf32, #tpu.memory_space<smem>>, %arg5: memref<400x18xf32, #tpu.memory_space<vmem>>, %arg6: memref<1x18xf32, #tpu.memory_space<vmem>>, %arg7: memref<1x18xf32, #tpu.memory_space<vmem>>) attributes {dimension_semantics = [#tpu.dimension_semantics<arbitrary>], iteration_bounds = array<i64: 125>, scalar_prefetch = 0 : i64, scratch_operands = 0 : i64, tpu.core_type = #tpu.core_type<tc>, window_params = [{transform_indices = @transform_0, window_bounds = array<i64: 400, 16, 32>}, {transform_indices = @transform_1, window_bounds = array<i64: 400, 16, 8>}, {pipeline_mode = #tpu.pipeline_mode<synchronous>, transform_indices = @transform_2, window_bounds = array<i64: 3, 32>}, {transform_indices = @transform_3, window_bounds = array<i64: 3>}, {transform_indices = @transform_4, window_bounds = array<i64: 400, 18>}, {pipeline_mode = #tpu.pipeline_mode<synchronous>, transform_indices = @transform_5, window_bounds = array<i64: 1, 18>}, {pipeline_mode = #tpu.pipeline_mode<synchronous>, transform_indices = @transform_6, window_bounds = array<i64: 1, 18>}]} {
    %get3A = arith.constant 0 : index
    %get3A_0 = arith.constant 0 : index
    %get3A_1 = arith.constant 0 : index
    %get3A_2 = vector.load %arg1[%get3A, %get3A_0, %get3A_1] : memref<400x16x32xf32, #tpu.memory_space<vmem>>, vector<400x16x32xf32>
    %slice3A = vector.extract_strided_slice %get3A_2 {offsets = [0, 0, 18], sizes = [400, 16, 3], strides = [1, 1, 1]} : vector<400x16x32xf32> to vector<400x16x3xf32>
    %get3A_3 = arith.constant 0 : index
    %get3A_4 = arith.constant 0 : index
    %get3A_5 = arith.constant 0 : index
    %get3A_6 = vector.load %arg2[%get3A_3, %get3A_4, %get3A_5] : memref<400x16x8xf32, #tpu.memory_space<vmem>>, vector<400x16x8xf32>
    %slice3A_7 = vector.extract_strided_slice %get3A_6 {offsets = [0, 0, 0], sizes = [400, 16, 3], strides = [1, 1, 1]} : vector<400x16x8xf32> to vector<400x16x3xf32>
    %add3A = arith.addf %slice3A, %slice3A_7 : vector<400x16x3xf32>
    %get3A_8 = arith.constant 0 : index
    %get3A_9 = memref.load %arg4[%get3A_8] : memref<3xf32, #tpu.memory_space<smem>>
    %add3A_10 = vector.broadcast %get3A_9 : f32 to vector<400x16x3xf32>
    %add3A_11 = arith.addf %add3A, %add3A_10 : vector<400x16x3xf32>
    %reduce_max3A = arith.constant dense<0xFF800000> : vector<400x3xf32>
    %reduce_max3A_12 = vector.multi_reduction <maximumf>, %add3A_11, %reduce_max3A [1] : vector<400x16x3xf32> to vector<400x3xf32>
    %broadcast_in_dim3A = vector.shape_cast %reduce_max3A_12 : vector<400x3xf32> to vector<400x1x3xf32>
    %sub3A = vector.broadcast %broadcast_in_dim3A : vector<400x1x3xf32> to vector<400x16x3xf32>
    %sub3A_13 = arith.subf %add3A_11, %sub3A : vector<400x16x3xf32>
    %exp3A = math.exp %sub3A_13 : vector<400x16x3xf32>
    %reduce_sum3A = arith.constant dense<0.000000e+00> : vector<400x3xf32>
    %reduce_sum3A_14 = vector.multi_reduction <add>, %exp3A, %reduce_sum3A [1] : vector<400x16x3xf32> to vector<400x3xf32>
    %broadcast_in_dim3A_15 = vector.shape_cast %reduce_sum3A_14 : vector<400x3xf32> to vector<400x1x3xf32>
    %div3A = vector.broadcast %broadcast_in_dim3A_15 : vector<400x1x3xf32> to vector<400x16x3xf32>
    %div3A_16 = arith.divf %exp3A, %div3A : vector<400x16x3xf32>
    %get3A_17 = arith.constant 0 : index
    %get3A_18 = arith.constant 0 : index
    %get3A_19 = vector.load %arg3[%get3A_17, %get3A_18] : memref<3x32xf32, #tpu.memory_space<vmem>>, vector<3x32xf32>
    %dot_general3A = arith.constant dense<0.000000e+00> : vector<400x16x32xf32>
    %dot_general3A_20 = tpu.matmul %div3A_16, %get3A_19, %dot_general3A {dimension_numbers = #tpu.dot_dimension_numbers<[2], [0], [0, 1], [1], [0, 0, 0, 1, 1, 1], [], []>, precision = #tpu.contract_precision<fp32>, transpose_lhs_hint = false} : vector<400x16x3xf32>, vector<3x32xf32>, vector<400x16x32xf32> -> vector<400x16x32xf32>
    %mul3A = arith.mulf %dot_general3A_20, %get3A_2 : vector<400x16x32xf32>
    %reduce_sum3A_21 = arith.constant dense<0.000000e+00> : vector<400x32xf32>
    %reduce_sum3A_22 = vector.multi_reduction <add>, %mul3A, %reduce_sum3A_21 [1] : vector<400x16x32xf32> to vector<400x32xf32>
    %slice3A_23 = vector.extract_strided_slice %reduce_sum3A_22 {offsets = [0, 0], sizes = [400, 18], strides = [1, 1]} : vector<400x32xf32> to vector<400x18xf32>
    %mul3A_24 = arith.constant 6.250000e-02 : f32
    %mul3A_25 = vector.broadcast %mul3A_24 : f32 to vector<400x18xf32>
    %mul3A_26 = arith.mulf %slice3A_23, %mul3A_25 : vector<400x18xf32>
    %swap3A = arith.constant 0 : index
    %swap3A_27 = arith.constant 0 : index
    %swap3A_28 = vector.load %arg5[%swap3A, %swap3A_27] : memref<400x18xf32, #tpu.memory_space<vmem>>, vector<400x18xf32>
    tpu.vector_store %arg5[%swap3A, %swap3A_27], %mul3A_26 {strides = array<i32>} : memref<400x18xf32, #tpu.memory_space<vmem>>, vector<400x18xf32>,
    %eq3A = arith.constant 0 : i32
    %eq3A_29 = arith.cmpi eq, %arg0, %eq3A : i32
    %convert_element_type3A = arith.extui %eq3A_29 : i1 to i32
    %cond3A = arith.constant 0 : i32
    %cond3A_30 = arith.cmpi ne, %convert_element_type3A, %cond3A : i32
    scf.if %cond3A_30 {
      %broadcast_in_dim3A_52 = arith.constant 0.000000e+00 : f32
      %broadcast_in_dim3A_53 = vector.broadcast %broadcast_in_dim3A_52 : f32 to vector<1x18xf32>
      %swap3A_54 = arith.constant 0 : index
      %swap3A_55 = arith.constant 0 : index
      %swap3A_56 = vector.load %arg6[%swap3A_54, %swap3A_55] : memref<1x18xf32, #tpu.memory_space<vmem>>, vector<1x18xf32>
      tpu.vector_store %arg6[%swap3A_54, %swap3A_55], %broadcast_in_dim3A_53 {strides = array<i32>} : memref<1x18xf32, #tpu.memory_space<vmem>>, vector<1x18xf32>,
      %broadcast_in_dim3A_57 = arith.constant 0.000000e+00 : f32
      %broadcast_in_dim3A_58 = vector.broadcast %broadcast_in_dim3A_57 : f32 to vector<1x18xf32>
      %swap3A_59 = arith.constant 0 : index
      %swap3A_60 = arith.constant 0 : index
      %swap3A_61 = vector.load %arg7[%swap3A_59, %swap3A_60] : memref<1x18xf32, #tpu.memory_space<vmem>>, vector<1x18xf32>
      tpu.vector_store %arg7[%swap3A_59, %swap3A_60], %broadcast_in_dim3A_58 {strides = array<i32>} : memref<1x18xf32, #tpu.memory_space<vmem>>, vector<1x18xf32>,
    } else {
    }
    %get3A_31 = arith.constant 0 : index
    %get3A_32 = arith.constant 0 : index
    %get3A_33 = vector.load %arg6[%get3A_31, %get3A_32] : memref<1x18xf32, #tpu.memory_space<vmem>>, vector<1x18xf32>
    %reduce_sum3A_34 = arith.constant dense<0.000000e+00> : vector<18xf32>
    %reduce_sum3A_35 = vector.multi_reduction <add>, %mul3A_26, %reduce_sum3A_34 [0] : vector<400x18xf32> to vector<18xf32>
    %broadcast_in_dim3A_36 = vector.shape_cast %reduce_sum3A_35 : vector<18xf32> to vector<1x18xf32>
    %add3A_37 = arith.addf %get3A_33, %broadcast_in_dim3A_36 : vector<1x18xf32>
    %swap3A_38 = arith.constant 0 : index
    %swap3A_39 = arith.constant 0 : index
    %swap3A_40 = vector.load %arg6[%swap3A_38, %swap3A_39] : memref<1x18xf32, #tpu.memory_space<vmem>>, vector<1x18xf32>
    tpu.vector_store %arg6[%swap3A_38, %swap3A_39], %add3A_37 {strides = array<i32>} : memref<1x18xf32, #tpu.memory_space<vmem>>, vector<1x18xf32>,
    %get3A_41 = arith.constant 0 : index
    %get3A_42 = arith.constant 0 : index
    %get3A_43 = vector.load %arg7[%get3A_41, %get3A_42] : memref<1x18xf32, #tpu.memory_space<vmem>>, vector<1x18xf32>
    %mul3A_44 = arith.mulf %mul3A_26, %mul3A_26 : vector<400x18xf32>
    %reduce_sum3A_45 = arith.constant dense<0.000000e+00> : vector<18xf32>
    %reduce_sum3A_46 = vector.multi_reduction <add>, %mul3A_44, %reduce_sum3A_45 [0] : vector<400x18xf32> to vector<18xf32>
    %broadcast_in_dim3A_47 = vector.shape_cast %reduce_sum3A_46 : vector<18xf32> to vector<1x18xf32>
    %add3A_48 = arith.addf %get3A_43, %broadcast_in_dim3A_47 : vector<1x18xf32>
    %swap3A_49 = arith.constant 0 : index
    %swap3A_50 = arith.constant 0 : index
    %swap3A_51 = vector.load %arg7[%swap3A_49, %swap3A_50] : memref<1x18xf32, #tpu.memory_space<vmem>>, vector<1x18xf32>
    tpu.vector_store %arg7[%swap3A_49, %swap3A_50], %add3A_48 {strides = array<i32>} : memref<1x18xf32, #tpu.memory_space<vmem>>, vector<1x18xf32>,
    return
  }
  func.func @transform_0(%arg0: i32) -> (i32, i32, i32) {
    %c0_i32 = arith.constant 0 : i32
    %c0_i32_0 = arith.constant 0 : i32
    %c0_i32_1 = arith.constant 0 : i32
    return %arg0, %c0_i32, %c0_i32_0 : i32, i32, i32
  }
  func.func @transform_1(%arg0: i32) -> (i32, i32, i32) {
    %c0_i32 = arith.constant 0 : i32
    %c0_i32_0 = arith.constant 0 : i32
    %c0_i32_1 = arith.constant 0 : i32
    return %arg0, %c0_i32, %c0_i32_0 : i32, i32, i32
  }
  func.func @transform_2(%arg0: i32) -> (i32, i32) {
    %c0_i32 = arith.constant 0 : i32
    %c0_i32_0 = arith.constant 0 : i32
    %c0_i32_1 = arith.constant 0 : i32
    return %c0_i32, %c0_i32_0 : i32, i32
  }
  func.func @transform_3(%arg0: i32) -> i32 {
    %c0_i32 = arith.constant 0 : i32
    %c0_i32_0 = arith.constant 0 : i32
    return %c0_i32 : i32
  }
  func.func @transform_4(%arg0: i32) -> (i32, i32) {
    %c0_i32 = arith.constant 0 : i32
    %c0_i32_0 = arith.constant 0 : i32
    return %arg0, %c0_i32 : i32, i32
  }
  func.func @transform_5(%arg0: i32) -> (i32, i32) {
    %c0_i32 = arith.constant 0 : i32
    %c0_i32_0 = arith.constant 0 : i32
    %c0_i32_1 = arith.constant 0 : i32
    return %c0_i32, %c0_i32_0 : i32, i32
  }
  func.func @transform_6(%arg0: i32) -> (i32, i32) {
    %c0_i32 = arith.constant 0 : i32
    %c0_i32_0 = arith.constant 0 : i32
    %c0_i32_1 = arith.constant 0 : i32
    return %c0_i32, %c0_i32_0 : i32, i32
  }
}

module attributes {stable_mosaic.version = 14 : i64} {
  func.func @_lambda_(%arg0: i32, %arg1: memref<2000x1xf32, #tpu.memory_space<vmem>>, %arg2: memref<2000x18xf32, #tpu.memory_space<vmem>>, %arg3: memref<2000x18xf32, #tpu.memory_space<vmem>>, %arg4: memref<1x18xf32, #tpu.memory_space<vmem>>, %arg5: memref<1x18xf32, #tpu.memory_space<vmem>>, %arg6: memref<1x18xf32, #tpu.memory_space<vmem>>, %arg7: memref<1x18xf32, #tpu.memory_space<vmem>>, %arg8: memref<1x18xf32, #tpu.memory_space<vmem>>, %arg9: memref<18x18xf32, #tpu.memory_space<vmem>>, %arg10: memref<18x18xf32, #tpu.memory_space<vmem>>, %arg11: memref<1x18xf32, #tpu.memory_space<vmem>>, %arg12: memref<18x14xf32, #tpu.memory_space<vmem>>, %arg13: memref<18x8xf32, #tpu.memory_space<vmem>>, %arg14: memref<2000x32xf32, #tpu.memory_space<vmem>>, %arg15: memref<2000x8xf32, #tpu.memory_space<vmem>>) attributes {dimension_semantics = [#tpu.dimension_semantics<arbitrary>], iteration_bounds = array<i64: 25>, scalar_prefetch = 0 : i64, scratch_operands = 0 : i64, tpu.core_type = #tpu.core_type<tc>, window_params = [{transform_indices = @transform_0, window_bounds = array<i64: 2000, 1>}, {transform_indices = @transform_1, window_bounds = array<i64: 2000, 18>}, {transform_indices = @transform_2, window_bounds = array<i64: 2000, 18>}, {pipeline_mode = #tpu.pipeline_mode<synchronous>, transform_indices = @transform_3, window_bounds = array<i64: 1, 18>}, {pipeline_mode = #tpu.pipeline_mode<synchronous>, transform_indices = @transform_4, window_bounds = array<i64: 1, 18>}, {pipeline_mode = #tpu.pipeline_mode<synchronous>, transform_indices = @transform_5, window_bounds = array<i64: 1, 18>}, {pipeline_mode = #tpu.pipeline_mode<synchronous>, transform_indices = @transform_6, window_bounds = array<i64: 1, 18>}, {pipeline_mode = #tpu.pipeline_mode<synchronous>, transform_indices = @transform_7, window_bounds = array<i64: 1, 18>}, {pipeline_mode = #tpu.pipeline_mode<synchronous>, transform_indices = @transform_8, window_bounds = array<i64: 18, 18>}, {pipeline_mode = #tpu.pipeline_mode<synchronous>, transform_indices = @transform_9, window_bounds = array<i64: 18, 18>}, {pipeline_mode = #tpu.pipeline_mode<synchronous>, transform_indices = @transform_10, window_bounds = array<i64: 1, 18>}, {pipeline_mode = #tpu.pipeline_mode<synchronous>, transform_indices = @transform_11, window_bounds = array<i64: 18, 14>}, {pipeline_mode = #tpu.pipeline_mode<synchronous>, transform_indices = @transform_12, window_bounds = array<i64: 18, 8>}, {transform_indices = @transform_13, window_bounds = array<i64: 2000, 32>}, {transform_indices = @transform_14, window_bounds = array<i64: 2000, 8>}]} {
    %get3A = arith.constant 0 : index
    %get3A_0 = arith.constant 0 : index
    %get3A_1 = vector.load %arg1[%get3A, %get3A_0] : memref<2000x1xf32, #tpu.memory_space<vmem>>, vector<2000x1xf32>
    %convert_element_type3A = arith.truncf %get3A_1 : vector<2000x1xf32> to vector<2000x1xbf16>
    %convert_element_type3A_2 = arith.extf %convert_element_type3A : vector<2000x1xbf16> to vector<2000x1xf32>
    %get3A_3 = arith.constant 0 : index
    %get3A_4 = arith.constant 0 : index
    %get3A_5 = vector.load %arg8[%get3A_3, %get3A_4] : memref<1x18xf32, #tpu.memory_space<vmem>>, vector<1x18xf32>
    %mul3A = vector.broadcast %convert_element_type3A_2 : vector<2000x1xf32> to vector<2000x18xf32>
    %mul3A_6 = vector.broadcast %get3A_5 : vector<1x18xf32> to vector<2000x18xf32>
    %mul3A_7 = arith.mulf %mul3A, %mul3A_6 : vector<2000x18xf32>
    %get3A_8 = arith.constant 0 : index
    %get3A_9 = arith.constant 0 : index
    %get3A_10 = vector.load %arg11[%get3A_8, %get3A_9] : memref<1x18xf32, #tpu.memory_space<vmem>>, vector<1x18xf32>
    %add3A = vector.broadcast %get3A_10 : vector<1x18xf32> to vector<2000x18xf32>
    %add3A_11 = arith.addf %mul3A_7, %add3A : vector<2000x18xf32>
    %get3A_12 = arith.constant 0 : index
    %get3A_13 = arith.constant 0 : index
    %get3A_14 = vector.load %arg2[%get3A_12, %get3A_13] : memref<2000x18xf32, #tpu.memory_space<vmem>>, vector<2000x18xf32>
    %get3A_15 = arith.constant 0 : index
    %get3A_16 = arith.constant 0 : index
    %get3A_17 = vector.load %arg4[%get3A_15, %get3A_16] : memref<1x18xf32, #tpu.memory_space<vmem>>, vector<1x18xf32>
    %mul3A_18 = vector.broadcast %get3A_17 : vector<1x18xf32> to vector<2000x18xf32>
    %mul3A_19 = arith.mulf %get3A_14, %mul3A_18 : vector<2000x18xf32>
    %get3A_20 = arith.constant 0 : index
    %get3A_21 = arith.constant 0 : index
    %get3A_22 = vector.load %arg5[%get3A_20, %get3A_21] : memref<1x18xf32, #tpu.memory_space<vmem>>, vector<1x18xf32>
    %add3A_23 = vector.broadcast %get3A_22 : vector<1x18xf32> to vector<2000x18xf32>
    %add3A_24 = arith.addf %mul3A_19, %add3A_23 : vector<2000x18xf32>
    %convert_element_type3A_25 = arith.truncf %add3A_24 : vector<2000x18xf32> to vector<2000x18xbf16>
    %convert_element_type3A_26 = arith.extf %convert_element_type3A_25 : vector<2000x18xbf16> to vector<2000x18xf32>
    %get3A_27 = arith.constant 0 : index
    %get3A_28 = arith.constant 0 : index
    %get3A_29 = vector.load %arg9[%get3A_27, %get3A_28] : memref<18x18xf32, #tpu.memory_space<vmem>>, vector<18x18xf32>
    %dot_general3A = arith.constant dense<0.000000e+00> : vector<2000x18xf32>
    %dot_general3A_30 = tpu.matmul %convert_element_type3A_26, %get3A_29, %dot_general3A {dimension_numbers = #tpu.dot_dimension_numbers<[1], [0], [0], [1], [0, 0, 1, 1], [], []>, transpose_lhs_hint = false} : vector<2000x18xf32>, vector<18x18xf32>, vector<2000x18xf32> -> vector<2000x18xf32>
    %add3A_31 = arith.addf %add3A_11, %dot_general3A_30 : vector<2000x18xf32>
    %get3A_32 = arith.constant 0 : index
    %get3A_33 = arith.constant 0 : index
    %get3A_34 = vector.load %arg3[%get3A_32, %get3A_33] : memref<2000x18xf32, #tpu.memory_space<vmem>>, vector<2000x18xf32>
    %get3A_35 = arith.constant 0 : index
    %get3A_36 = arith.constant 0 : index
    %get3A_37 = vector.load %arg6[%get3A_35, %get3A_36] : memref<1x18xf32, #tpu.memory_space<vmem>>, vector<1x18xf32>
    %mul3A_38 = vector.broadcast %get3A_37 : vector<1x18xf32> to vector<2000x18xf32>
    %mul3A_39 = arith.mulf %get3A_34, %mul3A_38 : vector<2000x18xf32>
    %get3A_40 = arith.constant 0 : index
    %get3A_41 = arith.constant 0 : index
    %get3A_42 = vector.load %arg7[%get3A_40, %get3A_41] : memref<1x18xf32, #tpu.memory_space<vmem>>, vector<1x18xf32>
    %add3A_43 = vector.broadcast %get3A_42 : vector<1x18xf32> to vector<2000x18xf32>
    %add3A_44 = arith.addf %mul3A_39, %add3A_43 : vector<2000x18xf32>
    %convert_element_type3A_45 = arith.truncf %add3A_44 : vector<2000x18xf32> to vector<2000x18xbf16>
    %convert_element_type3A_46 = arith.extf %convert_element_type3A_45 : vector<2000x18xbf16> to vector<2000x18xf32>
    %get3A_47 = arith.constant 0 : index
    %get3A_48 = arith.constant 0 : index
    %get3A_49 = vector.load %arg10[%get3A_47, %get3A_48] : memref<18x18xf32, #tpu.memory_space<vmem>>, vector<18x18xf32>
    %dot_general3A_50 = arith.constant dense<0.000000e+00> : vector<2000x18xf32>
    %dot_general3A_51 = tpu.matmul %convert_element_type3A_46, %get3A_49, %dot_general3A_50 {dimension_numbers = #tpu.dot_dimension_numbers<[1], [0], [0], [1], [0, 0, 1, 1], [], []>, transpose_lhs_hint = false} : vector<2000x18xf32>, vector<18x18xf32>, vector<2000x18xf32> -> vector<2000x18xf32>
    %add3A_52 = arith.addf %add3A_31, %dot_general3A_51 : vector<2000x18xf32>
    %convert_element_type3A_53 = arith.truncf %add3A_52 : vector<2000x18xf32> to vector<2000x18xbf16>
    %convert_element_type3A_54 = arith.extf %convert_element_type3A_53 : vector<2000x18xbf16> to vector<2000x18xf32>
    %get3A_55 = arith.constant 0 : index
    %get3A_56 = arith.constant 0 : index
    %get3A_57 = vector.load %arg12[%get3A_55, %get3A_56] : memref<18x14xf32, #tpu.memory_space<vmem>>, vector<18x14xf32>
    %dot_general3A_58 = arith.constant dense<0.000000e+00> : vector<2000x14xf32>
    %dot_general3A_59 = tpu.matmul %convert_element_type3A_54, %get3A_57, %dot_general3A_58 {dimension_numbers = #tpu.dot_dimension_numbers<[1], [0], [0], [1], [0, 0, 1, 1], [], []>, transpose_lhs_hint = false} : vector<2000x18xf32>, vector<18x14xf32>, vector<2000x14xf32> -> vector<2000x14xf32>
    %concatenate3A = tpu.concatenate %add3A_52, %dot_general3A_59 in 1 : vector<2000x18xf32>, vector<2000x14xf32> -> vector<2000x32xf32>
    %swap3A = arith.constant 0 : index
    %swap3A_60 = arith.constant 0 : index
    %swap3A_61 = vector.load %arg14[%swap3A, %swap3A_60] : memref<2000x32xf32, #tpu.memory_space<vmem>>, vector<2000x32xf32>
    tpu.vector_store %arg14[%swap3A, %swap3A_60], %concatenate3A {strides = array<i32>} : memref<2000x32xf32, #tpu.memory_space<vmem>>, vector<2000x32xf32>,
    %get3A_62 = arith.constant 0 : index
    %get3A_63 = arith.constant 0 : index
    %get3A_64 = vector.load %arg13[%get3A_62, %get3A_63] : memref<18x8xf32, #tpu.memory_space<vmem>>, vector<18x8xf32>
    %dot_general3A_65 = arith.constant dense<0.000000e+00> : vector<2000x8xf32>
    %dot_general3A_66 = tpu.matmul %convert_element_type3A_54, %get3A_64, %dot_general3A_65 {dimension_numbers = #tpu.dot_dimension_numbers<[1], [0], [0], [1], [0, 0, 1, 1], [], []>, transpose_lhs_hint = false} : vector<2000x18xf32>, vector<18x8xf32>, vector<2000x8xf32> -> vector<2000x8xf32>
    %swap3A_67 = arith.constant 0 : index
    %swap3A_68 = arith.constant 0 : index
    %swap3A_69 = vector.load %arg15[%swap3A_67, %swap3A_68] : memref<2000x8xf32, #tpu.memory_space<vmem>>, vector<2000x8xf32>
    tpu.vector_store %arg15[%swap3A_67, %swap3A_68], %dot_general3A_66 {strides = array<i32>} : memref<2000x8xf32, #tpu.memory_space<vmem>>, vector<2000x8xf32>,
    return
  }
  func.func @transform_0(%arg0: i32) -> (i32, i32) {
    %c0_i32 = arith.constant 0 : i32
    %c0_i32_0 = arith.constant 0 : i32
    return %arg0, %c0_i32 : i32, i32
  }
  func.func @transform_1(%arg0: i32) -> (i32, i32) {
    %c0_i32 = arith.constant 0 : i32
    %c0_i32_0 = arith.constant 0 : i32
    return %arg0, %c0_i32 : i32, i32
  }
  func.func @transform_2(%arg0: i32) -> (i32, i32) {
    %c0_i32 = arith.constant 0 : i32
    %c0_i32_0 = arith.constant 0 : i32
    return %arg0, %c0_i32 : i32, i32
  }
  func.func @transform_3(%arg0: i32) -> (i32, i32) {
    %c0_i32 = arith.constant 0 : i32
    %c0_i32_0 = arith.constant 0 : i32
    %c0_i32_1 = arith.constant 0 : i32
    return %c0_i32, %c0_i32_0 : i32, i32
  }
  func.func @transform_4(%arg0: i32) -> (i32, i32) {
    %c0_i32 = arith.constant 0 : i32
    %c0_i32_0 = arith.constant 0 : i32
    %c0_i32_1 = arith.constant 0 : i32
    return %c0_i32, %c0_i32_0 : i32, i32
  }
  func.func @transform_5(%arg0: i32) -> (i32, i32) {
    %c0_i32 = arith.constant 0 : i32
    %c0_i32_0 = arith.constant 0 : i32
    %c0_i32_1 = arith.constant 0 : i32
    return %c0_i32, %c0_i32_0 : i32, i32
  }
  func.func @transform_6(%arg0: i32) -> (i32, i32) {
    %c0_i32 = arith.constant 0 : i32
    %c0_i32_0 = arith.constant 0 : i32
    %c0_i32_1 = arith.constant 0 : i32
    return %c0_i32, %c0_i32_0 : i32, i32
  }
  func.func @transform_7(%arg0: i32) -> (i32, i32) {
    %c0_i32 = arith.constant 0 : i32
    %c0_i32_0 = arith.constant 0 : i32
    %c0_i32_1 = arith.constant 0 : i32
    return %c0_i32, %c0_i32_0 : i32, i32
  }
  func.func @transform_8(%arg0: i32) -> (i32, i32) {
    %c0_i32 = arith.constant 0 : i32
    %c0_i32_0 = arith.constant 0 : i32
    %c0_i32_1 = arith.constant 0 : i32
    return %c0_i32, %c0_i32_0 : i32, i32
  }
  func.func @transform_9(%arg0: i32) -> (i32, i32) {
    %c0_i32 = arith.constant 0 : i32
    %c0_i32_0 = arith.constant 0 : i32
    %c0_i32_1 = arith.constant 0 : i32
    return %c0_i32, %c0_i32_0 : i32, i32
  }
  func.func @transform_10(%arg0: i32) -> (i32, i32) {
    %c0_i32 = arith.constant 0 : i32
    %c0_i32_0 = arith.constant 0 : i32
    %c0_i32_1 = arith.constant 0 : i32
    return %c0_i32, %c0_i32_0 : i32, i32
  }
  func.func @transform_11(%arg0: i32) -> (i32, i32) {
    %c0_i32 = arith.constant 0 : i32
    %c0_i32_0 = arith.constant 0 : i32
    %c0_i32_1 = arith.constant 0 : i32
    return %c0_i32, %c0_i32_0 : i32, i32
  }
  func.func @transform_12(%arg0: i32) -> (i32, i32) {
    %c0_i32 = arith.constant 0 : i32
    %c0_i32_0 = arith.constant 0 : i32
    %c0_i32_1 = arith.constant 0 : i32
    return %c0_i32, %c0_i32_0 : i32, i32
  }
  func.func @transform_13(%arg0: i32) -> (i32, i32) {
    %c0_i32 = arith.constant 0 : i32
    %c0_i32_0 = arith.constant 0 : i32
    return %arg0, %c0_i32 : i32, i32
  }
  func.func @transform_14(%arg0: i32) -> (i32, i32) {
    %c0_i32 = arith.constant 0 : i32
    %c0_i32_0 = arith.constant 0 : i32
    return %arg0, %c0_i32 : i32, i32
  }
}

module attributes {stable_mosaic.version = 14 : i64} {
  func.func @_final_body(%arg0: i32, %arg1: memref<2000x18xf32, #tpu.memory_space<vmem>>, %arg2: memref<1x18xf32, #tpu.memory_space<vmem>>, %arg3: memref<1x18xf32, #tpu.memory_space<vmem>>, %arg4: memref<1x18xf32, #tpu.memory_space<vmem>>, %arg5: memref<1x1xf32, #tpu.memory_space<vmem>>, %arg6: memref<2000x1xf32, #tpu.memory_space<vmem>>) attributes {dimension_semantics = [#tpu.dimension_semantics<arbitrary>], iteration_bounds = array<i64: 25>, scalar_prefetch = 0 : i64, scratch_operands = 0 : i64, tpu.core_type = #tpu.core_type<tc>, window_params = [{transform_indices = @transform_0, window_bounds = array<i64: 2000, 18>}, {pipeline_mode = #tpu.pipeline_mode<synchronous>, transform_indices = @transform_1, window_bounds = array<i64: 1, 18>}, {pipeline_mode = #tpu.pipeline_mode<synchronous>, transform_indices = @transform_2, window_bounds = array<i64: 1, 18>}, {pipeline_mode = #tpu.pipeline_mode<synchronous>, transform_indices = @transform_3, window_bounds = array<i64: 1, 18>}, {pipeline_mode = #tpu.pipeline_mode<synchronous>, transform_indices = @transform_4, window_bounds = array<i64: 1, 1>}, {transform_indices = @transform_5, window_bounds = array<i64: 2000, 1>}]} {
    %get3A = arith.constant 0 : index
    %get3A_0 = arith.constant 0 : index
    %get3A_1 = vector.load %arg1[%get3A, %get3A_0] : memref<2000x18xf32, #tpu.memory_space<vmem>>, vector<2000x18xf32>
    %get3A_2 = arith.constant 0 : index
    %get3A_3 = arith.constant 0 : index
    %get3A_4 = vector.load %arg2[%get3A_2, %get3A_3] : memref<1x18xf32, #tpu.memory_space<vmem>>, vector<1x18xf32>
    %mul3A = vector.broadcast %get3A_4 : vector<1x18xf32> to vector<2000x18xf32>
    %mul3A_5 = arith.mulf %get3A_1, %mul3A : vector<2000x18xf32>
    %get3A_6 = arith.constant 0 : index
    %get3A_7 = arith.constant 0 : index
    %get3A_8 = vector.load %arg3[%get3A_6, %get3A_7] : memref<1x18xf32, #tpu.memory_space<vmem>>, vector<1x18xf32>
    %add3A = vector.broadcast %get3A_8 : vector<1x18xf32> to vector<2000x18xf32>
    %add3A_9 = arith.addf %mul3A_5, %add3A : vector<2000x18xf32>
    %convert_element_type3A = arith.truncf %add3A_9 : vector<2000x18xf32> to vector<2000x18xbf16>
    %convert_element_type3A_10 = arith.extf %convert_element_type3A : vector<2000x18xbf16> to vector<2000x18xf32>
    %get3A_11 = arith.constant 0 : index
    %get3A_12 = arith.constant 0 : index
    %get3A_13 = vector.load %arg4[%get3A_11, %get3A_12] : memref<1x18xf32, #tpu.memory_space<vmem>>, vector<1x18xf32>
    %mul3A_14 = vector.broadcast %get3A_13 : vector<1x18xf32> to vector<2000x18xf32>
    %mul3A_15 = arith.mulf %convert_element_type3A_10, %mul3A_14 : vector<2000x18xf32>
    %reduce_sum3A = arith.constant dense<0.000000e+00> : vector<2000xf32>
    %reduce_sum3A_16 = vector.multi_reduction <add>, %mul3A_15, %reduce_sum3A [1] : vector<2000x18xf32> to vector<2000xf32>
    %broadcast_in_dim3A = vector.shape_cast %reduce_sum3A_16 : vector<2000xf32> to vector<2000x1xf32>
    %get3A_17 = arith.constant 0 : index
    %get3A_18 = arith.constant 0 : index
    %get3A_19 = vector.load %arg5[%get3A_17, %get3A_18] : memref<1x1xf32, #tpu.memory_space<vmem>>, vector<1x1xf32>
    %add3A_20 = vector.broadcast %get3A_19 : vector<1x1xf32> to vector<2000x1xf32>
    %add3A_21 = arith.addf %broadcast_in_dim3A, %add3A_20 : vector<2000x1xf32>
    %swap3A = arith.constant 0 : index
    %swap3A_22 = arith.constant 0 : index
    %swap3A_23 = vector.load %arg6[%swap3A, %swap3A_22] : memref<2000x1xf32, #tpu.memory_space<vmem>>, vector<2000x1xf32>
    tpu.vector_store %arg6[%swap3A, %swap3A_22], %add3A_21 {strides = array<i32>} : memref<2000x1xf32, #tpu.memory_space<vmem>>, vector<2000x1xf32>,
    return
  }
  func.func @transform_0(%arg0: i32) -> (i32, i32) {
    %c0_i32 = arith.constant 0 : i32
    %c0_i32_0 = arith.constant 0 : i32
    return %arg0, %c0_i32 : i32, i32
  }
  func.func @transform_1(%arg0: i32) -> (i32, i32) {
    %c0_i32 = arith.constant 0 : i32
    %c0_i32_0 = arith.constant 0 : i32
    %c0_i32_1 = arith.constant 0 : i32
    return %c0_i32, %c0_i32_0 : i32, i32
  }
  func.func @transform_2(%arg0: i32) -> (i32, i32) {
    %c0_i32 = arith.constant 0 : i32
    %c0_i32_0 = arith.constant 0 : i32
    %c0_i32_1 = arith.constant 0 : i32
    return %c0_i32, %c0_i32_0 : i32, i32
  }
  func.func @transform_3(%arg0: i32) -> (i32, i32) {
    %c0_i32 = arith.constant 0 : i32
    %c0_i32_0 = arith.constant 0 : i32
    %c0_i32_1 = arith.constant 0 : i32
    return %c0_i32, %c0_i32_0 : i32, i32
  }
  func.func @transform_4(%arg0: i32) -> (i32, i32) {
    %c0_i32 = arith.constant 0 : i32
    %c0_i32_0 = arith.constant 0 : i32
    %c0_i32_1 = arith.constant 0 : i32
    return %c0_i32, %c0_i32_0 : i32, i32
  }
  func.func @transform_5(%arg0: i32) -> (i32, i32) {
    %c0_i32 = arith.constant 0 : i32
    %c0_i32_0 = arith.constant 0 : i32
    return %arg0, %c0_i32 : i32, i32
  }
}

</mosaic_0001>

<sc_bundles>
// kernel: kernel.13.cloned.1.call-start
scs
__scs_entry_jumppad:
0x0: {  	(pc) =	sbr.rel $0x88, $3  }
0x1: {  	(tag) =	ssettag $0x0;
	lr =	simm.s32 $0x1  }
0x2: {  	[smem:$0x3F88] =	sst lr;
	_ =	strace $0xD0000000  }
0x3: {  	_ = 	snop  }
0x4: {  	_ = 	snop  }
0x5: {  	_ = 	snop  }
0x6: {  	_ = 	snop  }
0x7: {  	_ = 	snop  }
__scs_overlays_trampoline_lowered:
0x8: {  	[smem:$0x3F97] =	sst s0  }
0x9: {  	[smem:$0x3F98] =	sst s1  }
0xa: {  	[smem:$0x3F99] =	sst s2  }
0xb: {  	[smem:$0x3F9A] =	sst s3  }
0xc: {  	[smem:$0x3F9B] =	sst s4  }
0xd: {  	[smem:$0x3F9C] =	sst s5  }
0xe: {  	[smem:$0x3F9D] =	sst s6  }
0xf: {  	[smem:$0x3F9E] =	sst s7  }
0x10: {  	[smem:$0x3F9F] =	sst s8  }
0x11: {  	[smem:$0x3FA0] =	sst s9;
	s0 =	simm.s32 @!p0 $0x0  }
0x12: {  	s1 =	sld [smem:$0x3F86];
	s0 =	simm.s32 @p0 $0x1  }
0x13: {  	[smem:$0x3FA1] =	sst s0;
	s0 =	simm.s32 @!p1 $0x0  }
0x14: {  	s2 =	sld [smem:$0x3F85];
	s0 =	simm.s32 @p1 $0x1  }
0x15: {  	[smem:$0x3FA2] =	sst s0;
	s0 =	simm.s32 @!p2 $0x0  }
0x16: {  	s3 =	sld [smem:$0x3FDB];
	s0 =	simm.s32 @p2 $0x1  }
0x17: {  	s4 =	simm.s32 $0x1BF5;
	[smem:$0x3FA4] =	sst s0  }
0x18: {  	s0 =	sld [smem:$0x3F87];
	_ =	swait.ge [sflag:s4], $0x0  }
0x19: {  	s7 =	sld [smem:$0x3F88]  }
0x1a: {  	s8 =	sadd.s32 $0xFFFFE003, lr  }
0x1b: {  	s9 =	sadd.s32 $0xFFFFFEF7, lr;
	s5 =	simm.s32 $0xFFFFFFFF;
	p2 =	slt.u32 s8, $0xFFFFF086  }
0x1c: {  	p1 =	slt.u32 s9, $0xF7A;
	s5 =	simm.s32 @!p2 $0x0  }
0x1d: {  	s5 =	simm.s32 @p1 $0x1;
	p0 =	seq.s32 s7, s2  }
0x1e: {  	s7 =	smul.u32 @!p0 $0xF7A, s2;
	p2 =	seq.s32 @!p0 s5, $0x0  }
0x1f: {  	s9 =	smul.u32 $0xF7A, s1;
	s8 =	simm.s32 @!p0 $0x1BF5;
	p2 =	por !p2, p0  }
0x20: {  	[sflag:s8] =	ssyncset.s32 @!p0 $0xFFFFF086;
	s6 =	sadd.s32 @!p0 s3, s7;
	s7 =	simm.s32 @!p0 $0x108  }
0x21: {  	s3 =	sadd.s32 s3, s9;
	s6 =	sadd.s32 @!p0 $0x88, s6;
	s7 =	simm.s32 @p2 $0x1082  }
0x22: {  	[simem:s7], [sflag:s8] =	dma.local @!p0 [hbm:s6], $0xF7A  }
0x23: {  	s9 =	sor.u32 $0xD0000000, s2;
	s6 =	simm.s32 $0x108;
	_ =	swait.ge @!p0 [sflag:s8], $0x0  }
0x24: {  	s3 =	sadd.s32 $0x88, s3;
	s6 =	simm.s32 @!p1 $0x1082;
	[sflag:s4] =	ssyncset.s32 $0xFFFFF086  }
0x25: {  	[simem:s6], [sflag:s4] =	dma.local [hbm:s3], $0xF7A  }
0x26: {  	[smem:$0x3F88] =	sst s1;
	(tag) =	ssettag s2;
	_ =	strace s9  }
0x27: {  	s1 =	sld [smem:$0x3F98]  }
0x28: {  	s2 =	sld [smem:$0x3F99]  }
0x29: {  	s4 =	sld [smem:$0x3F9B]  }
0x2a: {  	p0 =	seq.s32 s5, $0x0;
	s5 =	sld [smem:$0x3F9C]  }
0x2b: {  	s6 =	sld [smem:$0x3F9D]  }
0x2c: {  	s7 =	sld [smem:$0x3F9E]  }
0x2d: {  	s3 =	simm.s32 $0x108;
	s8 =	sld [smem:$0x3F9F]  }
0x2e: {  	s3 =	simm.s32 @!p0 $0x1082;
	s9 =	sld [smem:$0x3FA0]  }
0x2f: {  	lr =	sadd.s32 s0, s3;
	s0 =	sld [smem:$0x3F97]  }
0x30: {  	s3 =	sld [smem:$0x3F9A]  }
0x31: {  	[smem:$0x3FA3] =	sst s10  }
0x32: {  	s10 =	sld [smem:$0x3FA1];
	_ =	sdelay $0x3  }
0x33: {  	p0 =	seq.s32 s10, $0x1;
	s10 =	sld [smem:$0x3FA3];
	_ =	sdelay $0x3  }
0x34: {  	[smem:$0x3FA3] =	sst s10  }
0x35: {  	s10 =	sld [smem:$0x3FA2];
	_ =	sdelay $0x3  }
0x36: {  	p1 =	seq.s32 s10, $0x1;
	s10 =	sld [smem:$0x3FA3];
	_ =	sdelay $0x3  }
0x37: {  	[smem:$0x3FA3] =	sst s10  }
0x38: {  	s10 =	sld [smem:$0x3FA4]  }
0x39: {  	_ = 	snop;
	(pc) =	sbr.ind lr, $3  }
0x3a: {  	_ = 	snop  }
0x3b: {  	_ = 	snop  }
0x3c: {  	p2 =	seq.s32 s10, $0x1;
	s10 =	sld [smem:$0x3FA3]  }
0x3d: {  	_ =	shalt  }
0x3e: {  	_ =	shalt  }
0x3f: {  	_ =	shalt  }
0x40: {  	_ =	shalt  }
0x41: {  	_ =	shalt  }
0x42: {  	_ =	shalt  }
0x43: {  	_ =	shalt  }
0x44: {  	_ =	shalt  }
0x45: {  	_ =	shalt  }
0x46: {  	_ =	shalt  }
0x47: {  	_ =	shalt  }
0x48: {  	_ =	shalt  }
0x49: {  	_ =	shalt  }
0x4a: {  	_ =	shalt  }
0x4b: {  	_ =	shalt  }
0x4c: {  	_ =	shalt  }
0x4d: {  	_ =	shalt  }
0x4e: {  	_ =	shalt  }
0x4f: {  	_ =	shalt  }
0x50: {  	_ =	shalt  }
0x51: {  	_ =	shalt  }
0x52: {  	_ =	shalt  }
0x53: {  	_ =	shalt  }
0x54: {  	_ =	shalt  }
0x55: {  	_ =	shalt  }
0x56: {  	_ =	shalt  }
0x57: {  	_ =	shalt  }
0x58: {  	_ =	shalt  }
0x59: {  	_ =	shalt  }
0x5a: {  	_ =	shalt  }
0x5b: {  	_ =	shalt  }
0x5c: {  	_ =	shalt  }
0x5d: {  	_ =	shalt  }
0x5e: {  	_ =	shalt  }
0x5f: {  	_ =	shalt  }
0x60: {  	_ =	shalt  }
0x61: {  	_ =	shalt  }
0x62: {  	_ =	shalt  }
0x63: {  	_ =	shalt  }
0x64: {  	_ =	shalt  }
0x65: {  	_ =	shalt  }
0x66: {  	_ =	shalt  }
0x67: {  	_ =	shalt  }
0x68: {  	_ =	shalt  }
0x69: {  	_ =	shalt  }
0x6a: {  	_ =	shalt  }
0x6b: {  	_ =	shalt  }
0x6c: {  	_ =	shalt  }
0x6d: {  	_ =	shalt  }
0x6e: {  	_ =	shalt  }
0x6f: {  	_ =	shalt  }
0x70: {  	_ =	shalt  }
0x71: {  	_ =	shalt  }
0x72: {  	_ =	shalt  }
0x73: {  	_ =	shalt  }
0x74: {  	_ =	shalt  }
0x75: {  	_ =	shalt  }
0x76: {  	_ =	shalt  }
0x77: {  	_ =	shalt  }
0x78: {  	_ =	shalt  }
0x79: {  	_ =	shalt  }
0x7a: {  	_ =	shalt  }
0x7b: {  	_ =	shalt  }
0x7c: {  	_ =	shalt  }
0x7d: {  	_ =	shalt  }
0x7e: {  	_ =	shalt  }
0x7f: {  	_ =	shalt  }
0x80: {  	_ =	shalt  }
0x81: {  	_ =	shalt  }
0x82: {  	_ =	shalt  }
0x83: {  	_ =	shalt  }
0x84: {  	_ =	shalt  }
0x85: {  	_ =	shalt  }
0x86: {  	_ =	shalt  }
0x87: {  	_ =	shalt  }
.Lfunc_end0:
.L_simem_size_0:
called_computation_lowered:
.L_overlay_start_0:
0x88: {  	s2 =	sld [smem:$0x3FD9]  }
0x89: {  	s3 =	sld [smem:$0x3FFE];
	_ =	sdelay $0x1  }
0x8a: {  	s1 =	srdreg.scid  }
0x8b: {  	s0 =	sand.u32 $0x1, s1  }
0x8c: {  	s16 =	sshll.u32 s0, $0xA;
	s2 =	sadd.s32 s3, s2  }
0x8d: {  	s2 =	sadd.s32 s2, s16  }
0x8e: {  	[smem:$0x3FAF] =	sst s2  }
0x8f: {  	_ = 	snop  }
0x90: {  	(tm) =	ssettm $0x1  }
0x91: {  	s17 =	sld [smem:$0x3FFB];
	_ =	sdelay $0x3  }
0x92: {  	_ =	strace s17  }
0x93: {  	s2 =	sld [smem:$0x3FFC];
	_ =	sdelay $0x3  }
0x94: {  	_ =	strace s2  }
0x95: {  	s2 =	sld [smem:$0x3FFD];
	_ =	sdelay $0x3  }
0x96: {  	_ =	strace s2  }
0x97: {  	_ =	strace $0x8FFFFFFF  }
0x98: {  	s18 =	sld [smem:$0x3FDB];
	_ =	sdelay $0x1  }
0x99: {  	s19 =	simm.s32 $_scs_section_size  }
0x9a: {  	s4 =	simm.s32 $_size__tile_overlayer_lowered;
	s5 =	simm.s32 $_tile_overlayer_lowered  }
0x9b: {  	s22 =	simm.s32 $0x1BFF;
	s21 =	sshll.u32 s5, $0x1;
	s2 =	sadd.s32 s19, s18  }
0x9c: {  	s6 =	simm.s32 $0x0;
	s20 =	sshll.u32 s4, $0x1;
	s4 =	sadd.s32 s21, s2  }
0x9d: {  	[timem:s6], [sflag:s22] =	dma.local [hbm:s4], s20  }
0x9e: {  	_ =	swait.ge [sflag:s22], s20  }
0x9f: {  	s3 =	ssub.s32 $0x0, s20;
	[sflag:s22] =	ssyncset.done $0x0  }
0xa0: {  	[sflag:s22] =	ssyncadd.s32 s3;
	_ =	sdelay $0x1  }
0xa1: {  	s23 =	simm.s32 $0x1B8B  }
0xa2: {  	_ =	swait.ge [sflag:s23], $0x1  }
0xa3: {  	[sflag:s23] =	ssyncset.done $0x0  }
0xa4: {  	s25 =	simm.s32 $0x1B8E;
	s24 =	sld [smem:$0x3FFE];
	[sflag:s23] =	ssyncadd.s32 $0xFFFFFFFF  }
0xa5: {  	s26 =	simm.s32 $execute0_lowered;
	[smem:$0x3FD2] =	sst s25  }
0xa6: {  	s4 =	sshll.u32 s26, $0x1;
	_ =	strace $0x80000046;
	[dreg:$0x1] =	wrdreg $0xFFFFFFFF  }
0xa7: {  	s28 =	simm.s32 $_size_execute0_lowered;
	s2 =	sadd.s32 s2, s4;
	[dreg:$0x0] =	wrdreg $0x0  }
0xa8: {  	s4 =	sshll.u32 s28, $0x1;
	[dreg:$0x2] =	wrdreg s2  }
0xa9: {  	[dreg:$0x3] =	wrdreg s4  }
0xaa: {  	[dreg:$0x4] =	wrdreg $0xC0  }
0xab: {  	_ =	task [dreg:s6], $0x5FFFF  }
0xac: {  	[dreg:$0x1] =	wrdreg $0xFFFFFFFF  }
0xad: {  	[dreg:$0x0] =	wrdreg $0x60  }
0xae: {  	[dreg:$0x2] =	wrdreg s24  }
0xaf: {  	[dreg:$0x3] =	wrdreg $0x9  }
0xb0: {  	_ =	task.clear_ibuf [dreg:s6], $0x4FFFF;
	_ =	strace $0x90000046  }
0xb1: {  	s29 =	simm.s32 $0x9;
	_ =	strace $0x80000048  }
0xb2: {  	_ =	swait.ge [sflag:s29], $0x1  }
0xb3: {  	[sflag:s29] =	ssyncadd.s32 $0xFFFFFFFF  }
0xb4: {  	_ =	strace $0x90000048  }
0xb5: {  	_ =	sfence  }
0xb6: {  	s30 =	sld [smem:$0x0];
	_ =	sdelay $0x2  }
0xb7: {  	s31 =	sshll.u32 s1, $0xD;
	s1 =	sshrl.u32 s1, $0x2  }
0xb8: {  	s3 =	sand.u32 $0x4000, s31;
	s1 =	sadd.s32 s1, s30  }
0xb9: {  	s0 =	sor.u32 s3, s0;
	s1 =	sshll.u32 s1, $0x11  }
0xba: {  	s0 =	sor.u32 s1, s0  }
0xbb: {  	s0 =	sadd.s32 $0x8F2B, s0  }
0xbc: {  	[sflag:s0] =	ssyncadd.remote.s32 $0x1  }
0xbd: {  	_ =	sfence.sel $0xFFFF  }
0xbe: {  	[dreg:$0x0] =	wrdreg $0xFFFFFFFF;
	(pc) =	sbr.abs _section_cstart, $3  }
0xbf: {  	[dreg:$0x1] =	wrdreg $0xFFFFFFFF  }
0xc0: {  	_ =	task.clear_ibuf [dreg:s6], $0x2FFFF;
	_ =	strace $0x9FFFFFFF  }
0xc1: {  	(tm) =	ssettm $0x7FFFFFFF  }
tec
execute0_lowered:
.L_overlay_start_1:
0x0: {  	(tag) =	ssettag $0x1  }
0x1: {  	s0 =	srdreg.scid  }
0x2: {  	s11 =	stileid.u32;
	s5 =	rddreg [dreg:$0x0];
	s2 =	simm.s32 $0x0  }
0x3: {  	s13 =	simm.s32 $0x80;
	s14 =	simm.s32 $0xC400;
	s15 =	simm.s32 $0xD400  }
0x4: {  	s28 =	simm.s32 $0x3;
	s29 =	simm.s32 $0x4;
	s6 =	smul.u32 $0x188, s11  }
0x5: {  	s30 =	simm.s32 $0x0;
	s0 =	sand.u32 $0x1, s0;
	s22 =	smul.u32 $0xC400, s11  }
0x6: {  	s1 =	sshll.u32 s11, $0x1;
	[smem:$0x7FF] =	sst s2;
	s11 =	smul.u32 $0x31000, s11  }
0x7: {  	s3 =	sadd.s32 $0x7800, s5;
	s4 =	sadd.s32 $0x38600, s5;
	s7 =	smul.u32 $0xC4, s0  }
0x8: {  	s16 =	sadd.s32 $0x315000, s5;
	s1 =	sor.u32 s0, s1;
	s25 =	smul.u32 $0x18800, s0  }
0x9: {  	_ =	strace $0x80000047;
	s8 =	ssub.s32 $0x2, s0;
	s0 =	smul.u32 $0x6200, s0  }
0xa: {  	s1 =	smul.u32 $0xC40, s1;
	s9 =	sshrl.u32 s8, $0x1;
	s6 =	sadd.s32 s7, s6  }
0xb: {  	s8 =	ssub.s32 s8, s9;
	s7 =	sadd.s32 s11, s16;
	s11 =	simm.s32 $0x5  }
0xc: {  	s1 =	sadd.s32 s1, s5;
	s10 =	sor.u32 $0x2, s6;
	s5 =	sadd.s32 $0x75A00, s5  }
0xd: {  	s8 =	smax.u32 s8, $0x1;
	s21 =	sshll.u32 s6, $0x7;
	s24 =	sshll.u32 s6, $0x9  }
0xe: {  	s31 =	sadd.s32 s25, s7;
	s25 =	simm.s32 $0x1;
	[dreg:$0x7] =	wrdreg s8  }
0xf: {  	s17 =	sshrl.u32 s10, $0x1;
	s18 =	sadd.s32 $0x5D200, s1;
	[dreg:$0x4] =	wrdreg s31  }
0x10: {  	s1 =	sadd.s32 $0x44A00, s1;
	s23 =	sadd.s32 s21, s5;
	[dreg:$0x5] =	wrdreg s18  }
0x11: {  	s26 =	sadd.s32 s22, s5;
	s22 =	simm.s32 $0xFC00;
	[dreg:$0x6] =	wrdreg s1  }
0x12: {  	s19 =	sshll.u32 s17, $0x8;
	s20 =	sshll.u32 s17, $0xA;
	s0 =	sadd.s32 s0, s26  }
0x13: {  	s18 =	simm.s32 $0xE800;
	s1 =	sadd.s32 s19, s5;
	[dreg:$0xa] =	wrdreg s0  }
0x14: {  	s26 =	simm.s32 $0x2;
	[dreg:$0x8] =	wrdreg s1;
	s1 =	sadd.s32 s20, s16  }
0x15: {  	s20 =	simm.s32 $0xEC00;
	[dreg:$0x2] =	wrdreg s1;
	s1 =	sadd.s32 $0x180, s23  }
0x16: {  	s23 =	simm.s32 $0x10000;
	[dreg:$0x9] =	wrdreg s1;
	s1 =	sadd.s32 s24, s16  }
0x17: {  	s16 =	simm.s32 $0xD800;
	s24 =	simm.s32 $0x11000;
	[dreg:$0x3] =	wrdreg s1  }
.LBB2_1:
0x18: {  	s0 =	rddreg [dreg:$0x5]  }
0x19: {  	[tilespmem:s2], [sflag:$0x5] =	stream.linear.gather [hbm4b:s0+s2], $0x6200, $0x38;
	[tilespmem:$0x11400] =	vst v63  }
0x1a: {  	_ =	swait.ge [sflag:s11], $0x6200  }
0x1b: {  	[sflag:s11] =	ssyncset.done $0x0  }
0x1c: {  	s1 =	simm.s32 $0x6200;
	s21 =	rddreg [dreg:$0x6];
	[sflag:s11] =	ssyncadd.s32 $0xFFFF9E00  }
0x1d: {  	[tilespmem:s1], [sflag:$0x5] =	stream.linear.gather [hbm4b:s21+s2], $0x6200, $0x38;
	[tilespmem:$0x11400] =	vst v63  }
0x1e: {  	_ =	swait.ge [sflag:s11], $0x6200  }
0x1f: {  	[sflag:s11] =	ssyncset.done $0x0  }
0x20: {  	[sflag:s11] =	ssyncadd.s32 $0xFFFF9E00  }
0x21: {  	[tilespmem:s14], [sflag:$0x1] =	stream.indirect.gather [hbm4b:s3+s13], $0x20, s2, s13, $0xb8;
	[tilespmem:$0x11400] =	vst v63  }
0x22: {  	_ = 	snop  }
0x23: {  	[tilespmem:s15], [sflag:$0x1] =	stream.indirect.gather [hbm4b:s4+s13], $0x8, s1, s13, $0xb8;
	[tilespmem:$0x11400] =	vst v63  }
0x24: {  	_ = 	snop  }
0x25: {  	[tilespmem:s16], [sflag:$0x2] =	stream.indirect.gather [hbm4b:s3+s13], $0x20, s13, s13, $0xb8;
	[tilespmem:$0x11400] =	vst v63  }
0x26: {  	s5 =	simm.s32 $0x6280  }
0x27: {  	[tilespmem:s18], [sflag:$0x2] =	stream.indirect.gather [hbm4b:s4+s13], $0x8, s5, s13, $0xb8;
	[tilespmem:$0x11400] =	vst v63  }
0x28: {  	s6 =	simm.s32 $0x100  }
0x29: {  	[tilespmem:s20], [sflag:$0x3] =	stream.indirect.gather [hbm4b:s3+s13], $0x20, s6, s13, $0xb8;
	[tilespmem:$0x11400] =	vst v63  }
0x2a: {  	s7 =	simm.s32 $0x6300  }
0x2b: {  	[tilespmem:s22], [sflag:$0x3] =	stream.indirect.gather [hbm4b:s4+s13], $0x8, s7, s13, $0xb8;
	[tilespmem:$0x11400] =	vst v63  }
0x2c: {  	s8 =	simm.s32 $0x180  }
0x2d: {  	[tilespmem:s23], [sflag:$0x4] =	stream.indirect.gather [hbm4b:s3+s13], $0x20, s8, s13, $0xb8;
	[tilespmem:$0x11400] =	vst v63  }
0x2e: {  	s9 =	simm.s32 $0x6380  }
0x2f: {  	[tilespmem:s24], [sflag:$0x4] =	stream.indirect.gather [hbm4b:s4+s13], $0x8, s9, s13, $0xb8;
	[tilespmem:$0x11400] =	vst v63  }
0x30: {  	_ =	swait.ge [sflag:s25], $0x1000  }
0x31: {  	[sflag:s25] =	ssyncset.done $0x0  }
0x32: {  	[sflag:s25] =	ssyncadd.s32 $0xFFFFF000  }
0x33: {  	_ =	swait.ge [sflag:s25], $0x400  }
0x34: {  	s10 =	rddreg [dreg:$0x4];
	[sflag:s25] =	ssyncset.done $0x0  }
0x35: {  	[sflag:s25] =	ssyncadd.s32 $0xFFFFFC00;
	s0 =	sadd.s32 $0x0, s10  }
0x36: {  	[hbm4b:s0+s2] =	stream.linear.scatter [tilespmem:s14], [sflag:$0x5], $0x1000, $0x38;
	[tilespmem:$0x11400] =	vst v63  }
0x37: {  	_ =	swait.ge [sflag:s11], $0x1000  }
0x38: {  	[sflag:s11] =	ssyncset.done $0x0  }
0x39: {  	s9 =	rddreg [dreg:$0xa];
	[sflag:s11] =	ssyncadd.s32 $0xFFFFF000  }
0x3a: {  	[hbm4b:s9+s2] =	stream.linear.scatter [tilespmem:s15], [sflag:$0x5], $0x400, $0x38;
	[tilespmem:$0x11400] =	vst v63  }
0x3b: {  	p0 =	por $0x0, $0x0;
	_ =	swait.ge [sflag:s11], $0x400  }
0x3c: {  	s1 =	simm.s32 @!p0 $0x200;
	[sflag:s11] =	ssyncset.done $0x0  }
0x3d: {  	s5 =	simm.s32 @!p0 $0x80;
	s0 =	simm.s32 @!p0 $0xC400;
	[sflag:s11] =	ssyncadd.s32 $0xFFFFFC00  }
0x3e: {  	[tilespmem:s0], [sflag:$0x1] =	stream.indirect.gather @!p0 [hbm4b:s3+s5], $0x20, s1, s5, $0xb8;
	[tilespmem:$0x11400] =	vst v63  }
0x3f: {  	s0 =	simm.s32 @!p0 $0x6400;
	s1 =	simm.s32 @!p0 $0xD400  }
0x40: {  	[tilespmem:s1], [sflag:$0x1] =	stream.indirect.gather @!p0 [hbm4b:s4+s5], $0x8, s0, s5, $0xb8;
	[tilespmem:$0x11400] =	vst v63  }
0x41: {  	_ =	swait.ge [sflag:s26], $0x1000  }
0x42: {  	[sflag:s26] =	ssyncset.done $0x0  }
0x43: {  	[sflag:s26] =	ssyncadd.s32 $0xFFFFF000  }
0x44: {  	_ =	swait.ge [sflag:s26], $0x400  }
0x45: {  	s12 =	rddreg [dreg:$0x3]  }
0x46: {  	[sflag:s26] =	ssyncset.done $0x0;
	s0 =	sadd.s32 $0x0, s12  }
0x47: {  	[sflag:s26] =	ssyncadd.s32 $0xFFFFFC00;
	s17 =	sadd.s32 $0x200, s0  }
0x48: {  	[hbm4b:s17+s2] =	stream.linear.scatter [tilespmem:s16], [sflag:$0x5], $0x1000, $0x38;
	[tilespmem:$0x11400] =	vst v63  }
0x49: {  	_ =	swait.ge [sflag:s11], $0x1000  }
0x4a: {  	[sflag:s11] =	ssyncset.done $0x0;
	s8 =	rddreg [dreg:$0x9]  }
0x4b: {  	[sflag:s11] =	ssyncadd.s32 $0xFFFFF000;
	s19 =	sadd.s32 $0xFFFFFF00, s8  }
0x4c: {  	[hbm4b:s19+s2] =	stream.linear.scatter [tilespmem:s18], [sflag:$0x5], $0x400, $0x38;
	[tilespmem:$0x11400] =	vst v63  }
0x4d: {  	_ =	swait.ge [sflag:s11], $0x400  }
0x4e: {  	[sflag:s11] =	ssyncset.done $0x0  }
0x4f: {  	s6 =	simm.s32 @!p0 $0xD800;
	s1 =	simm.s32 @!p0 $0x280;
	[sflag:s11] =	ssyncadd.s32 $0xFFFFFC00  }
0x50: {  	[tilespmem:s6], [sflag:$0x2] =	stream.indirect.gather @!p0 [hbm4b:s3+s5], $0x20, s1, s5, $0xb8;
	[tilespmem:$0x11400] =	vst v63  }
0x51: {  	s1 =	simm.s32 @!p0 $0x6480;
	s6 =	simm.s32 @!p0 $0xE800  }
0x52: {  	[tilespmem:s6], [sflag:$0x2] =	stream.indirect.gather @!p0 [hbm4b:s4+s5], $0x8, s1, s5, $0xb8;
	[tilespmem:$0x11400] =	vst v63  }
0x53: {  	_ =	swait.ge [sflag:s28], $0x1000  }
0x54: {  	[sflag:s28] =	ssyncset.done $0x0  }
0x55: {  	[sflag:s28] =	ssyncadd.s32 $0xFFFFF000  }
0x56: {  	_ =	swait.ge [sflag:s28], $0x400  }
0x57: {  	s21 =	rddreg [dreg:$0x2];
	[sflag:s28] =	ssyncset.done $0x0  }
0x58: {  	[sflag:s28] =	ssyncadd.s32 $0xFFFFFC00;
	s1 =	sadd.s32 $0x0, s21  }
0x59: {  	[hbm4b:s1+s2] =	stream.linear.scatter [tilespmem:s20], [sflag:$0x5], $0x1000, $0x38;
	[tilespmem:$0x11400] =	vst v63  }
0x5a: {  	_ =	swait.ge [sflag:s11], $0x1000  }
0x5b: {  	[sflag:s11] =	ssyncset.done $0x0  }
0x5c: {  	s7 =	rddreg [dreg:$0x8];
	[sflag:s11] =	ssyncadd.s32 $0xFFFFF000  }
0x5d: {  	[hbm4b:s7+s2] =	stream.linear.scatter [tilespmem:s22], [sflag:$0x5], $0x400, $0x38;
	[tilespmem:$0x11400] =	vst v63  }
0x5e: {  	_ =	swait.ge [sflag:s11], $0x400  }
0x5f: {  	[sflag:s11] =	ssyncset.done $0x0  }
0x60: {  	s6 =	simm.s32 @!p0 $0xEC00;
	s1 =	simm.s32 @!p0 $0x300;
	[sflag:s11] =	ssyncadd.s32 $0xFFFFFC00  }
0x61: {  	[tilespmem:s6], [sflag:$0x3] =	stream.indirect.gather @!p0 [hbm4b:s3+s5], $0x20, s1, s5, $0xb8;
	[tilespmem:$0x11400] =	vst v63  }
0x62: {  	s1 =	simm.s32 @!p0 $0x6500;
	s6 =	simm.s32 @!p0 $0xFC00  }
0x63: {  	[tilespmem:s6], [sflag:$0x3] =	stream.indirect.gather @!p0 [hbm4b:s4+s5], $0x8, s1, s5, $0xb8;
	[tilespmem:$0x11400] =	vst v63  }
0x64: {  	_ =	swait.ge [sflag:s29], $0x1000  }
0x65: {  	[sflag:s29] =	ssyncset.done $0x0  }
0x66: {  	[sflag:s29] =	ssyncadd.s32 $0xFFFFF000  }
0x67: {  	_ =	swait.ge [sflag:s29], $0x400  }
0x68: {  	[sflag:s29] =	ssyncset.done $0x0  }
0x69: {  	s0 =	sadd.s32 $0x600, s0;
	[sflag:s29] =	ssyncadd.s32 $0xFFFFFC00  }
0x6a: {  	[hbm4b:s0+s2] =	stream.linear.scatter [tilespmem:s23], [sflag:$0x5], $0x1000, $0x38;
	[tilespmem:$0x11400] =	vst v63  }
0x6b: {  	_ =	swait.ge [sflag:s11], $0x1000  }
0x6c: {  	[sflag:s11] =	ssyncset.done $0x0  }
0x6d: {  	s17 =	sadd.s32 $0x200, s9;
	s31 =	sadd.s32 $0x200, s8;
	[sflag:s11] =	ssyncadd.s32 $0xFFFFF000  }
0x6e: {  	[hbm4b:s8+s2] =	stream.linear.scatter [tilespmem:s24], [sflag:$0x5], $0x400, $0x38;
	[tilespmem:$0x11400] =	vst v63  }
0x6f: {  	s19 =	simm.s32 $0x1000;
	s1 =	simm.s32 $0x800;
	_ =	swait.ge [sflag:s11], $0x400  }
0x70: {  	s5 =	simm.s32 $0x200;
	s0 =	sadd.s32 $0x200, s7;
	[sflag:s11] =	ssyncset.done $0x0  }
.LBB2_2:
0x71: {  	s6 =	sadd.s32 $0x180, s5;
	[sflag:s11] =	ssyncadd.s32 $0xFFFFFC00  }
0x72: {  	[tilespmem:s23], [sflag:$0x4] =	stream.indirect.gather [hbm4b:s3+s13], $0x20, s6, s13, $0xb8;
	[tilespmem:$0x11400] =	vst v63  }
0x73: {  	s7 =	sadd.s32 $0x6380, s5  }
0x74: {  	[tilespmem:s24], [sflag:$0x4] =	stream.indirect.gather [hbm4b:s4+s13], $0x8, s7, s13, $0xb8;
	[tilespmem:$0x11400] =	vst v63  }
0x75: {  	_ =	swait.ge [sflag:s25], $0x1000  }
0x76: {  	[sflag:s25] =	ssyncset.done $0x0  }
0x77: {  	[sflag:s25] =	ssyncadd.s32 $0xFFFFF000  }
0x78: {  	_ =	swait.ge [sflag:s25], $0x400  }
0x79: {  	s8 =	rddreg [dreg:$0x4];
	[sflag:s25] =	ssyncset.done $0x0  }
0x7a: {  	[sflag:s25] =	ssyncadd.s32 $0xFFFFFC00;
	s5 =	sadd.s32 s1, s8  }
0x7b: {  	[hbm4b:s5+s2] =	stream.linear.scatter [tilespmem:s14], [sflag:$0x5], $0x1000, $0x38;
	[tilespmem:$0x11400] =	vst v63  }
0x7c: {  	_ =	swait.ge [sflag:s11], $0x1000  }
0x7d: {  	[sflag:s11] =	ssyncset.done $0x0  }
0x7e: {  	p1 =	seq.s32 s1, $0x18000;
	[sflag:s11] =	ssyncadd.s32 $0xFFFFF000  }
0x7f: {  	[hbm4b:s17+s2] =	stream.linear.scatter [tilespmem:s15], [sflag:$0x5], $0x400, $0x38;
	[tilespmem:$0x11400] =	vst v63  }
0x80: {  	s6 =	sshra.s32 @!p1 s1, $0x2;
	_ =	swait.ge [sflag:s11], $0x400  }
0x81: {  	s12 =	sadd.s32 @!p1 $0x200, s6;
	[sflag:s11] =	ssyncset.done $0x0  }
0x82: {  	s7 =	simm.s32 @!p1 $0xC400;
	s5 =	simm.s32 @!p1 $0x80;
	[sflag:s11] =	ssyncadd.s32 $0xFFFFFC00  }
0x83: {  	[tilespmem:s7], [sflag:$0x1] =	stream.indirect.gather @!p1 [hbm4b:s3+s5], $0x20, s12, s5, $0xb8;
	[tilespmem:$0x11400] =	vst v63  }
0x84: {  	s7 =	sadd.s32 @!p1 $0x6400, s6;
	s12 =	simm.s32 @!p1 $0xD400  }
0x85: {  	[tilespmem:s12], [sflag:$0x1] =	stream.indirect.gather @!p1 [hbm4b:s4+s5], $0x8, s7, s5, $0xb8;
	[tilespmem:$0x11400] =	vst v63  }
0x86: {  	_ =	swait.ge [sflag:s26], $0x1000  }
0x87: {  	[sflag:s26] =	ssyncset.done $0x0  }
0x88: {  	[sflag:s26] =	ssyncadd.s32 $0xFFFFF000  }
0x89: {  	s10 =	sadd.s32 @!p1 $0x6480, s6;
	_ =	swait.ge [sflag:s26], $0x400  }
0x8a: {  	s8 =	sadd.s32 @!p1 $0x280, s6;
	s12 =	sadd.s32 @!p1 $0x300, s6;
	s9 =	rddreg [dreg:$0x3]  }
0x8b: {  	s7 =	sadd.s32 @!p1 $0x6500, s6;
	[sflag:s26] =	ssyncset.done $0x0;
	s6 =	sadd.s32 s1, s9  }
0x8c: {  	[sflag:s26] =	ssyncadd.s32 $0xFFFFFC00;
	s9 =	sadd.s32 $0x200, s6  }
0x8d: {  	[hbm4b:s9+s2] =	stream.linear.scatter [tilespmem:s16], [sflag:$0x5], $0x1000, $0x38;
	[tilespmem:$0x11400] =	vst v63  }
0x8e: {  	_ =	swait.ge [sflag:s11], $0x1000  }
0x8f: {  	[sflag:s11] =	ssyncset.done $0x0  }
0x90: {  	s9 =	sadd.s32 $0xFFFFFF00, s31;
	[sflag:s11] =	ssyncadd.s32 $0xFFFFF000  }
0x91: {  	[hbm4b:s9+s2] =	stream.linear.scatter [tilespmem:s18], [sflag:$0x5], $0x400, $0x38;
	[tilespmem:$0x11400] =	vst v63  }
0x92: {  	_ =	swait.ge [sflag:s11], $0x400  }
0x93: {  	[sflag:s11] =	ssyncset.done $0x0  }
0x94: {  	s9 =	simm.s32 @!p1 $0xD800;
	[sflag:s11] =	ssyncadd.s32 $0xFFFFFC00  }
0x95: {  	[tilespmem:s9], [sflag:$0x2] =	stream.indirect.gather @!p1 [hbm4b:s3+s5], $0x20, s8, s5, $0xb8;
	[tilespmem:$0x11400] =	vst v63  }
0x96: {  	s8 =	simm.s32 @!p1 $0xE800  }
0x97: {  	[tilespmem:s8], [sflag:$0x2] =	stream.indirect.gather @!p1 [hbm4b:s4+s5], $0x8, s10, s5, $0xb8;
	[tilespmem:$0x11400] =	vst v63  }
0x98: {  	_ =	swait.ge [sflag:s28], $0x1000  }
0x99: {  	[sflag:s28] =	ssyncset.done $0x0  }
0x9a: {  	[sflag:s28] =	ssyncadd.s32 $0xFFFFF000  }
0x9b: {  	_ =	swait.ge [sflag:s28], $0x400  }
0x9c: {  	s10 =	rddreg [dreg:$0x2];
	[sflag:s28] =	ssyncset.done $0x0  }
0x9d: {  	[sflag:s28] =	ssyncadd.s32 $0xFFFFFC00;
	s8 =	sadd.s32 s1, s10  }
0x9e: {  	[hbm4b:s8+s2] =	stream.linear.scatter [tilespmem:s20], [sflag:$0x5], $0x1000, $0x38;
	[tilespmem:$0x11400] =	vst v63  }
0x9f: {  	_ =	swait.ge [sflag:s11], $0x1000  }
0xa0: {  	[sflag:s11] =	ssyncset.done $0x0  }
0xa1: {  	[sflag:s11] =	ssyncadd.s32 $0xFFFFF000  }
0xa2: {  	[hbm4b:s0+s2] =	stream.linear.scatter [tilespmem:s22], [sflag:$0x5], $0x400, $0x38;
	[tilespmem:$0x11400] =	vst v63  }
0xa3: {  	_ =	swait.ge [sflag:s11], $0x400  }
0xa4: {  	[sflag:s11] =	ssyncset.done $0x0  }
0xa5: {  	s8 =	simm.s32 @!p1 $0xEC00;
	[sflag:s11] =	ssyncadd.s32 $0xFFFFFC00  }
0xa6: {  	[tilespmem:s8], [sflag:$0x3] =	stream.indirect.gather @!p1 [hbm4b:s3+s5], $0x20, s12, s5, $0xb8;
	[tilespmem:$0x11400] =	vst v63  }
0xa7: {  	s8 =	simm.s32 @!p1 $0xFC00  }
0xa8: {  	[tilespmem:s8], [sflag:$0x3] =	stream.indirect.gather @!p1 [hbm4b:s4+s5], $0x8, s7, s5, $0xb8;
	[tilespmem:$0x11400] =	vst v63  }
0xa9: {  	_ =	swait.ge [sflag:s29], $0x1000  }
0xaa: {  	[sflag:s29] =	ssyncset.done $0x0  }
0xab: {  	[sflag:s29] =	ssyncadd.s32 $0xFFFFF000  }
0xac: {  	_ =	swait.ge [sflag:s29], $0x400  }
0xad: {  	s21 =	smov.u32 s19;
	s19 =	sadd.s32 $0x800, s19;
	[sflag:s29] =	ssyncset.done $0x0  }
0xae: {  	s1 =	smov.u32 s21;
	s21 =	sadd.s32 $0x600, s6;
	[sflag:s29] =	ssyncadd.s32 $0xFFFFFC00  }
0xaf: {  	[hbm4b:s21+s2] =	stream.linear.scatter [tilespmem:s23], [sflag:$0x5], $0x1000, $0x38;
	[tilespmem:$0x11400] =	vst v63  }
0xb0: {  	p0 =	sne.s32 s19, $0x18800;
	_ =	swait.ge [sflag:s11], $0x1000  }
.Ltmp0:
0xb1: {  	[sflag:s11] =	ssyncset.done $0x0;
	(pc) =	sbr.rel @p0 .LBB2_2-.Ltmp0, $4  }
0xb2: {  	[sflag:s11] =	ssyncadd.s32 $0xFFFFF000  }
0xb3: {  	[hbm4b:s31+s2] =	stream.linear.scatter [tilespmem:s24], [sflag:$0x5], $0x400, $0x38;
	[tilespmem:$0x11400] =	vst v63  }
0xb4: {  	s17 =	sadd.s32 $0x200, s17;
	s0 =	sadd.s32 $0x200, s0;
	_ =	swait.ge [sflag:s11], $0x400  }
0xb5: {  	s5 =	sshra.s32 s1, $0x2;
	s31 =	sadd.s32 $0x200, s31;
	[sflag:s11] =	ssyncset.done $0x0  }
0xb6: {  	s6 =	sadd.s32 $0x180, s5;
	[sflag:s11] =	ssyncadd.s32 $0xFFFFFC00  }
0xb7: {  	[tilespmem:s23], [sflag:$0x4] =	stream.indirect.gather [hbm4b:s3+s13], $0x20, s6, s13, $0xb8;
	[tilespmem:$0x11400] =	vst v63  }
0xb8: {  	s7 =	sadd.s32 $0x6380, s5  }
0xb9: {  	[tilespmem:s24], [sflag:$0x4] =	stream.indirect.gather [hbm4b:s4+s13], $0x8, s7, s13, $0xb8;
	[tilespmem:$0x11400] =	vst v63  }
0xba: {  	_ =	swait.ge [sflag:s25], $0x1000  }
0xbb: {  	[sflag:s25] =	ssyncset.done $0x0  }
0xbc: {  	[sflag:s25] =	ssyncadd.s32 $0xFFFFF000  }
0xbd: {  	_ =	swait.ge [sflag:s25], $0x400  }
0xbe: {  	s8 =	rddreg [dreg:$0x4];
	[sflag:s25] =	ssyncset.done $0x0  }
0xbf: {  	[sflag:s25] =	ssyncadd.s32 $0xFFFFFC00;
	s5 =	sadd.s32 s1, s8  }
0xc0: {  	[hbm4b:s5+s2] =	stream.linear.scatter [tilespmem:s14], [sflag:$0x5], $0x1000, $0x38;
	[tilespmem:$0x11400] =	vst v63  }
0xc1: {  	_ =	swait.ge [sflag:s11], $0x1000  }
0xc2: {  	[sflag:s11] =	ssyncset.done $0x0  }
0xc3: {  	[sflag:s11] =	ssyncadd.s32 $0xFFFFF000  }
0xc4: {  	[hbm4b:s17+s2] =	stream.linear.scatter [tilespmem:s15], [sflag:$0x5], $0x400, $0x38;
	[tilespmem:$0x11400] =	vst v63  }
0xc5: {  	p0 =	seq.s32 s1, $0x18000;
	_ =	swait.ge [sflag:s11], $0x400  }
0xc6: {  	s6 =	simm.s32 @!p0 $0xC400;
	s5 =	sshra.s32 @!p0 s1, $0x2;
	[sflag:s11] =	ssyncset.done $0x0  }
0xc7: {  	s8 =	simm.s32 @!p0 $0x80;
	s7 =	sadd.s32 @!p0 $0x200, s5;
	[sflag:s11] =	ssyncadd.s32 $0xFFFFFC00  }
0xc8: {  	[tilespmem:s6], [sflag:$0x1] =	stream.indirect.gather @!p0 [hbm4b:s3+s8], $0x20, s7, s8, $0xb8;
	[tilespmem:$0x11400] =	vst v63  }
0xc9: {  	s6 =	sadd.s32 @!p0 $0x6400, s5;
	s7 =	simm.s32 @!p0 $0xD400  }
0xca: {  	[tilespmem:s7], [sflag:$0x1] =	stream.indirect.gather @!p0 [hbm4b:s4+s8], $0x8, s6, s8, $0xb8;
	[tilespmem:$0x11400] =	vst v63  }
0xcb: {  	_ =	swait.ge [sflag:s26], $0x1000  }
0xcc: {  	[sflag:s26] =	ssyncset.done $0x0  }
0xcd: {  	[sflag:s26] =	ssyncadd.s32 $0xFFFFF000  }
0xce: {  	_ =	swait.ge [sflag:s26], $0x400  }
0xcf: {  	s9 =	rddreg [dreg:$0x3]  }
0xd0: {  	[sflag:s26] =	ssyncset.done $0x0;
	s6 =	sadd.s32 s1, s9  }
0xd1: {  	[sflag:s26] =	ssyncadd.s32 $0xFFFFFC00;
	s10 =	sadd.s32 $0x200, s6  }
0xd2: {  	[hbm4b:s10+s2] =	stream.linear.scatter [tilespmem:s16], [sflag:$0x5], $0x1000, $0x38;
	[tilespmem:$0x11400] =	vst v63  }
0xd3: {  	_ =	swait.ge [sflag:s11], $0x1000  }
0xd4: {  	[sflag:s11] =	ssyncset.done $0x0  }
0xd5: {  	s12 =	sadd.s32 $0xFFFFFF00, s31;
	[sflag:s11] =	ssyncadd.s32 $0xFFFFF000  }
0xd6: {  	[hbm4b:s12+s2] =	stream.linear.scatter [tilespmem:s18], [sflag:$0x5], $0x400, $0x38;
	[tilespmem:$0x11400] =	vst v63  }
0xd7: {  	_ =	swait.ge [sflag:s11], $0x400  }
0xd8: {  	[sflag:s11] =	ssyncset.done $0x0  }
0xd9: {  	s7 =	sadd.s32 @!p0 $0x280, s5;
	s9 =	simm.s32 @!p0 $0xD800;
	[sflag:s11] =	ssyncadd.s32 $0xFFFFFC00  }
0xda: {  	[tilespmem:s9], [sflag:$0x2] =	stream.indirect.gather @!p0 [hbm4b:s3+s8], $0x20, s7, s8, $0xb8;
	[tilespmem:$0x11400] =	vst v63  }
0xdb: {  	s7 =	sadd.s32 @!p0 $0x6480, s5;
	s9 =	simm.s32 @!p0 $0xE800  }
0xdc: {  	[tilespmem:s9], [sflag:$0x2] =	stream.indirect.gather @!p0 [hbm4b:s4+s8], $0x8, s7, s8, $0xb8;
	[tilespmem:$0x11400] =	vst v63  }
0xdd: {  	_ =	swait.ge [sflag:s28], $0x1000  }
0xde: {  	[sflag:s28] =	ssyncset.done $0x0  }
0xdf: {  	[sflag:s28] =	ssyncadd.s32 $0xFFFFF000  }
0xe0: {  	_ =	swait.ge [sflag:s28], $0x400  }
0xe1: {  	s17 =	rddreg [dreg:$0x2];
	[sflag:s28] =	ssyncset.done $0x0  }
0xe2: {  	s19 =	sadd.s32 s1, s17;
	[sflag:s28] =	ssyncadd.s32 $0xFFFFFC00  }
0xe3: {  	[hbm4b:s19+s2] =	stream.linear.scatter [tilespmem:s20], [sflag:$0x5], $0x1000, $0x38;
	[tilespmem:$0x11400] =	vst v63  }
0xe4: {  	_ =	swait.ge [sflag:s11], $0x1000  }
0xe5: {  	[sflag:s11] =	ssyncset.done $0x0  }
0xe6: {  	[sflag:s11] =	ssyncadd.s32 $0xFFFFF000  }
0xe7: {  	[hbm4b:s0+s2] =	stream.linear.scatter [tilespmem:s22], [sflag:$0x5], $0x400, $0x38;
	[tilespmem:$0x11400] =	vst v63  }
0xe8: {  	_ =	swait.ge [sflag:s11], $0x400  }
0xe9: {  	[sflag:s11] =	ssyncset.done $0x0  }
0xea: {  	s1 =	simm.s32 @!p0 $0xEC00;
	s0 =	sadd.s32 @!p0 $0x300, s5;
	[sflag:s11] =	ssyncadd.s32 $0xFFFFFC00  }
0xeb: {  	[tilespmem:s1], [sflag:$0x3] =	stream.indirect.gather @!p0 [hbm4b:s3+s8], $0x20, s0, s8, $0xb8;
	[tilespmem:$0x11400] =	vst v63  }
0xec: {  	s0 =	sadd.s32 @!p0 $0x6500, s5;
	s1 =	simm.s32 @!p0 $0xFC00  }
0xed: {  	[tilespmem:s1], [sflag:$0x3] =	stream.indirect.gather @!p0 [hbm4b:s4+s8], $0x8, s0, s8, $0xb8;
	[tilespmem:$0x11400] =	vst v63  }
0xee: {  	_ =	swait.ge [sflag:s29], $0x1000  }
0xef: {  	[sflag:s29] =	ssyncset.done $0x0  }
0xf0: {  	[sflag:s29] =	ssyncadd.s32 $0xFFFFF000  }
0xf1: {  	_ =	swait.ge [sflag:s29], $0x400  }
0xf2: {  	[sflag:s29] =	ssyncset.done $0x0  }
0xf3: {  	s21 =	sadd.s32 $0x600, s6;
	[sflag:s29] =	ssyncadd.s32 $0xFFFFFC00  }
0xf4: {  	[hbm4b:s21+s2] =	stream.linear.scatter [tilespmem:s23], [sflag:$0x5], $0x1000, $0x38;
	[tilespmem:$0x11400] =	vst v63  }
0xf5: {  	_ =	swait.ge [sflag:s11], $0x1000  }
0xf6: {  	[sflag:s11] =	ssyncset.done $0x0  }
0xf7: {  	[sflag:s11] =	ssyncadd.s32 $0xFFFFF000  }
0xf8: {  	[hbm4b:s31+s2] =	stream.linear.scatter [tilespmem:s24], [sflag:$0x5], $0x400, $0x38;
	[tilespmem:$0x11400] =	vst v63  }
0xf9: {  	_ =	swait.ge [sflag:s11], $0x400  }
0xfa: {  	s30 =	sadd.s32 $0x1, s30;
	s31 =	rddreg [dreg:$0x7]  }
0xfb: {  	p0 =	sne.s32 s30, s31  }
.Ltmp1:
0xfc: {  	_ = 	snop;
	(pc) =	sbr.rel @p0 .LBB2_1-.Ltmp1, $3  }
0xfd: {  	_ =	sdelay $0x1  }
0xfe: {  	[sflag:s11] =	ssyncset.done $0x0  }
0xff: {  	[sflag:s11] =	ssyncadd.s32 $0xFFFFFC00  }
0x100: {  	_ =	sfence.sel $0x180000  }
0x101: {  	[bflag:$0x0] =	sbarrier.arrive $0xFFFF  }
0x102: {  	_ =	strace $0x90000047  }
0x103: {  	s0 =	stileid.u32;
	[bflag:$0x2] =	sbarrier.arrive $0xFFFF  }
0x104: {  	p0 =	sne.s32 s0, $0x0;
	s0 =	rddreg [dreg:$0x1]  }
0x105: {  	s0 =	sadd.s32 @!p0 $0x100000, s0  }
0x106: {  	[sflag:s0] =	ssyncadd.tile.s32 @!p0 $0x1;
	_ =	shalt  }
.Lfunc_end2:
_tile_overlayer_lowered:
.L_overlay_start_2:
0x107: {  	(tag) =	ssettag $0x2  }
0x108: {  	s0 =	rddreg [dreg:$0x0];
	s2 =	stileid.u32  }
0x109: {  	s1 =	rddreg [dreg:$0x1];
	p0 =	sne.s32 s2, $0x0  }
0x10a: {  	s3 =	rddreg [dreg:$0x2];
	[bflag:$0x3] =	sbarrier.arrive $0xFFFF;
	s2 =	simm.s32 @!p0 $0x1C05  }
0x10b: {  	[timem:s3], [sflag:s2] =	dma.local @!p0 [hbm:s0], s1  }
0x10c: {  	s0 =	simm.s32 @!p0 $0x5  }
0x10d: {  	_ =	swait.ge @!p0 [sflag:s0], s1  }
0x10e: {  	s1 =	ssub.s32 @!p0 $0x0, s1;
	[sflag:s0] =	ssyncset.done @!p0 $0x0  }
0x10f: {  	[sflag:s0] =	ssyncadd.s32 @!p0 s1  }
0x110: {  	[bflag:$0x3] =	sbarrier.arrive $0xFFFF  }
0x111: {  	_ =	shalt  }

// kernel: kernel.16.cloned.1.call-start
scs
__scs_entry_jumppad:
0x0: {  	(pc) =	sbr.rel $0x88, $3  }
0x1: {  	(tag) =	ssettag $0x0;
	lr =	simm.s32 $0x1  }
0x2: {  	[smem:$0x3F88] =	sst lr;
	_ =	strace $0xD0000000  }
0x3: {  	_ = 	snop  }
0x4: {  	_ = 	snop  }
0x5: {  	_ = 	snop  }
0x6: {  	_ = 	snop  }
0x7: {  	_ = 	snop  }
__scs_overlays_trampoline_lowered:
0x8: {  	[smem:$0x3F97] =	sst s0  }
0x9: {  	[smem:$0x3F98] =	sst s1  }
0xa: {  	[smem:$0x3F99] =	sst s2  }
0xb: {  	[smem:$0x3F9A] =	sst s3  }
0xc: {  	[smem:$0x3F9B] =	sst s4  }
0xd: {  	[smem:$0x3F9C] =	sst s5  }
0xe: {  	[smem:$0x3F9D] =	sst s6  }
0xf: {  	[smem:$0x3F9E] =	sst s7  }
0x10: {  	[smem:$0x3F9F] =	sst s8  }
0x11: {  	[smem:$0x3FA0] =	sst s9;
	s0 =	simm.s32 @!p0 $0x0  }
0x12: {  	s1 =	sld [smem:$0x3F86];
	s0 =	simm.s32 @p0 $0x1  }
0x13: {  	[smem:$0x3FA1] =	sst s0;
	s0 =	simm.s32 @!p1 $0x0  }
0x14: {  	s2 =	sld [smem:$0x3F85];
	s0 =	simm.s32 @p1 $0x1  }
0x15: {  	[smem:$0x3FA2] =	sst s0;
	s0 =	simm.s32 @!p2 $0x0  }
0x16: {  	s3 =	sld [smem:$0x3FDB];
	s0 =	simm.s32 @p2 $0x1  }
0x17: {  	s4 =	simm.s32 $0x1BF5;
	[smem:$0x3FA4] =	sst s0  }
0x18: {  	s0 =	sld [smem:$0x3F87];
	_ =	swait.ge [sflag:s4], $0x0  }
0x19: {  	s7 =	sld [smem:$0x3F88]  }
0x1a: {  	s8 =	sadd.s32 $0xFFFFE003, lr  }
0x1b: {  	s9 =	sadd.s32 $0xFFFFFEF7, lr;
	s5 =	simm.s32 $0xFFFFFFFF;
	p2 =	slt.u32 s8, $0xFFFFF086  }
0x1c: {  	p1 =	slt.u32 s9, $0xF7A;
	s5 =	simm.s32 @!p2 $0x0  }
0x1d: {  	s5 =	simm.s32 @p1 $0x1;
	p0 =	seq.s32 s7, s2  }
0x1e: {  	s7 =	smul.u32 @!p0 $0xF7A, s2;
	p2 =	seq.s32 @!p0 s5, $0x0  }
0x1f: {  	s9 =	smul.u32 $0xF7A, s1;
	s8 =	simm.s32 @!p0 $0x1BF5;
	p2 =	por !p2, p0  }
0x20: {  	[sflag:s8] =	ssyncset.s32 @!p0 $0xFFFFF086;
	s6 =	sadd.s32 @!p0 s3, s7;
	s7 =	simm.s32 @!p0 $0x108  }
0x21: {  	s3 =	sadd.s32 s3, s9;
	s6 =	sadd.s32 @!p0 $0x88, s6;
	s7 =	simm.s32 @p2 $0x1082  }
0x22: {  	[simem:s7], [sflag:s8] =	dma.local @!p0 [hbm:s6], $0xF7A  }
0x23: {  	s9 =	sor.u32 $0xD0000000, s2;
	s6 =	simm.s32 $0x108;
	_ =	swait.ge @!p0 [sflag:s8], $0x0  }
0x24: {  	s3 =	sadd.s32 $0x88, s3;
	s6 =	simm.s32 @!p1 $0x1082;
	[sflag:s4] =	ssyncset.s32 $0xFFFFF086  }
0x25: {  	[simem:s6], [sflag:s4] =	dma.local [hbm:s3], $0xF7A  }
0x26: {  	[smem:$0x3F88] =	sst s1;
	(tag) =	ssettag s2;
	_ =	strace s9  }
0x27: {  	s1 =	sld [smem:$0x3F98]  }
0x28: {  	s2 =	sld [smem:$0x3F99]  }
0x29: {  	s4 =	sld [smem:$0x3F9B]  }
0x2a: {  	p0 =	seq.s32 s5, $0x0;
	s5 =	sld [smem:$0x3F9C]  }
0x2b: {  	s6 =	sld [smem:$0x3F9D]  }
0x2c: {  	s7 =	sld [smem:$0x3F9E]  }
0x2d: {  	s3 =	simm.s32 $0x108;
	s8 =	sld [smem:$0x3F9F]  }
0x2e: {  	s3 =	simm.s32 @!p0 $0x1082;
	s9 =	sld [smem:$0x3FA0]  }
0x2f: {  	lr =	sadd.s32 s0, s3;
	s0 =	sld [smem:$0x3F97]  }
0x30: {  	s3 =	sld [smem:$0x3F9A]  }
0x31: {  	[smem:$0x3FA3] =	sst s10  }
0x32: {  	s10 =	sld [smem:$0x3FA1];
	_ =	sdelay $0x3  }
0x33: {  	p0 =	seq.s32 s10, $0x1;
	s10 =	sld [smem:$0x3FA3];
	_ =	sdelay $0x3  }
0x34: {  	[smem:$0x3FA3] =	sst s10  }
0x35: {  	s10 =	sld [smem:$0x3FA2];
	_ =	sdelay $0x3  }
0x36: {  	p1 =	seq.s32 s10, $0x1;
	s10 =	sld [smem:$0x3FA3];
	_ =	sdelay $0x3  }
0x37: {  	[smem:$0x3FA3] =	sst s10  }
0x38: {  	s10 =	sld [smem:$0x3FA4]  }
0x39: {  	_ = 	snop;
	(pc) =	sbr.ind lr, $3  }
0x3a: {  	_ = 	snop  }
0x3b: {  	_ = 	snop  }
0x3c: {  	p2 =	seq.s32 s10, $0x1;
	s10 =	sld [smem:$0x3FA3]  }
0x3d: {  	_ =	shalt  }
0x3e: {  	_ =	shalt  }
0x3f: {  	_ =	shalt  }
0x40: {  	_ =	shalt  }
0x41: {  	_ =	shalt  }
0x42: {  	_ =	shalt  }
0x43: {  	_ =	shalt  }
0x44: {  	_ =	shalt  }
0x45: {  	_ =	shalt  }
0x46: {  	_ =	shalt  }
0x47: {  	_ =	shalt  }
0x48: {  	_ =	shalt  }
0x49: {  	_ =	shalt  }
0x4a: {  	_ =	shalt  }
0x4b: {  	_ =	shalt  }
0x4c: {  	_ =	shalt  }
0x4d: {  	_ =	shalt  }
0x4e: {  	_ =	shalt  }
0x4f: {  	_ =	shalt  }
0x50: {  	_ =	shalt  }
0x51: {  	_ =	shalt  }
0x52: {  	_ =	shalt  }
0x53: {  	_ =	shalt  }
0x54: {  	_ =	shalt  }
0x55: {  	_ =	shalt  }
0x56: {  	_ =	shalt  }
0x57: {  	_ =	shalt  }
0x58: {  	_ =	shalt  }
0x59: {  	_ =	shalt  }
0x5a: {  	_ =	shalt  }
0x5b: {  	_ =	shalt  }
0x5c: {  	_ =	shalt  }
0x5d: {  	_ =	shalt  }
0x5e: {  	_ =	shalt  }
0x5f: {  	_ =	shalt  }
0x60: {  	_ =	shalt  }
0x61: {  	_ =	shalt  }
0x62: {  	_ =	shalt  }
0x63: {  	_ =	shalt  }
0x64: {  	_ =	shalt  }
0x65: {  	_ =	shalt  }
0x66: {  	_ =	shalt  }
0x67: {  	_ =	shalt  }
0x68: {  	_ =	shalt  }
0x69: {  	_ =	shalt  }
0x6a: {  	_ =	shalt  }
0x6b: {  	_ =	shalt  }
0x6c: {  	_ =	shalt  }
0x6d: {  	_ =	shalt  }
0x6e: {  	_ =	shalt  }
0x6f: {  	_ =	shalt  }
0x70: {  	_ =	shalt  }
0x71: {  	_ =	shalt  }
0x72: {  	_ =	shalt  }
0x73: {  	_ =	shalt  }
0x74: {  	_ =	shalt  }
0x75: {  	_ =	shalt  }
0x76: {  	_ =	shalt  }
0x77: {  	_ =	shalt  }
0x78: {  	_ =	shalt  }
0x79: {  	_ =	shalt  }
0x7a: {  	_ =	shalt  }
0x7b: {  	_ =	shalt  }
0x7c: {  	_ =	shalt  }
0x7d: {  	_ =	shalt  }
0x7e: {  	_ =	shalt  }
0x7f: {  	_ =	shalt  }
0x80: {  	_ =	shalt  }
0x81: {  	_ =	shalt  }
0x82: {  	_ =	shalt  }
0x83: {  	_ =	shalt  }
0x84: {  	_ =	shalt  }
0x85: {  	_ =	shalt  }
0x86: {  	_ =	shalt  }
0x87: {  	_ =	shalt  }
.Lfunc_end0:
.L_simem_size_0:
called_computation.1_lowered:
.L_overlay_start_0:
0x88: {  	s2 =	sld [smem:$0x3FD9]  }
0x89: {  	s3 =	sld [smem:$0x3FFE];
	_ =	sdelay $0x1  }
0x8a: {  	s1 =	srdreg.scid  }
0x8b: {  	s0 =	sand.u32 $0x1, s1  }
0x8c: {  	s16 =	sshll.u32 s0, $0xA;
	s2 =	sadd.s32 s3, s2  }
0x8d: {  	s2 =	sadd.s32 s2, s16  }
0x8e: {  	[smem:$0x3FAF] =	sst s2  }
0x8f: {  	_ = 	snop  }
0x90: {  	(tm) =	ssettm $0x1  }
0x91: {  	s17 =	sld [smem:$0x3FFB];
	_ =	sdelay $0x3  }
0x92: {  	_ =	strace s17  }
0x93: {  	s2 =	sld [smem:$0x3FFC];
	_ =	sdelay $0x3  }
0x94: {  	_ =	strace s2  }
0x95: {  	s2 =	sld [smem:$0x3FFD];
	_ =	sdelay $0x3  }
0x96: {  	_ =	strace s2  }
0x97: {  	_ =	strace $0x8FFFFFFF  }
0x98: {  	s18 =	sld [smem:$0x3FDB];
	_ =	sdelay $0x1  }
0x99: {  	s19 =	simm.s32 $_scs_section_size  }
0x9a: {  	s4 =	simm.s32 $_size__tile_overlayer_lowered;
	s5 =	simm.s32 $_tile_overlayer_lowered  }
0x9b: {  	s22 =	simm.s32 $0x1BFF;
	s21 =	sshll.u32 s5, $0x1;
	s2 =	sadd.s32 s19, s18  }
0x9c: {  	s6 =	simm.s32 $0x0;
	s20 =	sshll.u32 s4, $0x1;
	s4 =	sadd.s32 s21, s2  }
0x9d: {  	[timem:s6], [sflag:s22] =	dma.local [hbm:s4], s20  }
0x9e: {  	_ =	swait.ge [sflag:s22], s20  }
0x9f: {  	s3 =	ssub.s32 $0x0, s20;
	[sflag:s22] =	ssyncset.done $0x0  }
0xa0: {  	[sflag:s22] =	ssyncadd.s32 s3;
	_ =	sdelay $0x1  }
0xa1: {  	s23 =	simm.s32 $0x1B8B  }
0xa2: {  	_ =	swait.ge [sflag:s23], $0x1  }
0xa3: {  	[sflag:s23] =	ssyncset.done $0x0  }
0xa4: {  	s25 =	simm.s32 $0x1B8E;
	s24 =	sld [smem:$0x3FFE];
	[sflag:s23] =	ssyncadd.s32 $0xFFFFFFFF  }
0xa5: {  	s26 =	simm.s32 $execute0_lowered;
	[smem:$0x3FD2] =	sst s25  }
0xa6: {  	s4 =	sshll.u32 s26, $0x1;
	_ =	strace $0x80000049;
	[dreg:$0x1] =	wrdreg $0xFFFFFFFF  }
0xa7: {  	s28 =	simm.s32 $_size_execute0_lowered;
	s2 =	sadd.s32 s2, s4;
	[dreg:$0x0] =	wrdreg $0x0  }
0xa8: {  	s4 =	sshll.u32 s28, $0x1;
	[dreg:$0x2] =	wrdreg s2  }
0xa9: {  	[dreg:$0x3] =	wrdreg s4  }
0xaa: {  	[dreg:$0x4] =	wrdreg $0xC0  }
0xab: {  	_ =	task [dreg:s6], $0x5FFFF  }
0xac: {  	[dreg:$0x1] =	wrdreg $0xFFFFFFFF  }
0xad: {  	[dreg:$0x0] =	wrdreg $0x60  }
0xae: {  	[dreg:$0x2] =	wrdreg s24  }
0xaf: {  	[dreg:$0x3] =	wrdreg $0x9  }
0xb0: {  	_ =	task.clear_ibuf [dreg:s6], $0x4FFFF;
	_ =	strace $0x90000049  }
0xb1: {  	s29 =	simm.s32 $0x9;
	_ =	strace $0x8000004B  }
0xb2: {  	_ =	swait.ge [sflag:s29], $0x1  }
0xb3: {  	[sflag:s29] =	ssyncadd.s32 $0xFFFFFFFF  }
0xb4: {  	_ =	strace $0x9000004B  }
0xb5: {  	_ =	sfence  }
0xb6: {  	s30 =	sld [smem:$0x0];
	_ =	sdelay $0x2  }
0xb7: {  	s31 =	sshll.u32 s1, $0xD;
	s1 =	sshrl.u32 s1, $0x2  }
0xb8: {  	s3 =	sand.u32 $0x4000, s31;
	s1 =	sadd.s32 s1, s30  }
0xb9: {  	s0 =	sor.u32 s3, s0;
	s1 =	sshll.u32 s1, $0x11  }
0xba: {  	s0 =	sor.u32 s1, s0  }
0xbb: {  	s0 =	sadd.s32 $0x8F2B, s0  }
0xbc: {  	[sflag:s0] =	ssyncadd.remote.s32 $0x1  }
0xbd: {  	_ =	sfence.sel $0xFFFF  }
0xbe: {  	[dreg:$0x0] =	wrdreg $0xFFFFFFFF;
	(pc) =	sbr.abs _section_cstart, $3  }
0xbf: {  	[dreg:$0x1] =	wrdreg $0xFFFFFFFF  }
0xc0: {  	_ =	task.clear_ibuf [dreg:s6], $0x2FFFF;
	_ =	strace $0x9FFFFFFF  }
0xc1: {  	(tm) =	ssettm $0x7FFFFFFF  }
tec
execute0_lowered:
.L_overlay_start_1:
0x0: {  	(tag) =	ssettag $0x1  }
0x1: {  	s0 =	srdreg.scid  }
0x2: {  	s11 =	stileid.u32;
	s5 =	rddreg [dreg:$0x0];
	s2 =	simm.s32 $0x0  }
0x3: {  	s13 =	simm.s32 $0x80;
	s14 =	simm.s32 $0xC400;
	s15 =	simm.s32 $0xD400  }
0x4: {  	s28 =	simm.s32 $0x3;
	s29 =	simm.s32 $0x4;
	s6 =	smul.u32 $0x188, s11  }
0x5: {  	s30 =	simm.s32 $0x0;
	s0 =	sand.u32 $0x1, s0;
	s22 =	smul.u32 $0xC400, s11  }
0x6: {  	s1 =	sshll.u32 s11, $0x1;
	[smem:$0x7FF] =	sst s2;
	s11 =	smul.u32 $0x31000, s11  }
0x7: {  	s3 =	sadd.s32 $0x7800, s5;
	s4 =	sadd.s32 $0x38600, s5;
	s7 =	smul.u32 $0xC4, s0  }
0x8: {  	s16 =	sadd.s32 $0x315000, s5;
	s1 =	sor.u32 s0, s1;
	s25 =	smul.u32 $0x18800, s0  }
0x9: {  	_ =	strace $0x8000004A;
	s8 =	ssub.s32 $0x2, s0;
	s0 =	smul.u32 $0x6200, s0  }
0xa: {  	s1 =	smul.u32 $0xC40, s1;
	s9 =	sshrl.u32 s8, $0x1;
	s6 =	sadd.s32 s7, s6  }
0xb: {  	s8 =	ssub.s32 s8, s9;
	s7 =	sadd.s32 s11, s16;
	s11 =	simm.s32 $0x5  }
0xc: {  	s1 =	sadd.s32 s1, s5;
	s10 =	sor.u32 $0x2, s6;
	s5 =	sadd.s32 $0x625000, s5  }
0xd: {  	s8 =	smax.u32 s8, $0x1;
	s21 =	sshll.u32 s6, $0x7;
	s24 =	sshll.u32 s6, $0x9  }
0xe: {  	s31 =	sadd.s32 s25, s7;
	s25 =	simm.s32 $0x1;
	[dreg:$0x7] =	wrdreg s8  }
0xf: {  	s17 =	sshrl.u32 s10, $0x1;
	s18 =	sadd.s32 $0x5D200, s1;
	[dreg:$0x4] =	wrdreg s31  }
0x10: {  	s1 =	sadd.s32 $0x44A00, s1;
	s23 =	sadd.s32 s21, s5;
	[dreg:$0x5] =	wrdreg s18  }
0x11: {  	s26 =	sadd.s32 s22, s5;
	s22 =	simm.s32 $0xFC00;
	[dreg:$0x6] =	wrdreg s1  }
0x12: {  	s19 =	sshll.u32 s17, $0x8;
	s20 =	sshll.u32 s17, $0xA;
	s0 =	sadd.s32 s0, s26  }
0x13: {  	s18 =	simm.s32 $0xE800;
	s1 =	sadd.s32 s19, s5;
	[dreg:$0xa] =	wrdreg s0  }
0x14: {  	s26 =	simm.s32 $0x2;
	[dreg:$0x8] =	wrdreg s1;
	s1 =	sadd.s32 s20, s16  }
0x15: {  	s20 =	simm.s32 $0xEC00;
	[dreg:$0x2] =	wrdreg s1;
	s1 =	sadd.s32 $0x180, s23  }
0x16: {  	s23 =	simm.s32 $0x10000;
	[dreg:$0x9] =	wrdreg s1;
	s1 =	sadd.s32 s24, s16  }
0x17: {  	s16 =	simm.s32 $0xD800;
	s24 =	simm.s32 $0x11000;
	[dreg:$0x3] =	wrdreg s1  }
.LBB2_1:
0x18: {  	s0 =	rddreg [dreg:$0x5]  }
0x19: {  	[tilespmem:s2], [sflag:$0x5] =	stream.linear.gather [hbm4b:s0+s2], $0x6200, $0x38;
	[tilespmem:$0x11400] =	vst v63  }
0x1a: {  	_ =	swait.ge [sflag:s11], $0x6200  }
0x1b: {  	[sflag:s11] =	ssyncset.done $0x0  }
0x1c: {  	s1 =	simm.s32 $0x6200;
	s21 =	rddreg [dreg:$0x6];
	[sflag:s11] =	ssyncadd.s32 $0xFFFF9E00  }
0x1d: {  	[tilespmem:s1], [sflag:$0x5] =	stream.linear.gather [hbm4b:s21+s2], $0x6200, $0x38;
	[tilespmem:$0x11400] =	vst v63  }
0x1e: {  	_ =	swait.ge [sflag:s11], $0x6200  }
0x1f: {  	[sflag:s11] =	ssyncset.done $0x0  }
0x20: {  	[sflag:s11] =	ssyncadd.s32 $0xFFFF9E00  }
0x21: {  	[tilespmem:s14], [sflag:$0x1] =	stream.indirect.gather [hbm4b:s3+s13], $0x20, s2, s13, $0xb8;
	[tilespmem:$0x11400] =	vst v63  }
0x22: {  	_ = 	snop  }
0x23: {  	[tilespmem:s15], [sflag:$0x1] =	stream.indirect.gather [hbm4b:s4+s13], $0x8, s1, s13, $0xb8;
	[tilespmem:$0x11400] =	vst v63  }
0x24: {  	_ = 	snop  }
0x25: {  	[tilespmem:s16], [sflag:$0x2] =	stream.indirect.gather [hbm4b:s3+s13], $0x20, s13, s13, $0xb8;
	[tilespmem:$0x11400] =	vst v63  }
0x26: {  	s5 =	simm.s32 $0x6280  }
0x27: {  	[tilespmem:s18], [sflag:$0x2] =	stream.indirect.gather [hbm4b:s4+s13], $0x8, s5, s13, $0xb8;
	[tilespmem:$0x11400] =	vst v63  }
0x28: {  	s6 =	simm.s32 $0x100  }
0x29: {  	[tilespmem:s20], [sflag:$0x3] =	stream.indirect.gather [hbm4b:s3+s13], $0x20, s6, s13, $0xb8;
	[tilespmem:$0x11400] =	vst v63  }
0x2a: {  	s7 =	simm.s32 $0x6300  }
0x2b: {  	[tilespmem:s22], [sflag:$0x3] =	stream.indirect.gather [hbm4b:s4+s13], $0x8, s7, s13, $0xb8;
	[tilespmem:$0x11400] =	vst v63  }
0x2c: {  	s8 =	simm.s32 $0x180  }
0x2d: {  	[tilespmem:s23], [sflag:$0x4] =	stream.indirect.gather [hbm4b:s3+s13], $0x20, s8, s13, $0xb8;
	[tilespmem:$0x11400] =	vst v63  }
0x2e: {  	s9 =	simm.s32 $0x6380  }
0x2f: {  	[tilespmem:s24], [sflag:$0x4] =	stream.indirect.gather [hbm4b:s4+s13], $0x8, s9, s13, $0xb8;
	[tilespmem:$0x11400] =	vst v63  }
0x30: {  	_ =	swait.ge [sflag:s25], $0x1000  }
0x31: {  	[sflag:s25] =	ssyncset.done $0x0  }
0x32: {  	[sflag:s25] =	ssyncadd.s32 $0xFFFFF000  }
0x33: {  	_ =	swait.ge [sflag:s25], $0x400  }
0x34: {  	s10 =	rddreg [dreg:$0x4];
	[sflag:s25] =	ssyncset.done $0x0  }
0x35: {  	[sflag:s25] =	ssyncadd.s32 $0xFFFFFC00;
	s0 =	sadd.s32 $0x0, s10  }
0x36: {  	[hbm4b:s0+s2] =	stream.linear.scatter [tilespmem:s14], [sflag:$0x5], $0x1000, $0x38;
	[tilespmem:$0x11400] =	vst v63  }
0x37: {  	_ =	swait.ge [sflag:s11], $0x1000  }
0x38: {  	[sflag:s11] =	ssyncset.done $0x0  }
0x39: {  	s9 =	rddreg [dreg:$0xa];
	[sflag:s11] =	ssyncadd.s32 $0xFFFFF000  }
0x3a: {  	[hbm4b:s9+s2] =	stream.linear.scatter [tilespmem:s15], [sflag:$0x5], $0x400, $0x38;
	[tilespmem:$0x11400] =	vst v63  }
0x3b: {  	p0 =	por $0x0, $0x0;
	_ =	swait.ge [sflag:s11], $0x400  }
0x3c: {  	s1 =	simm.s32 @!p0 $0x200;
	[sflag:s11] =	ssyncset.done $0x0  }
0x3d: {  	s5 =	simm.s32 @!p0 $0x80;
	s0 =	simm.s32 @!p0 $0xC400;
	[sflag:s11] =	ssyncadd.s32 $0xFFFFFC00  }
0x3e: {  	[tilespmem:s0], [sflag:$0x1] =	stream.indirect.gather @!p0 [hbm4b:s3+s5], $0x20, s1, s5, $0xb8;
	[tilespmem:$0x11400] =	vst v63  }
0x3f: {  	s0 =	simm.s32 @!p0 $0x6400;
	s1 =	simm.s32 @!p0 $0xD400  }
0x40: {  	[tilespmem:s1], [sflag:$0x1] =	stream.indirect.gather @!p0 [hbm4b:s4+s5], $0x8, s0, s5, $0xb8;
	[tilespmem:$0x11400] =	vst v63  }
0x41: {  	_ =	swait.ge [sflag:s26], $0x1000  }
0x42: {  	[sflag:s26] =	ssyncset.done $0x0  }
0x43: {  	[sflag:s26] =	ssyncadd.s32 $0xFFFFF000  }
0x44: {  	_ =	swait.ge [sflag:s26], $0x400  }
0x45: {  	s12 =	rddreg [dreg:$0x3]  }
0x46: {  	[sflag:s26] =	ssyncset.done $0x0;
	s0 =	sadd.s32 $0x0, s12  }
0x47: {  	[sflag:s26] =	ssyncadd.s32 $0xFFFFFC00;
	s17 =	sadd.s32 $0x200, s0  }
0x48: {  	[hbm4b:s17+s2] =	stream.linear.scatter [tilespmem:s16], [sflag:$0x5], $0x1000, $0x38;
	[tilespmem:$0x11400] =	vst v63  }
0x49: {  	_ =	swait.ge [sflag:s11], $0x1000  }
0x4a: {  	[sflag:s11] =	ssyncset.done $0x0;
	s8 =	rddreg [dreg:$0x9]  }
0x4b: {  	[sflag:s11] =	ssyncadd.s32 $0xFFFFF000;
	s19 =	sadd.s32 $0xFFFFFF00, s8  }
0x4c: {  	[hbm4b:s19+s2] =	stream.linear.scatter [tilespmem:s18], [sflag:$0x5], $0x400, $0x38;
	[tilespmem:$0x11400] =	vst v63  }
0x4d: {  	_ =	swait.ge [sflag:s11], $0x400  }
0x4e: {  	[sflag:s11] =	ssyncset.done $0x0  }
0x4f: {  	s6 =	simm.s32 @!p0 $0xD800;
	s1 =	simm.s32 @!p0 $0x280;
	[sflag:s11] =	ssyncadd.s32 $0xFFFFFC00  }
0x50: {  	[tilespmem:s6], [sflag:$0x2] =	stream.indirect.gather @!p0 [hbm4b:s3+s5], $0x20, s1, s5, $0xb8;
	[tilespmem:$0x11400] =	vst v63  }
0x51: {  	s1 =	simm.s32 @!p0 $0x6480;
	s6 =	simm.s32 @!p0 $0xE800  }
0x52: {  	[tilespmem:s6], [sflag:$0x2] =	stream.indirect.gather @!p0 [hbm4b:s4+s5], $0x8, s1, s5, $0xb8;
	[tilespmem:$0x11400] =	vst v63  }
0x53: {  	_ =	swait.ge [sflag:s28], $0x1000  }
0x54: {  	[sflag:s28] =	ssyncset.done $0x0  }
0x55: {  	[sflag:s28] =	ssyncadd.s32 $0xFFFFF000  }
0x56: {  	_ =	swait.ge [sflag:s28], $0x400  }
0x57: {  	s21 =	rddreg [dreg:$0x2];
	[sflag:s28] =	ssyncset.done $0x0  }
0x58: {  	[sflag:s28] =	ssyncadd.s32 $0xFFFFFC00;
	s1 =	sadd.s32 $0x0, s21  }
0x59: {  	[hbm4b:s1+s2] =	stream.linear.scatter [tilespmem:s20], [sflag:$0x5], $0x1000, $0x38;
	[tilespmem:$0x11400] =	vst v63  }
0x5a: {  	_ =	swait.ge [sflag:s11], $0x1000  }
0x5b: {  	[sflag:s11] =	ssyncset.done $0x0  }
0x5c: {  	s7 =	rddreg [dreg:$0x8];
	[sflag:s11] =	ssyncadd.s32 $0xFFFFF000  }
0x5d: {  	[hbm4b:s7+s2] =	stream.linear.scatter [tilespmem:s22], [sflag:$0x5], $0x400, $0x38;
	[tilespmem:$0x11400] =	vst v63  }
0x5e: {  	_ =	swait.ge [sflag:s11], $0x400  }
0x5f: {  	[sflag:s11] =	ssyncset.done $0x0  }
0x60: {  	s6 =	simm.s32 @!p0 $0xEC00;
	s1 =	simm.s32 @!p0 $0x300;
	[sflag:s11] =	ssyncadd.s32 $0xFFFFFC00  }
0x61: {  	[tilespmem:s6], [sflag:$0x3] =	stream.indirect.gather @!p0 [hbm4b:s3+s5], $0x20, s1, s5, $0xb8;
	[tilespmem:$0x11400] =	vst v63  }
0x62: {  	s1 =	simm.s32 @!p0 $0x6500;
	s6 =	simm.s32 @!p0 $0xFC00  }
0x63: {  	[tilespmem:s6], [sflag:$0x3] =	stream.indirect.gather @!p0 [hbm4b:s4+s5], $0x8, s1, s5, $0xb8;
	[tilespmem:$0x11400] =	vst v63  }
0x64: {  	_ =	swait.ge [sflag:s29], $0x1000  }
0x65: {  	[sflag:s29] =	ssyncset.done $0x0  }
0x66: {  	[sflag:s29] =	ssyncadd.s32 $0xFFFFF000  }
0x67: {  	_ =	swait.ge [sflag:s29], $0x400  }
0x68: {  	[sflag:s29] =	ssyncset.done $0x0  }
0x69: {  	s0 =	sadd.s32 $0x600, s0;
	[sflag:s29] =	ssyncadd.s32 $0xFFFFFC00  }
0x6a: {  	[hbm4b:s0+s2] =	stream.linear.scatter [tilespmem:s23], [sflag:$0x5], $0x1000, $0x38;
	[tilespmem:$0x11400] =	vst v63  }
0x6b: {  	_ =	swait.ge [sflag:s11], $0x1000  }
0x6c: {  	[sflag:s11] =	ssyncset.done $0x0  }
0x6d: {  	s17 =	sadd.s32 $0x200, s9;
	s31 =	sadd.s32 $0x200, s8;
	[sflag:s11] =	ssyncadd.s32 $0xFFFFF000  }
0x6e: {  	[hbm4b:s8+s2] =	stream.linear.scatter [tilespmem:s24], [sflag:$0x5], $0x400, $0x38;
	[tilespmem:$0x11400] =	vst v63  }
0x6f: {  	s19 =	simm.s32 $0x1000;
	s1 =	simm.s32 $0x800;
	_ =	swait.ge [sflag:s11], $0x400  }
0x70: {  	s5 =	simm.s32 $0x200;
	s0 =	sadd.s32 $0x200, s7;
	[sflag:s11] =	ssyncset.done $0x0  }
.LBB2_2:
0x71: {  	s6 =	sadd.s32 $0x180, s5;
	[sflag:s11] =	ssyncadd.s32 $0xFFFFFC00  }
0x72: {  	[tilespmem:s23], [sflag:$0x4] =	stream.indirect.gather [hbm4b:s3+s13], $0x20, s6, s13, $0xb8;
	[tilespmem:$0x11400] =	vst v63  }
0x73: {  	s7 =	sadd.s32 $0x6380, s5  }
0x74: {  	[tilespmem:s24], [sflag:$0x4] =	stream.indirect.gather [hbm4b:s4+s13], $0x8, s7, s13, $0xb8;
	[tilespmem:$0x11400] =	vst v63  }
0x75: {  	_ =	swait.ge [sflag:s25], $0x1000  }
0x76: {  	[sflag:s25] =	ssyncset.done $0x0  }
0x77: {  	[sflag:s25] =	ssyncadd.s32 $0xFFFFF000  }
0x78: {  	_ =	swait.ge [sflag:s25], $0x400  }
0x79: {  	s8 =	rddreg [dreg:$0x4];
	[sflag:s25] =	ssyncset.done $0x0  }
0x7a: {  	[sflag:s25] =	ssyncadd.s32 $0xFFFFFC00;
	s5 =	sadd.s32 s1, s8  }
0x7b: {  	[hbm4b:s5+s2] =	stream.linear.scatter [tilespmem:s14], [sflag:$0x5], $0x1000, $0x38;
	[tilespmem:$0x11400] =	vst v63  }
0x7c: {  	_ =	swait.ge [sflag:s11], $0x1000  }
0x7d: {  	[sflag:s11] =	ssyncset.done $0x0  }
0x7e: {  	p1 =	seq.s32 s1, $0x18000;
	[sflag:s11] =	ssyncadd.s32 $0xFFFFF000  }
0x7f: {  	[hbm4b:s17+s2] =	stream.linear.scatter [tilespmem:s15], [sflag:$0x5], $0x400, $0x38;
	[tilespmem:$0x11400] =	vst v63  }
0x80: {  	s6 =	sshra.s32 @!p1 s1, $0x2;
	_ =	swait.ge [sflag:s11], $0x400  }
0x81: {  	s12 =	sadd.s32 @!p1 $0x200, s6;
	[sflag:s11] =	ssyncset.done $0x0  }
0x82: {  	s7 =	simm.s32 @!p1 $0xC400;
	s5 =	simm.s32 @!p1 $0x80;
	[sflag:s11] =	ssyncadd.s32 $0xFFFFFC00  }
0x83: {  	[tilespmem:s7], [sflag:$0x1] =	stream.indirect.gather @!p1 [hbm4b:s3+s5], $0x20, s12, s5, $0xb8;
	[tilespmem:$0x11400] =	vst v63  }
0x84: {  	s7 =	sadd.s32 @!p1 $0x6400, s6;
	s12 =	simm.s32 @!p1 $0xD400  }
0x85: {  	[tilespmem:s12], [sflag:$0x1] =	stream.indirect.gather @!p1 [hbm4b:s4+s5], $0x8, s7, s5, $0xb8;
	[tilespmem:$0x11400] =	vst v63  }
0x86: {  	_ =	swait.ge [sflag:s26], $0x1000  }
0x87: {  	[sflag:s26] =	ssyncset.done $0x0  }
0x88: {  	[sflag:s26] =	ssyncadd.s32 $0xFFFFF000  }
0x89: {  	s10 =	sadd.s32 @!p1 $0x6480, s6;
	_ =	swait.ge [sflag:s26], $0x400  }
0x8a: {  	s8 =	sadd.s32 @!p1 $0x280, s6;
	s12 =	sadd.s32 @!p1 $0x300, s6;
	s9 =	rddreg [dreg:$0x3]  }
0x8b: {  	s7 =	sadd.s32 @!p1 $0x6500, s6;
	[sflag:s26] =	ssyncset.done $0x0;
	s6 =	sadd.s32 s1, s9  }
0x8c: {  	[sflag:s26] =	ssyncadd.s32 $0xFFFFFC00;
	s9 =	sadd.s32 $0x200, s6  }
0x8d: {  	[hbm4b:s9+s2] =	stream.linear.scatter [tilespmem:s16], [sflag:$0x5], $0x1000, $0x38;
	[tilespmem:$0x11400] =	vst v63  }
0x8e: {  	_ =	swait.ge [sflag:s11], $0x1000  }
0x8f: {  	[sflag:s11] =	ssyncset.done $0x0  }
0x90: {  	s9 =	sadd.s32 $0xFFFFFF00, s31;
	[sflag:s11] =	ssyncadd.s32 $0xFFFFF000  }
0x91: {  	[hbm4b:s9+s2] =	stream.linear.scatter [tilespmem:s18], [sflag:$0x5], $0x400, $0x38;
	[tilespmem:$0x11400] =	vst v63  }
0x92: {  	_ =	swait.ge [sflag:s11], $0x400  }
0x93: {  	[sflag:s11] =	ssyncset.done $0x0  }
0x94: {  	s9 =	simm.s32 @!p1 $0xD800;
	[sflag:s11] =	ssyncadd.s32 $0xFFFFFC00  }
0x95: {  	[tilespmem:s9], [sflag:$0x2] =	stream.indirect.gather @!p1 [hbm4b:s3+s5], $0x20, s8, s5, $0xb8;
	[tilespmem:$0x11400] =	vst v63  }
0x96: {  	s8 =	simm.s32 @!p1 $0xE800  }
0x97: {  	[tilespmem:s8], [sflag:$0x2] =	stream.indirect.gather @!p1 [hbm4b:s4+s5], $0x8, s10, s5, $0xb8;
	[tilespmem:$0x11400] =	vst v63  }
0x98: {  	_ =	swait.ge [sflag:s28], $0x1000  }
0x99: {  	[sflag:s28] =	ssyncset.done $0x0  }
0x9a: {  	[sflag:s28] =	ssyncadd.s32 $0xFFFFF000  }
0x9b: {  	_ =	swait.ge [sflag:s28], $0x400  }
0x9c: {  	s10 =	rddreg [dreg:$0x2];
	[sflag:s28] =	ssyncset.done $0x0  }
0x9d: {  	[sflag:s28] =	ssyncadd.s32 $0xFFFFFC00;
	s8 =	sadd.s32 s1, s10  }
0x9e: {  	[hbm4b:s8+s2] =	stream.linear.scatter [tilespmem:s20], [sflag:$0x5], $0x1000, $0x38;
	[tilespmem:$0x11400] =	vst v63  }
0x9f: {  	_ =	swait.ge [sflag:s11], $0x1000  }
0xa0: {  	[sflag:s11] =	ssyncset.done $0x0  }
0xa1: {  	[sflag:s11] =	ssyncadd.s32 $0xFFFFF000  }
0xa2: {  	[hbm4b:s0+s2] =	stream.linear.scatter [tilespmem:s22], [sflag:$0x5], $0x400, $0x38;
	[tilespmem:$0x11400] =	vst v63  }
0xa3: {  	_ =	swait.ge [sflag:s11], $0x400  }
0xa4: {  	[sflag:s11] =	ssyncset.done $0x0  }
0xa5: {  	s8 =	simm.s32 @!p1 $0xEC00;
	[sflag:s11] =	ssyncadd.s32 $0xFFFFFC00  }
0xa6: {  	[tilespmem:s8], [sflag:$0x3] =	stream.indirect.gather @!p1 [hbm4b:s3+s5], $0x20, s12, s5, $0xb8;
	[tilespmem:$0x11400] =	vst v63  }
0xa7: {  	s8 =	simm.s32 @!p1 $0xFC00  }
0xa8: {  	[tilespmem:s8], [sflag:$0x3] =	stream.indirect.gather @!p1 [hbm4b:s4+s5], $0x8, s7, s5, $0xb8;
	[tilespmem:$0x11400] =	vst v63  }
0xa9: {  	_ =	swait.ge [sflag:s29], $0x1000  }
0xaa: {  	[sflag:s29] =	ssyncset.done $0x0  }
0xab: {  	[sflag:s29] =	ssyncadd.s32 $0xFFFFF000  }
0xac: {  	_ =	swait.ge [sflag:s29], $0x400  }
0xad: {  	s21 =	smov.u32 s19;
	s19 =	sadd.s32 $0x800, s19;
	[sflag:s29] =	ssyncset.done $0x0  }
0xae: {  	s1 =	smov.u32 s21;
	s21 =	sadd.s32 $0x600, s6;
	[sflag:s29] =	ssyncadd.s32 $0xFFFFFC00  }
0xaf: {  	[hbm4b:s21+s2] =	stream.linear.scatter [tilespmem:s23], [sflag:$0x5], $0x1000, $0x38;
	[tilespmem:$0x11400] =	vst v63  }
0xb0: {  	p0 =	sne.s32 s19, $0x18800;
	_ =	swait.ge [sflag:s11], $0x1000  }
.Ltmp0:
0xb1: {  	[sflag:s11] =	ssyncset.done $0x0;
	(pc) =	sbr.rel @p0 .LBB2_2-.Ltmp0, $4  }
0xb2: {  	[sflag:s11] =	ssyncadd.s32 $0xFFFFF000  }
0xb3: {  	[hbm4b:s31+s2] =	stream.linear.scatter [tilespmem:s24], [sflag:$0x5], $0x400, $0x38;
	[tilespmem:$0x11400] =	vst v63  }
0xb4: {  	s17 =	sadd.s32 $0x200, s17;
	s0 =	sadd.s32 $0x200, s0;
	_ =	swait.ge [sflag:s11], $0x400  }
0xb5: {  	s5 =	sshra.s32 s1, $0x2;
	s31 =	sadd.s32 $0x200, s31;
	[sflag:s11] =	ssyncset.done $0x0  }
0xb6: {  	s6 =	sadd.s32 $0x180, s5;
	[sflag:s11] =	ssyncadd.s32 $0xFFFFFC00  }
0xb7: {  	[tilespmem:s23], [sflag:$0x4] =	stream.indirect.gather [hbm4b:s3+s13], $0x20, s6, s13, $0xb8;
	[tilespmem:$0x11400] =	vst v63  }
0xb8: {  	s7 =	sadd.s32 $0x6380, s5  }
0xb9: {  	[tilespmem:s24], [sflag:$0x4] =	stream.indirect.gather [hbm4b:s4+s13], $0x8, s7, s13, $0xb8;
	[tilespmem:$0x11400] =	vst v63  }
0xba: {  	_ =	swait.ge [sflag:s25], $0x1000  }
0xbb: {  	[sflag:s25] =	ssyncset.done $0x0  }
0xbc: {  	[sflag:s25] =	ssyncadd.s32 $0xFFFFF000  }
0xbd: {  	_ =	swait.ge [sflag:s25], $0x400  }
0xbe: {  	s8 =	rddreg [dreg:$0x4];
	[sflag:s25] =	ssyncset.done $0x0  }
0xbf: {  	[sflag:s25] =	ssyncadd.s32 $0xFFFFFC00;
	s5 =	sadd.s32 s1, s8  }
0xc0: {  	[hbm4b:s5+s2] =	stream.linear.scatter [tilespmem:s14], [sflag:$0x5], $0x1000, $0x38;
	[tilespmem:$0x11400] =	vst v63  }
0xc1: {  	_ =	swait.ge [sflag:s11], $0x1000  }
0xc2: {  	[sflag:s11] =	ssyncset.done $0x0  }
0xc3: {  	[sflag:s11] =	ssyncadd.s32 $0xFFFFF000  }
0xc4: {  	[hbm4b:s17+s2] =	stream.linear.scatter [tilespmem:s15], [sflag:$0x5], $0x400, $0x38;
	[tilespmem:$0x11400] =	vst v63  }
0xc5: {  	p0 =	seq.s32 s1, $0x18000;
	_ =	swait.ge [sflag:s11], $0x400  }
0xc6: {  	s6 =	simm.s32 @!p0 $0xC400;
	s5 =	sshra.s32 @!p0 s1, $0x2;
	[sflag:s11] =	ssyncset.done $0x0  }
0xc7: {  	s8 =	simm.s32 @!p0 $0x80;
	s7 =	sadd.s32 @!p0 $0x200, s5;
	[sflag:s11] =	ssyncadd.s32 $0xFFFFFC00  }
0xc8: {  	[tilespmem:s6], [sflag:$0x1] =	stream.indirect.gather @!p0 [hbm4b:s3+s8], $0x20, s7, s8, $0xb8;
	[tilespmem:$0x11400] =	vst v63  }
0xc9: {  	s6 =	sadd.s32 @!p0 $0x6400, s5;
	s7 =	simm.s32 @!p0 $0xD400  }
0xca: {  	[tilespmem:s7], [sflag:$0x1] =	stream.indirect.gather @!p0 [hbm4b:s4+s8], $0x8, s6, s8, $0xb8;
	[tilespmem:$0x11400] =	vst v63  }
0xcb: {  	_ =	swait.ge [sflag:s26], $0x1000  }
0xcc: {  	[sflag:s26] =	ssyncset.done $0x0  }
0xcd: {  	[sflag:s26] =	ssyncadd.s32 $0xFFFFF000  }
0xce: {  	_ =	swait.ge [sflag:s26], $0x400  }
0xcf: {  	s9 =	rddreg [dreg:$0x3]  }
0xd0: {  	[sflag:s26] =	ssyncset.done $0x0;
	s6 =	sadd.s32 s1, s9  }
0xd1: {  	[sflag:s26] =	ssyncadd.s32 $0xFFFFFC00;
	s10 =	sadd.s32 $0x200, s6  }
0xd2: {  	[hbm4b:s10+s2] =	stream.linear.scatter [tilespmem:s16], [sflag:$0x5], $0x1000, $0x38;
	[tilespmem:$0x11400] =	vst v63  }
0xd3: {  	_ =	swait.ge [sflag:s11], $0x1000  }
0xd4: {  	[sflag:s11] =	ssyncset.done $0x0  }
0xd5: {  	s12 =	sadd.s32 $0xFFFFFF00, s31;
	[sflag:s11] =	ssyncadd.s32 $0xFFFFF000  }
0xd6: {  	[hbm4b:s12+s2] =	stream.linear.scatter [tilespmem:s18], [sflag:$0x5], $0x400, $0x38;
	[tilespmem:$0x11400] =	vst v63  }
0xd7: {  	_ =	swait.ge [sflag:s11], $0x400  }
0xd8: {  	[sflag:s11] =	ssyncset.done $0x0  }
0xd9: {  	s7 =	sadd.s32 @!p0 $0x280, s5;
	s9 =	simm.s32 @!p0 $0xD800;
	[sflag:s11] =	ssyncadd.s32 $0xFFFFFC00  }
0xda: {  	[tilespmem:s9], [sflag:$0x2] =	stream.indirect.gather @!p0 [hbm4b:s3+s8], $0x20, s7, s8, $0xb8;
	[tilespmem:$0x11400] =	vst v63  }
0xdb: {  	s7 =	sadd.s32 @!p0 $0x6480, s5;
	s9 =	simm.s32 @!p0 $0xE800  }
0xdc: {  	[tilespmem:s9], [sflag:$0x2] =	stream.indirect.gather @!p0 [hbm4b:s4+s8], $0x8, s7, s8, $0xb8;
	[tilespmem:$0x11400] =	vst v63  }
0xdd: {  	_ =	swait.ge [sflag:s28], $0x1000  }
0xde: {  	[sflag:s28] =	ssyncset.done $0x0  }
0xdf: {  	[sflag:s28] =	ssyncadd.s32 $0xFFFFF000  }
0xe0: {  	_ =	swait.ge [sflag:s28], $0x400  }
0xe1: {  	s17 =	rddreg [dreg:$0x2];
	[sflag:s28] =	ssyncset.done $0x0  }
0xe2: {  	s19 =	sadd.s32 s1, s17;
	[sflag:s28] =	ssyncadd.s32 $0xFFFFFC00  }
0xe3: {  	[hbm4b:s19+s2] =	stream.linear.scatter [tilespmem:s20], [sflag:$0x5], $0x1000, $0x38;
	[tilespmem:$0x11400] =	vst v63  }
0xe4: {  	_ =	swait.ge [sflag:s11], $0x1000  }
0xe5: {  	[sflag:s11] =	ssyncset.done $0x0  }
0xe6: {  	[sflag:s11] =	ssyncadd.s32 $0xFFFFF000  }
0xe7: {  	[hbm4b:s0+s2] =	stream.linear.scatter [tilespmem:s22], [sflag:$0x5], $0x400, $0x38;
	[tilespmem:$0x11400] =	vst v63  }
0xe8: {  	_ =	swait.ge [sflag:s11], $0x400  }
0xe9: {  	[sflag:s11] =	ssyncset.done $0x0  }
0xea: {  	s1 =	simm.s32 @!p0 $0xEC00;
	s0 =	sadd.s32 @!p0 $0x300, s5;
	[sflag:s11] =	ssyncadd.s32 $0xFFFFFC00  }
0xeb: {  	[tilespmem:s1], [sflag:$0x3] =	stream.indirect.gather @!p0 [hbm4b:s3+s8], $0x20, s0, s8, $0xb8;
	[tilespmem:$0x11400] =	vst v63  }
0xec: {  	s0 =	sadd.s32 @!p0 $0x6500, s5;
	s1 =	simm.s32 @!p0 $0xFC00  }
0xed: {  	[tilespmem:s1], [sflag:$0x3] =	stream.indirect.gather @!p0 [hbm4b:s4+s8], $0x8, s0, s8, $0xb8;
	[tilespmem:$0x11400] =	vst v63  }
0xee: {  	_ =	swait.ge [sflag:s29], $0x1000  }
0xef: {  	[sflag:s29] =	ssyncset.done $0x0  }
0xf0: {  	[sflag:s29] =	ssyncadd.s32 $0xFFFFF000  }
0xf1: {  	_ =	swait.ge [sflag:s29], $0x400  }
0xf2: {  	[sflag:s29] =	ssyncset.done $0x0  }
0xf3: {  	s21 =	sadd.s32 $0x600, s6;
	[sflag:s29] =	ssyncadd.s32 $0xFFFFFC00  }
0xf4: {  	[hbm4b:s21+s2] =	stream.linear.scatter [tilespmem:s23], [sflag:$0x5], $0x1000, $0x38;
	[tilespmem:$0x11400] =	vst v63  }
0xf5: {  	_ =	swait.ge [sflag:s11], $0x1000  }
0xf6: {  	[sflag:s11] =	ssyncset.done $0x0  }
0xf7: {  	[sflag:s11] =	ssyncadd.s32 $0xFFFFF000  }
0xf8: {  	[hbm4b:s31+s2] =	stream.linear.scatter [tilespmem:s24], [sflag:$0x5], $0x400, $0x38;
	[tilespmem:$0x11400] =	vst v63  }
0xf9: {  	_ =	swait.ge [sflag:s11], $0x400  }
0xfa: {  	s30 =	sadd.s32 $0x1, s30;
	s31 =	rddreg [dreg:$0x7]  }
0xfb: {  	p0 =	sne.s32 s30, s31  }
.Ltmp1:
0xfc: {  	_ = 	snop;
	(pc) =	sbr.rel @p0 .LBB2_1-.Ltmp1, $3  }
0xfd: {  	_ =	sdelay $0x1  }
0xfe: {  	[sflag:s11] =	ssyncset.done $0x0  }
0xff: {  	[sflag:s11] =	ssyncadd.s32 $0xFFFFFC00  }
0x100: {  	_ =	sfence.sel $0x180000  }
0x101: {  	[bflag:$0x0] =	sbarrier.arrive $0xFFFF  }
0x102: {  	_ =	strace $0x9000004A  }
0x103: {  	s0 =	stileid.u32;
	[bflag:$0x2] =	sbarrier.arrive $0xFFFF  }
0x104: {  	p0 =	sne.s32 s0, $0x0;
	s0 =	rddreg [dreg:$0x1]  }
0x105: {  	s0 =	sadd.s32 @!p0 $0x100000, s0  }
0x106: {  	[sflag:s0] =	ssyncadd.tile.s32 @!p0 $0x1;
	_ =	shalt  }
.Lfunc_end2:
_tile_overlayer_lowered:
.L_overlay_start_2:
0x107: {  	(tag) =	ssettag $0x2  }
0x108: {  	s0 =	rddreg [dreg:$0x0];
	s2 =	stileid.u32  }
0x109: {  	s1 =	rddreg [dreg:$0x1];
	p0 =	sne.s32 s2, $0x0  }
0x10a: {  	s3 =	rddreg [dreg:$0x2];
	[bflag:$0x3] =	sbarrier.arrive $0xFFFF;
	s2 =	simm.s32 @!p0 $0x1C05  }
0x10b: {  	[timem:s3], [sflag:s2] =	dma.local @!p0 [hbm:s0], s1  }
0x10c: {  	s0 =	simm.s32 @!p0 $0x5  }
0x10d: {  	_ =	swait.ge @!p0 [sflag:s0], s1  }
0x10e: {  	s1 =	ssub.s32 @!p0 $0x0, s1;
	[sflag:s0] =	ssyncset.done @!p0 $0x0  }
0x10f: {  	[sflag:s0] =	ssyncadd.s32 @!p0 s1  }
0x110: {  	[bflag:$0x3] =	sbarrier.arrive $0xFFFF  }
0x111: {  	_ =	shalt  }

// kernel: kernel.19.cloned.1.call-start
scs
__scs_entry_jumppad:
0x0: {  	(pc) =	sbr.rel $0x88, $3  }
0x1: {  	(tag) =	ssettag $0x0;
	lr =	simm.s32 $0x1  }
0x2: {  	[smem:$0x3F88] =	sst lr;
	_ =	strace $0xD0000000  }
0x3: {  	_ = 	snop  }
0x4: {  	_ = 	snop  }
0x5: {  	_ = 	snop  }
0x6: {  	_ = 	snop  }
0x7: {  	_ = 	snop  }
__scs_overlays_trampoline_lowered:
0x8: {  	[smem:$0x3F97] =	sst s0  }
0x9: {  	[smem:$0x3F98] =	sst s1  }
0xa: {  	[smem:$0x3F99] =	sst s2  }
0xb: {  	[smem:$0x3F9A] =	sst s3  }
0xc: {  	[smem:$0x3F9B] =	sst s4  }
0xd: {  	[smem:$0x3F9C] =	sst s5  }
0xe: {  	[smem:$0x3F9D] =	sst s6  }
0xf: {  	[smem:$0x3F9E] =	sst s7  }
0x10: {  	[smem:$0x3F9F] =	sst s8  }
0x11: {  	[smem:$0x3FA0] =	sst s9;
	s0 =	simm.s32 @!p0 $0x0  }
0x12: {  	s1 =	sld [smem:$0x3F86];
	s0 =	simm.s32 @p0 $0x1  }
0x13: {  	[smem:$0x3FA1] =	sst s0;
	s0 =	simm.s32 @!p1 $0x0  }
0x14: {  	s2 =	sld [smem:$0x3F85];
	s0 =	simm.s32 @p1 $0x1  }
0x15: {  	[smem:$0x3FA2] =	sst s0;
	s0 =	simm.s32 @!p2 $0x0  }
0x16: {  	s3 =	sld [smem:$0x3FDB];
	s0 =	simm.s32 @p2 $0x1  }
0x17: {  	s4 =	simm.s32 $0x1BF5;
	[smem:$0x3FA4] =	sst s0  }
0x18: {  	s0 =	sld [smem:$0x3F87];
	_ =	swait.ge [sflag:s4], $0x0  }
0x19: {  	s7 =	sld [smem:$0x3F88]  }
0x1a: {  	s8 =	sadd.s32 $0xFFFFE003, lr  }
0x1b: {  	s9 =	sadd.s32 $0xFFFFFEF7, lr;
	s5 =	simm.s32 $0xFFFFFFFF;
	p2 =	slt.u32 s8, $0xFFFFF086  }
0x1c: {  	p1 =	slt.u32 s9, $0xF7A;
	s5 =	simm.s32 @!p2 $0x0  }
0x1d: {  	s5 =	simm.s32 @p1 $0x1;
	p0 =	seq.s32 s7, s2  }
0x1e: {  	s7 =	smul.u32 @!p0 $0xF7A, s2;
	p2 =	seq.s32 @!p0 s5, $0x0  }
0x1f: {  	s9 =	smul.u32 $0xF7A, s1;
	s8 =	simm.s32 @!p0 $0x1BF5;
	p2 =	por !p2, p0  }
0x20: {  	[sflag:s8] =	ssyncset.s32 @!p0 $0xFFFFF086;
	s6 =	sadd.s32 @!p0 s3, s7;
	s7 =	simm.s32 @!p0 $0x108  }
0x21: {  	s3 =	sadd.s32 s3, s9;
	s6 =	sadd.s32 @!p0 $0x88, s6;
	s7 =	simm.s32 @p2 $0x1082  }
0x22: {  	[simem:s7], [sflag:s8] =	dma.local @!p0 [hbm:s6], $0xF7A  }
0x23: {  	s9 =	sor.u32 $0xD0000000, s2;
	s6 =	simm.s32 $0x108;
	_ =	swait.ge @!p0 [sflag:s8], $0x0  }
0x24: {  	s3 =	sadd.s32 $0x88, s3;
	s6 =	simm.s32 @!p1 $0x1082;
	[sflag:s4] =	ssyncset.s32 $0xFFFFF086  }
0x25: {  	[simem:s6], [sflag:s4] =	dma.local [hbm:s3], $0xF7A  }
0x26: {  	[smem:$0x3F88] =	sst s1;
	(tag) =	ssettag s2;
	_ =	strace s9  }
0x27: {  	s1 =	sld [smem:$0x3F98]  }
0x28: {  	s2 =	sld [smem:$0x3F99]  }
0x29: {  	s4 =	sld [smem:$0x3F9B]  }
0x2a: {  	p0 =	seq.s32 s5, $0x0;
	s5 =	sld [smem:$0x3F9C]  }
0x2b: {  	s6 =	sld [smem:$0x3F9D]  }
0x2c: {  	s7 =	sld [smem:$0x3F9E]  }
0x2d: {  	s3 =	simm.s32 $0x108;
	s8 =	sld [smem:$0x3F9F]  }
0x2e: {  	s3 =	simm.s32 @!p0 $0x1082;
	s9 =	sld [smem:$0x3FA0]  }
0x2f: {  	lr =	sadd.s32 s0, s3;
	s0 =	sld [smem:$0x3F97]  }
0x30: {  	s3 =	sld [smem:$0x3F9A]  }
0x31: {  	[smem:$0x3FA3] =	sst s10  }
0x32: {  	s10 =	sld [smem:$0x3FA1];
	_ =	sdelay $0x3  }
0x33: {  	p0 =	seq.s32 s10, $0x1;
	s10 =	sld [smem:$0x3FA3];
	_ =	sdelay $0x3  }
0x34: {  	[smem:$0x3FA3] =	sst s10  }
0x35: {  	s10 =	sld [smem:$0x3FA2];
	_ =	sdelay $0x3  }
0x36: {  	p1 =	seq.s32 s10, $0x1;
	s10 =	sld [smem:$0x3FA3];
	_ =	sdelay $0x3  }
0x37: {  	[smem:$0x3FA3] =	sst s10  }
0x38: {  	s10 =	sld [smem:$0x3FA4]  }
0x39: {  	_ = 	snop;
	(pc) =	sbr.ind lr, $3  }
0x3a: {  	_ = 	snop  }
0x3b: {  	_ = 	snop  }
0x3c: {  	p2 =	seq.s32 s10, $0x1;
	s10 =	sld [smem:$0x3FA3]  }
0x3d: {  	_ =	shalt  }
0x3e: {  	_ =	shalt  }
0x3f: {  	_ =	shalt  }
0x40: {  	_ =	shalt  }
0x41: {  	_ =	shalt  }
0x42: {  	_ =	shalt  }
0x43: {  	_ =	shalt  }
0x44: {  	_ =	shalt  }
0x45: {  	_ =	shalt  }
0x46: {  	_ =	shalt  }
0x47: {  	_ =	shalt  }
0x48: {  	_ =	shalt  }
0x49: {  	_ =	shalt  }
0x4a: {  	_ =	shalt  }
0x4b: {  	_ =	shalt  }
0x4c: {  	_ =	shalt  }
0x4d: {  	_ =	shalt  }
0x4e: {  	_ =	shalt  }
0x4f: {  	_ =	shalt  }
0x50: {  	_ =	shalt  }
0x51: {  	_ =	shalt  }
0x52: {  	_ =	shalt  }
0x53: {  	_ =	shalt  }
0x54: {  	_ =	shalt  }
0x55: {  	_ =	shalt  }
0x56: {  	_ =	shalt  }
0x57: {  	_ =	shalt  }
0x58: {  	_ =	shalt  }
0x59: {  	_ =	shalt  }
0x5a: {  	_ =	shalt  }
0x5b: {  	_ =	shalt  }
0x5c: {  	_ =	shalt  }
0x5d: {  	_ =	shalt  }
0x5e: {  	_ =	shalt  }
0x5f: {  	_ =	shalt  }
0x60: {  	_ =	shalt  }
0x61: {  	_ =	shalt  }
0x62: {  	_ =	shalt  }
0x63: {  	_ =	shalt  }
0x64: {  	_ =	shalt  }
0x65: {  	_ =	shalt  }
0x66: {  	_ =	shalt  }
0x67: {  	_ =	shalt  }
0x68: {  	_ =	shalt  }
0x69: {  	_ =	shalt  }
0x6a: {  	_ =	shalt  }
0x6b: {  	_ =	shalt  }
0x6c: {  	_ =	shalt  }
0x6d: {  	_ =	shalt  }
0x6e: {  	_ =	shalt  }
0x6f: {  	_ =	shalt  }
0x70: {  	_ =	shalt  }
0x71: {  	_ =	shalt  }
0x72: {  	_ =	shalt  }
0x73: {  	_ =	shalt  }
0x74: {  	_ =	shalt  }
0x75: {  	_ =	shalt  }
0x76: {  	_ =	shalt  }
0x77: {  	_ =	shalt  }
0x78: {  	_ =	shalt  }
0x79: {  	_ =	shalt  }
0x7a: {  	_ =	shalt  }
0x7b: {  	_ =	shalt  }
0x7c: {  	_ =	shalt  }
0x7d: {  	_ =	shalt  }
0x7e: {  	_ =	shalt  }
0x7f: {  	_ =	shalt  }
0x80: {  	_ =	shalt  }
0x81: {  	_ =	shalt  }
0x82: {  	_ =	shalt  }
0x83: {  	_ =	shalt  }
0x84: {  	_ =	shalt  }
0x85: {  	_ =	shalt  }
0x86: {  	_ =	shalt  }
0x87: {  	_ =	shalt  }
.Lfunc_end0:
.L_simem_size_0:
called_computation.2_lowered:
.L_overlay_start_0:
0x88: {  	s2 =	sld [smem:$0x3FD9]  }
0x89: {  	s3 =	sld [smem:$0x3FFE];
	_ =	sdelay $0x1  }
0x8a: {  	s1 =	srdreg.scid  }
0x8b: {  	s0 =	sand.u32 $0x1, s1  }
0x8c: {  	s16 =	sshll.u32 s0, $0xA;
	s2 =	sadd.s32 s3, s2  }
0x8d: {  	s2 =	sadd.s32 s2, s16  }
0x8e: {  	[smem:$0x3FAF] =	sst s2  }
0x8f: {  	_ = 	snop  }
0x90: {  	(tm) =	ssettm $0x1  }
0x91: {  	s17 =	sld [smem:$0x3FFB];
	_ =	sdelay $0x3  }
0x92: {  	_ =	strace s17  }
0x93: {  	s2 =	sld [smem:$0x3FFC];
	_ =	sdelay $0x3  }
0x94: {  	_ =	strace s2  }
0x95: {  	s2 =	sld [smem:$0x3FFD];
	_ =	sdelay $0x3  }
0x96: {  	_ =	strace s2  }
0x97: {  	_ =	strace $0x8FFFFFFF  }
0x98: {  	s18 =	sld [smem:$0x3FDB];
	_ =	sdelay $0x1  }
0x99: {  	s19 =	simm.s32 $_scs_section_size  }
0x9a: {  	s4 =	simm.s32 $_size__tile_overlayer_lowered;
	s5 =	simm.s32 $_tile_overlayer_lowered  }
0x9b: {  	s22 =	simm.s32 $0x1BFF;
	s21 =	sshll.u32 s5, $0x1;
	s2 =	sadd.s32 s19, s18  }
0x9c: {  	s6 =	simm.s32 $0x0;
	s20 =	sshll.u32 s4, $0x1;
	s4 =	sadd.s32 s21, s2  }
0x9d: {  	[timem:s6], [sflag:s22] =	dma.local [hbm:s4], s20  }
0x9e: {  	_ =	swait.ge [sflag:s22], s20  }
0x9f: {  	s3 =	ssub.s32 $0x0, s20;
	[sflag:s22] =	ssyncset.done $0x0  }
0xa0: {  	[sflag:s22] =	ssyncadd.s32 s3;
	_ =	sdelay $0x1  }
0xa1: {  	s23 =	simm.s32 $0x1B8B  }
0xa2: {  	_ =	swait.ge [sflag:s23], $0x1  }
0xa3: {  	[sflag:s23] =	ssyncset.done $0x0  }
0xa4: {  	s25 =	simm.s32 $0x1B8E;
	s24 =	sld [smem:$0x3FFE];
	[sflag:s23] =	ssyncadd.s32 $0xFFFFFFFF  }
0xa5: {  	s26 =	simm.s32 $execute0_lowered;
	[smem:$0x3FD2] =	sst s25  }
0xa6: {  	s4 =	sshll.u32 s26, $0x1;
	_ =	strace $0x8000004C;
	[dreg:$0x1] =	wrdreg $0xFFFFFFFF  }
0xa7: {  	s28 =	simm.s32 $_size_execute0_lowered;
	s2 =	sadd.s32 s2, s4;
	[dreg:$0x0] =	wrdreg $0x0  }
0xa8: {  	s4 =	sshll.u32 s28, $0x1;
	[dreg:$0x2] =	wrdreg s2  }
0xa9: {  	[dreg:$0x3] =	wrdreg s4  }
0xaa: {  	[dreg:$0x4] =	wrdreg $0xC0  }
0xab: {  	_ =	task [dreg:s6], $0x5FFFF  }
0xac: {  	[dreg:$0x1] =	wrdreg $0xFFFFFFFF  }
0xad: {  	[dreg:$0x0] =	wrdreg $0x60  }
0xae: {  	[dreg:$0x2] =	wrdreg s24  }
0xaf: {  	[dreg:$0x3] =	wrdreg $0x9  }
0xb0: {  	_ =	task.clear_ibuf [dreg:s6], $0x4FFFF;
	_ =	strace $0x9000004C  }
0xb1: {  	s29 =	simm.s32 $0x9;
	_ =	strace $0x8000004E  }
0xb2: {  	_ =	swait.ge [sflag:s29], $0x1  }
0xb3: {  	[sflag:s29] =	ssyncadd.s32 $0xFFFFFFFF  }
0xb4: {  	_ =	strace $0x9000004E  }
0xb5: {  	_ =	sfence  }
0xb6: {  	s30 =	sld [smem:$0x0];
	_ =	sdelay $0x2  }
0xb7: {  	s31 =	sshll.u32 s1, $0xD;
	s1 =	sshrl.u32 s1, $0x2  }
0xb8: {  	s3 =	sand.u32 $0x4000, s31;
	s1 =	sadd.s32 s1, s30  }
0xb9: {  	s0 =	sor.u32 s3, s0;
	s1 =	sshll.u32 s1, $0x11  }
0xba: {  	s0 =	sor.u32 s1, s0  }
0xbb: {  	s0 =	sadd.s32 $0x8F2B, s0  }
0xbc: {  	[sflag:s0] =	ssyncadd.remote.s32 $0x1  }
0xbd: {  	_ =	sfence.sel $0xFFFF  }
0xbe: {  	[dreg:$0x0] =	wrdreg $0xFFFFFFFF;
	(pc) =	sbr.abs _section_cstart, $3  }
0xbf: {  	[dreg:$0x1] =	wrdreg $0xFFFFFFFF  }
0xc0: {  	_ =	task.clear_ibuf [dreg:s6], $0x2FFFF;
	_ =	strace $0x9FFFFFFF  }
0xc1: {  	(tm) =	ssettm $0x7FFFFFFF  }
tec
execute0_lowered:
.L_overlay_start_1:
0x0: {  	(tag) =	ssettag $0x1  }
0x1: {  	s0 =	srdreg.scid  }
0x2: {  	s11 =	stileid.u32;
	s5 =	rddreg [dreg:$0x0];
	s2 =	simm.s32 $0x0  }
0x3: {  	s13 =	simm.s32 $0x80;
	s14 =	simm.s32 $0xC400;
	s15 =	simm.s32 $0xD400  }
0x4: {  	s28 =	simm.s32 $0x3;
	s29 =	simm.s32 $0x4;
	s6 =	smul.u32 $0x188, s11  }
0x5: {  	s30 =	simm.s32 $0x0;
	s0 =	sand.u32 $0x1, s0;
	s22 =	smul.u32 $0xC400, s11  }
0x6: {  	s1 =	sshll.u32 s11, $0x1;
	[smem:$0x7FF] =	sst s2;
	s11 =	smul.u32 $0x31000, s11  }
0x7: {  	s3 =	sadd.s32 $0x7200, s5;
	s4 =	sadd.s32 $0x38000, s5;
	s7 =	smul.u32 $0xC4, s0  }
0x8: {  	s16 =	sadd.s32 $0x1FDC00, s5;
	s1 =	sor.u32 s0, s1;
	s25 =	smul.u32 $0x18800, s0  }
0x9: {  	_ =	strace $0x8000004D;
	s8 =	ssub.s32 $0x2, s0;
	s0 =	smul.u32 $0x6200, s0  }
0xa: {  	s1 =	smul.u32 $0xC40, s1;
	s9 =	sshrl.u32 s8, $0x1;
	s6 =	sadd.s32 s7, s6  }
0xb: {  	s8 =	ssub.s32 s8, s9;
	s7 =	sadd.s32 s11, s16;
	s11 =	simm.s32 $0x5  }
0xc: {  	s1 =	sadd.s32 s1, s5;
	s10 =	sor.u32 $0x2, s6;
	s5 =	sadd.s32 $0x75A00, s5  }
0xd: {  	s8 =	smax.u32 s8, $0x1;
	s21 =	sshll.u32 s6, $0x7;
	s24 =	sshll.u32 s6, $0x9  }
0xe: {  	s31 =	sadd.s32 s25, s7;
	s25 =	simm.s32 $0x1;
	[dreg:$0x7] =	wrdreg s8  }
0xf: {  	s17 =	sshrl.u32 s10, $0x1;
	s18 =	sadd.s32 $0x5D200, s1;
	[dreg:$0x4] =	wrdreg s31  }
0x10: {  	s1 =	sadd.s32 $0x44A00, s1;
	s23 =	sadd.s32 s21, s5;
	[dreg:$0x5] =	wrdreg s18  }
0x11: {  	s26 =	sadd.s32 s22, s5;
	s22 =	simm.s32 $0xFC00;
	[dreg:$0x6] =	wrdreg s1  }
0x12: {  	s19 =	sshll.u32 s17, $0x8;
	s20 =	sshll.u32 s17, $0xA;
	s0 =	sadd.s32 s0, s26  }
0x13: {  	s18 =	simm.s32 $0xE800;
	s1 =	sadd.s32 s19, s5;
	[dreg:$0xa] =	wrdreg s0  }
0x14: {  	s26 =	simm.s32 $0x2;
	[dreg:$0x8] =	wrdreg s1;
	s1 =	sadd.s32 s20, s16  }
0x15: {  	s20 =	simm.s32 $0xEC00;
	[dreg:$0x2] =	wrdreg s1;
	s1 =	sadd.s32 $0x180, s23  }
0x16: {  	s23 =	simm.s32 $0x10000;
	[dreg:$0x9] =	wrdreg s1;
	s1 =	sadd.s32 s24, s16  }
0x17: {  	s16 =	simm.s32 $0xD800;
	s24 =	simm.s32 $0x11000;
	[dreg:$0x3] =	wrdreg s1  }
.LBB2_1:
0x18: {  	s0 =	rddreg [dreg:$0x5]  }
0x19: {  	[tilespmem:s2], [sflag:$0x5] =	stream.linear.gather [hbm4b:s0+s2], $0x6200, $0x38;
	[tilespmem:$0x11400] =	vst v63  }
0x1a: {  	_ =	swait.ge [sflag:s11], $0x6200  }
0x1b: {  	[sflag:s11] =	ssyncset.done $0x0  }
0x1c: {  	s1 =	simm.s32 $0x6200;
	s21 =	rddreg [dreg:$0x6];
	[sflag:s11] =	ssyncadd.s32 $0xFFFF9E00  }
0x1d: {  	[tilespmem:s1], [sflag:$0x5] =	stream.linear.gather [hbm4b:s21+s2], $0x6200, $0x38;
	[tilespmem:$0x11400] =	vst v63  }
0x1e: {  	_ =	swait.ge [sflag:s11], $0x6200  }
0x1f: {  	[sflag:s11] =	ssyncset.done $0x0  }
0x20: {  	[sflag:s11] =	ssyncadd.s32 $0xFFFF9E00  }
0x21: {  	[tilespmem:s14], [sflag:$0x1] =	stream.indirect.gather [hbm4b:s3+s13], $0x20, s2, s13, $0xb8;
	[tilespmem:$0x11400] =	vst v63  }
0x22: {  	_ = 	snop  }
0x23: {  	[tilespmem:s15], [sflag:$0x1] =	stream.indirect.gather [hbm4b:s4+s13], $0x8, s1, s13, $0xb8;
	[tilespmem:$0x11400] =	vst v63  }
0x24: {  	_ = 	snop  }
0x25: {  	[tilespmem:s16], [sflag:$0x2] =	stream.indirect.gather [hbm4b:s3+s13], $0x20, s13, s13, $0xb8;
	[tilespmem:$0x11400] =	vst v63  }
0x26: {  	s5 =	simm.s32 $0x6280  }
0x27: {  	[tilespmem:s18], [sflag:$0x2] =	stream.indirect.gather [hbm4b:s4+s13], $0x8, s5, s13, $0xb8;
	[tilespmem:$0x11400] =	vst v63  }
0x28: {  	s6 =	simm.s32 $0x100  }
0x29: {  	[tilespmem:s20], [sflag:$0x3] =	stream.indirect.gather [hbm4b:s3+s13], $0x20, s6, s13, $0xb8;
	[tilespmem:$0x11400] =	vst v63  }
0x2a: {  	s7 =	simm.s32 $0x6300  }
0x2b: {  	[tilespmem:s22], [sflag:$0x3] =	stream.indirect.gather [hbm4b:s4+s13], $0x8, s7, s13, $0xb8;
	[tilespmem:$0x11400] =	vst v63  }
0x2c: {  	s8 =	simm.s32 $0x180  }
0x2d: {  	[tilespmem:s23], [sflag:$0x4] =	stream.indirect.gather [hbm4b:s3+s13], $0x20, s8, s13, $0xb8;
	[tilespmem:$0x11400] =	vst v63  }
0x2e: {  	s9 =	simm.s32 $0x6380  }
0x2f: {  	[tilespmem:s24], [sflag:$0x4] =	stream.indirect.gather [hbm4b:s4+s13], $0x8, s9, s13, $0xb8;
	[tilespmem:$0x11400] =	vst v63  }
0x30: {  	_ =	swait.ge [sflag:s25], $0x1000  }
0x31: {  	[sflag:s25] =	ssyncset.done $0x0  }
0x32: {  	[sflag:s25] =	ssyncadd.s32 $0xFFFFF000  }
0x33: {  	_ =	swait.ge [sflag:s25], $0x400  }
0x34: {  	s10 =	rddreg [dreg:$0x4];
	[sflag:s25] =	ssyncset.done $0x0  }
0x35: {  	[sflag:s25] =	ssyncadd.s32 $0xFFFFFC00;
	s0 =	sadd.s32 $0x0, s10  }
0x36: {  	[hbm4b:s0+s2] =	stream.linear.scatter [tilespmem:s14], [sflag:$0x5], $0x1000, $0x38;
	[tilespmem:$0x11400] =	vst v63  }
0x37: {  	_ =	swait.ge [sflag:s11], $0x1000  }
0x38: {  	[sflag:s11] =	ssyncset.done $0x0  }
0x39: {  	s9 =	rddreg [dreg:$0xa];
	[sflag:s11] =	ssyncadd.s32 $0xFFFFF000  }
0x3a: {  	[hbm4b:s9+s2] =	stream.linear.scatter [tilespmem:s15], [sflag:$0x5], $0x400, $0x38;
	[tilespmem:$0x11400] =	vst v63  }
0x3b: {  	p0 =	por $0x0, $0x0;
	_ =	swait.ge [sflag:s11], $0x400  }
0x3c: {  	s1 =	simm.s32 @!p0 $0x200;
	[sflag:s11] =	ssyncset.done $0x0  }
0x3d: {  	s5 =	simm.s32 @!p0 $0x80;
	s0 =	simm.s32 @!p0 $0xC400;
	[sflag:s11] =	ssyncadd.s32 $0xFFFFFC00  }
0x3e: {  	[tilespmem:s0], [sflag:$0x1] =	stream.indirect.gather @!p0 [hbm4b:s3+s5], $0x20, s1, s5, $0xb8;
	[tilespmem:$0x11400] =	vst v63  }
0x3f: {  	s0 =	simm.s32 @!p0 $0x6400;
	s1 =	simm.s32 @!p0 $0xD400  }
0x40: {  	[tilespmem:s1], [sflag:$0x1] =	stream.indirect.gather @!p0 [hbm4b:s4+s5], $0x8, s0, s5, $0xb8;
	[tilespmem:$0x11400] =	vst v63  }
0x41: {  	_ =	swait.ge [sflag:s26], $0x1000  }
0x42: {  	[sflag:s26] =	ssyncset.done $0x0  }
0x43: {  	[sflag:s26] =	ssyncadd.s32 $0xFFFFF000  }
0x44: {  	_ =	swait.ge [sflag:s26], $0x400  }
0x45: {  	s12 =	rddreg [dreg:$0x3]  }
0x46: {  	[sflag:s26] =	ssyncset.done $0x0;
	s0 =	sadd.s32 $0x0, s12  }
0x47: {  	[sflag:s26] =	ssyncadd.s32 $0xFFFFFC00;
	s17 =	sadd.s32 $0x200, s0  }
0x48: {  	[hbm4b:s17+s2] =	stream.linear.scatter [tilespmem:s16], [sflag:$0x5], $0x1000, $0x38;
	[tilespmem:$0x11400] =	vst v63  }
0x49: {  	_ =	swait.ge [sflag:s11], $0x1000  }
0x4a: {  	[sflag:s11] =	ssyncset.done $0x0;
	s8 =	rddreg [dreg:$0x9]  }
0x4b: {  	[sflag:s11] =	ssyncadd.s32 $0xFFFFF000;
	s19 =	sadd.s32 $0xFFFFFF00, s8  }
0x4c: {  	[hbm4b:s19+s2] =	stream.linear.scatter [tilespmem:s18], [sflag:$0x5], $0x400, $0x38;
	[tilespmem:$0x11400] =	vst v63  }
0x4d: {  	_ =	swait.ge [sflag:s11], $0x400  }
0x4e: {  	[sflag:s11] =	ssyncset.done $0x0  }
0x4f: {  	s6 =	simm.s32 @!p0 $0xD800;
	s1 =	simm.s32 @!p0 $0x280;
	[sflag:s11] =	ssyncadd.s32 $0xFFFFFC00  }
0x50: {  	[tilespmem:s6], [sflag:$0x2] =	stream.indirect.gather @!p0 [hbm4b:s3+s5], $0x20, s1, s5, $0xb8;
	[tilespmem:$0x11400] =	vst v63  }
0x51: {  	s1 =	simm.s32 @!p0 $0x6480;
	s6 =	simm.s32 @!p0 $0xE800  }
0x52: {  	[tilespmem:s6], [sflag:$0x2] =	stream.indirect.gather @!p0 [hbm4b:s4+s5], $0x8, s1, s5, $0xb8;
	[tilespmem:$0x11400] =	vst v63  }
0x53: {  	_ =	swait.ge [sflag:s28], $0x1000  }
0x54: {  	[sflag:s28] =	ssyncset.done $0x0  }
0x55: {  	[sflag:s28] =	ssyncadd.s32 $0xFFFFF000  }
0x56: {  	_ =	swait.ge [sflag:s28], $0x400  }
0x57: {  	s21 =	rddreg [dreg:$0x2];
	[sflag:s28] =	ssyncset.done $0x0  }
0x58: {  	[sflag:s28] =	ssyncadd.s32 $0xFFFFFC00;
	s1 =	sadd.s32 $0x0, s21  }
0x59: {  	[hbm4b:s1+s2] =	stream.linear.scatter [tilespmem:s20], [sflag:$0x5], $0x1000, $0x38;
	[tilespmem:$0x11400] =	vst v63  }
0x5a: {  	_ =	swait.ge [sflag:s11], $0x1000  }
0x5b: {  	[sflag:s11] =	ssyncset.done $0x0  }
0x5c: {  	s7 =	rddreg [dreg:$0x8];
	[sflag:s11] =	ssyncadd.s32 $0xFFFFF000  }
0x5d: {  	[hbm4b:s7+s2] =	stream.linear.scatter [tilespmem:s22], [sflag:$0x5], $0x400, $0x38;
	[tilespmem:$0x11400] =	vst v63  }
0x5e: {  	_ =	swait.ge [sflag:s11], $0x400  }
0x5f: {  	[sflag:s11] =	ssyncset.done $0x0  }
0x60: {  	s6 =	simm.s32 @!p0 $0xEC00;
	s1 =	simm.s32 @!p0 $0x300;
	[sflag:s11] =	ssyncadd.s32 $0xFFFFFC00  }
0x61: {  	[tilespmem:s6], [sflag:$0x3] =	stream.indirect.gather @!p0 [hbm4b:s3+s5], $0x20, s1, s5, $0xb8;
	[tilespmem:$0x11400] =	vst v63  }
0x62: {  	s1 =	simm.s32 @!p0 $0x6500;
	s6 =	simm.s32 @!p0 $0xFC00  }
0x63: {  	[tilespmem:s6], [sflag:$0x3] =	stream.indirect.gather @!p0 [hbm4b:s4+s5], $0x8, s1, s5, $0xb8;
	[tilespmem:$0x11400] =	vst v63  }
0x64: {  	_ =	swait.ge [sflag:s29], $0x1000  }
0x65: {  	[sflag:s29] =	ssyncset.done $0x0  }
0x66: {  	[sflag:s29] =	ssyncadd.s32 $0xFFFFF000  }
0x67: {  	_ =	swait.ge [sflag:s29], $0x400  }
0x68: {  	[sflag:s29] =	ssyncset.done $0x0  }
0x69: {  	s0 =	sadd.s32 $0x600, s0;
	[sflag:s29] =	ssyncadd.s32 $0xFFFFFC00  }
0x6a: {  	[hbm4b:s0+s2] =	stream.linear.scatter [tilespmem:s23], [sflag:$0x5], $0x1000, $0x38;
	[tilespmem:$0x11400] =	vst v63  }
0x6b: {  	_ =	swait.ge [sflag:s11], $0x1000  }
0x6c: {  	[sflag:s11] =	ssyncset.done $0x0  }
0x6d: {  	s17 =	sadd.s32 $0x200, s9;
	s31 =	sadd.s32 $0x200, s8;
	[sflag:s11] =	ssyncadd.s32 $0xFFFFF000  }
0x6e: {  	[hbm4b:s8+s2] =	stream.linear.scatter [tilespmem:s24], [sflag:$0x5], $0x400, $0x38;
	[tilespmem:$0x11400] =	vst v63  }
0x6f: {  	s19 =	simm.s32 $0x1000;
	s1 =	simm.s32 $0x800;
	_ =	swait.ge [sflag:s11], $0x400  }
0x70: {  	s5 =	simm.s32 $0x200;
	s0 =	sadd.s32 $0x200, s7;
	[sflag:s11] =	ssyncset.done $0x0  }
.LBB2_2:
0x71: {  	s6 =	sadd.s32 $0x180, s5;
	[sflag:s11] =	ssyncadd.s32 $0xFFFFFC00  }
0x72: {  	[tilespmem:s23], [sflag:$0x4] =	stream.indirect.gather [hbm4b:s3+s13], $0x20, s6, s13, $0xb8;
	[tilespmem:$0x11400] =	vst v63  }
0x73: {  	s7 =	sadd.s32 $0x6380, s5  }
0x74: {  	[tilespmem:s24], [sflag:$0x4] =	stream.indirect.gather [hbm4b:s4+s13], $0x8, s7, s13, $0xb8;
	[tilespmem:$0x11400] =	vst v63  }
0x75: {  	_ =	swait.ge [sflag:s25], $0x1000  }
0x76: {  	[sflag:s25] =	ssyncset.done $0x0  }
0x77: {  	[sflag:s25] =	ssyncadd.s32 $0xFFFFF000  }
0x78: {  	_ =	swait.ge [sflag:s25], $0x400  }
0x79: {  	s8 =	rddreg [dreg:$0x4];
	[sflag:s25] =	ssyncset.done $0x0  }
0x7a: {  	[sflag:s25] =	ssyncadd.s32 $0xFFFFFC00;
	s5 =	sadd.s32 s1, s8  }
0x7b: {  	[hbm4b:s5+s2] =	stream.linear.scatter [tilespmem:s14], [sflag:$0x5], $0x1000, $0x38;
	[tilespmem:$0x11400] =	vst v63  }
0x7c: {  	_ =	swait.ge [sflag:s11], $0x1000  }
0x7d: {  	[sflag:s11] =	ssyncset.done $0x0  }
0x7e: {  	p1 =	seq.s32 s1, $0x18000;
	[sflag:s11] =	ssyncadd.s32 $0xFFFFF000  }
0x7f: {  	[hbm4b:s17+s2] =	stream.linear.scatter [tilespmem:s15], [sflag:$0x5], $0x400, $0x38;
	[tilespmem:$0x11400] =	vst v63  }
0x80: {  	s6 =	sshra.s32 @!p1 s1, $0x2;
	_ =	swait.ge [sflag:s11], $0x400  }
0x81: {  	s12 =	sadd.s32 @!p1 $0x200, s6;
	[sflag:s11] =	ssyncset.done $0x0  }
0x82: {  	s7 =	simm.s32 @!p1 $0xC400;
	s5 =	simm.s32 @!p1 $0x80;
	[sflag:s11] =	ssyncadd.s32 $0xFFFFFC00  }
0x83: {  	[tilespmem:s7], [sflag:$0x1] =	stream.indirect.gather @!p1 [hbm4b:s3+s5], $0x20, s12, s5, $0xb8;
	[tilespmem:$0x11400] =	vst v63  }
0x84: {  	s7 =	sadd.s32 @!p1 $0x6400, s6;
	s12 =	simm.s32 @!p1 $0xD400  }
0x85: {  	[tilespmem:s12], [sflag:$0x1] =	stream.indirect.gather @!p1 [hbm4b:s4+s5], $0x8, s7, s5, $0xb8;
	[tilespmem:$0x11400] =	vst v63  }
0x86: {  	_ =	swait.ge [sflag:s26], $0x1000  }
0x87: {  	[sflag:s26] =	ssyncset.done $0x0  }
0x88: {  	[sflag:s26] =	ssyncadd.s32 $0xFFFFF000  }
0x89: {  	s10 =	sadd.s32 @!p1 $0x6480, s6;
	_ =	swait.ge [sflag:s26], $0x400  }
0x8a: {  	s8 =	sadd.s32 @!p1 $0x280, s6;
	s12 =	sadd.s32 @!p1 $0x300, s6;
	s9 =	rddreg [dreg:$0x3]  }
0x8b: {  	s7 =	sadd.s32 @!p1 $0x6500, s6;
	[sflag:s26] =	ssyncset.done $0x0;
	s6 =	sadd.s32 s1, s9  }
0x8c: {  	[sflag:s26] =	ssyncadd.s32 $0xFFFFFC00;
	s9 =	sadd.s32 $0x200, s6  }
0x8d: {  	[hbm4b:s9+s2] =	stream.linear.scatter [tilespmem:s16], [sflag:$0x5], $0x1000, $0x38;
	[tilespmem:$0x11400] =	vst v63  }
0x8e: {  	_ =	swait.ge [sflag:s11], $0x1000  }
0x8f: {  	[sflag:s11] =	ssyncset.done $0x0  }
0x90: {  	s9 =	sadd.s32 $0xFFFFFF00, s31;
	[sflag:s11] =	ssyncadd.s32 $0xFFFFF000  }
0x91: {  	[hbm4b:s9+s2] =	stream.linear.scatter [tilespmem:s18], [sflag:$0x5], $0x400, $0x38;
	[tilespmem:$0x11400] =	vst v63  }
0x92: {  	_ =	swait.ge [sflag:s11], $0x400  }
0x93: {  	[sflag:s11] =	ssyncset.done $0x0  }
0x94: {  	s9 =	simm.s32 @!p1 $0xD800;
	[sflag:s11] =	ssyncadd.s32 $0xFFFFFC00  }
0x95: {  	[tilespmem:s9], [sflag:$0x2] =	stream.indirect.gather @!p1 [hbm4b:s3+s5], $0x20, s8, s5, $0xb8;
	[tilespmem:$0x11400] =	vst v63  }
0x96: {  	s8 =	simm.s32 @!p1 $0xE800  }
0x97: {  	[tilespmem:s8], [sflag:$0x2] =	stream.indirect.gather @!p1 [hbm4b:s4+s5], $0x8, s10, s5, $0xb8;
	[tilespmem:$0x11400] =	vst v63  }
0x98: {  	_ =	swait.ge [sflag:s28], $0x1000  }
0x99: {  	[sflag:s28] =	ssyncset.done $0x0  }
0x9a: {  	[sflag:s28] =	ssyncadd.s32 $0xFFFFF000  }
0x9b: {  	_ =	swait.ge [sflag:s28], $0x400  }
0x9c: {  	s10 =	rddreg [dreg:$0x2];
	[sflag:s28] =	ssyncset.done $0x0  }
0x9d: {  	[sflag:s28] =	ssyncadd.s32 $0xFFFFFC00;
	s8 =	sadd.s32 s1, s10  }
0x9e: {  	[hbm4b:s8+s2] =	stream.linear.scatter [tilespmem:s20], [sflag:$0x5], $0x1000, $0x38;
	[tilespmem:$0x11400] =	vst v63  }
0x9f: {  	_ =	swait.ge [sflag:s11], $0x1000  }
0xa0: {  	[sflag:s11] =	ssyncset.done $0x0  }
0xa1: {  	[sflag:s11] =	ssyncadd.s32 $0xFFFFF000  }
0xa2: {  	[hbm4b:s0+s2] =	stream.linear.scatter [tilespmem:s22], [sflag:$0x5], $0x400, $0x38;
	[tilespmem:$0x11400] =	vst v63  }
0xa3: {  	_ =	swait.ge [sflag:s11], $0x400  }
0xa4: {  	[sflag:s11] =	ssyncset.done $0x0  }
0xa5: {  	s8 =	simm.s32 @!p1 $0xEC00;
	[sflag:s11] =	ssyncadd.s32 $0xFFFFFC00  }
0xa6: {  	[tilespmem:s8], [sflag:$0x3] =	stream.indirect.gather @!p1 [hbm4b:s3+s5], $0x20, s12, s5, $0xb8;
	[tilespmem:$0x11400] =	vst v63  }
0xa7: {  	s8 =	simm.s32 @!p1 $0xFC00  }
0xa8: {  	[tilespmem:s8], [sflag:$0x3] =	stream.indirect.gather @!p1 [hbm4b:s4+s5], $0x8, s7, s5, $0xb8;
	[tilespmem:$0x11400] =	vst v63  }
0xa9: {  	_ =	swait.ge [sflag:s29], $0x1000  }
0xaa: {  	[sflag:s29] =	ssyncset.done $0x0  }
0xab: {  	[sflag:s29] =	ssyncadd.s32 $0xFFFFF000  }
0xac: {  	_ =	swait.ge [sflag:s29], $0x400  }
0xad: {  	s21 =	smov.u32 s19;
	s19 =	sadd.s32 $0x800, s19;
	[sflag:s29] =	ssyncset.done $0x0  }
0xae: {  	s1 =	smov.u32 s21;
	s21 =	sadd.s32 $0x600, s6;
	[sflag:s29] =	ssyncadd.s32 $0xFFFFFC00  }
0xaf: {  	[hbm4b:s21+s2] =	stream.linear.scatter [tilespmem:s23], [sflag:$0x5], $0x1000, $0x38;
	[tilespmem:$0x11400] =	vst v63  }
0xb0: {  	p0 =	sne.s32 s19, $0x18800;
	_ =	swait.ge [sflag:s11], $0x1000  }
.Ltmp0:
0xb1: {  	[sflag:s11] =	ssyncset.done $0x0;
	(pc) =	sbr.rel @p0 .LBB2_2-.Ltmp0, $4  }
0xb2: {  	[sflag:s11] =	ssyncadd.s32 $0xFFFFF000  }
0xb3: {  	[hbm4b:s31+s2] =	stream.linear.scatter [tilespmem:s24], [sflag:$0x5], $0x400, $0x38;
	[tilespmem:$0x11400] =	vst v63  }
0xb4: {  	s17 =	sadd.s32 $0x200, s17;
	s0 =	sadd.s32 $0x200, s0;
	_ =	swait.ge [sflag:s11], $0x400  }
0xb5: {  	s5 =	sshra.s32 s1, $0x2;
	s31 =	sadd.s32 $0x200, s31;
	[sflag:s11] =	ssyncset.done $0x0  }
0xb6: {  	s6 =	sadd.s32 $0x180, s5;
	[sflag:s11] =	ssyncadd.s32 $0xFFFFFC00  }
0xb7: {  	[tilespmem:s23], [sflag:$0x4] =	stream.indirect.gather [hbm4b:s3+s13], $0x20, s6, s13, $0xb8;
	[tilespmem:$0x11400] =	vst v63  }
0xb8: {  	s7 =	sadd.s32 $0x6380, s5  }
0xb9: {  	[tilespmem:s24], [sflag:$0x4] =	stream.indirect.gather [hbm4b:s4+s13], $0x8, s7, s13, $0xb8;
	[tilespmem:$0x11400] =	vst v63  }
0xba: {  	_ =	swait.ge [sflag:s25], $0x1000  }
0xbb: {  	[sflag:s25] =	ssyncset.done $0x0  }
0xbc: {  	[sflag:s25] =	ssyncadd.s32 $0xFFFFF000  }
0xbd: {  	_ =	swait.ge [sflag:s25], $0x400  }
0xbe: {  	s8 =	rddreg [dreg:$0x4];
	[sflag:s25] =	ssyncset.done $0x0  }
0xbf: {  	[sflag:s25] =	ssyncadd.s32 $0xFFFFFC00;
	s5 =	sadd.s32 s1, s8  }
0xc0: {  	[hbm4b:s5+s2] =	stream.linear.scatter [tilespmem:s14], [sflag:$0x5], $0x1000, $0x38;
	[tilespmem:$0x11400] =	vst v63  }
0xc1: {  	_ =	swait.ge [sflag:s11], $0x1000  }
0xc2: {  	[sflag:s11] =	ssyncset.done $0x0  }
0xc3: {  	[sflag:s11] =	ssyncadd.s32 $0xFFFFF000  }
0xc4: {  	[hbm4b:s17+s2] =	stream.linear.scatter [tilespmem:s15], [sflag:$0x5], $0x400, $0x38;
	[tilespmem:$0x11400] =	vst v63  }
0xc5: {  	p0 =	seq.s32 s1, $0x18000;
	_ =	swait.ge [sflag:s11], $0x400  }
0xc6: {  	s6 =	simm.s32 @!p0 $0xC400;
	s5 =	sshra.s32 @!p0 s1, $0x2;
	[sflag:s11] =	ssyncset.done $0x0  }
0xc7: {  	s8 =	simm.s32 @!p0 $0x80;
	s7 =	sadd.s32 @!p0 $0x200, s5;
	[sflag:s11] =	ssyncadd.s32 $0xFFFFFC00  }
0xc8: {  	[tilespmem:s6], [sflag:$0x1] =	stream.indirect.gather @!p0 [hbm4b:s3+s8], $0x20, s7, s8, $0xb8;
	[tilespmem:$0x11400] =	vst v63  }
0xc9: {  	s6 =	sadd.s32 @!p0 $0x6400, s5;
	s7 =	simm.s32 @!p0 $0xD400  }
0xca: {  	[tilespmem:s7], [sflag:$0x1] =	stream.indirect.gather @!p0 [hbm4b:s4+s8], $0x8, s6, s8, $0xb8;
	[tilespmem:$0x11400] =	vst v63  }
0xcb: {  	_ =	swait.ge [sflag:s26], $0x1000  }
0xcc: {  	[sflag:s26] =	ssyncset.done $0x0  }
0xcd: {  	[sflag:s26] =	ssyncadd.s32 $0xFFFFF000  }
0xce: {  	_ =	swait.ge [sflag:s26], $0x400  }
0xcf: {  	s9 =	rddreg [dreg:$0x3]  }
0xd0: {  	[sflag:s26] =	ssyncset.done $0x0;
	s6 =	sadd.s32 s1, s9  }
0xd1: {  	[sflag:s26] =	ssyncadd.s32 $0xFFFFFC00;
	s10 =	sadd.s32 $0x200, s6  }
0xd2: {  	[hbm4b:s10+s2] =	stream.linear.scatter [tilespmem:s16], [sflag:$0x5], $0x1000, $0x38;
	[tilespmem:$0x11400] =	vst v63  }
0xd3: {  	_ =	swait.ge [sflag:s11], $0x1000  }
0xd4: {  	[sflag:s11] =	ssyncset.done $0x0  }
0xd5: {  	s12 =	sadd.s32 $0xFFFFFF00, s31;
	[sflag:s11] =	ssyncadd.s32 $0xFFFFF000  }
0xd6: {  	[hbm4b:s12+s2] =	stream.linear.scatter [tilespmem:s18], [sflag:$0x5], $0x400, $0x38;
	[tilespmem:$0x11400] =	vst v63  }
0xd7: {  	_ =	swait.ge [sflag:s11], $0x400  }
0xd8: {  	[sflag:s11] =	ssyncset.done $0x0  }
0xd9: {  	s7 =	sadd.s32 @!p0 $0x280, s5;
	s9 =	simm.s32 @!p0 $0xD800;
	[sflag:s11] =	ssyncadd.s32 $0xFFFFFC00  }
0xda: {  	[tilespmem:s9], [sflag:$0x2] =	stream.indirect.gather @!p0 [hbm4b:s3+s8], $0x20, s7, s8, $0xb8;
	[tilespmem:$0x11400] =	vst v63  }
0xdb: {  	s7 =	sadd.s32 @!p0 $0x6480, s5;
	s9 =	simm.s32 @!p0 $0xE800  }
0xdc: {  	[tilespmem:s9], [sflag:$0x2] =	stream.indirect.gather @!p0 [hbm4b:s4+s8], $0x8, s7, s8, $0xb8;
	[tilespmem:$0x11400] =	vst v63  }
0xdd: {  	_ =	swait.ge [sflag:s28], $0x1000  }
0xde: {  	[sflag:s28] =	ssyncset.done $0x0  }
0xdf: {  	[sflag:s28] =	ssyncadd.s32 $0xFFFFF000  }
0xe0: {  	_ =	swait.ge [sflag:s28], $0x400  }
0xe1: {  	s17 =	rddreg [dreg:$0x2];
	[sflag:s28] =	ssyncset.done $0x0  }
0xe2: {  	s19 =	sadd.s32 s1, s17;
	[sflag:s28] =	ssyncadd.s32 $0xFFFFFC00  }
0xe3: {  	[hbm4b:s19+s2] =	stream.linear.scatter [tilespmem:s20], [sflag:$0x5], $0x1000, $0x38;
	[tilespmem:$0x11400] =	vst v63  }
0xe4: {  	_ =	swait.ge [sflag:s11], $0x1000  }
0xe5: {  	[sflag:s11] =	ssyncset.done $0x0  }
0xe6: {  	[sflag:s11] =	ssyncadd.s32 $0xFFFFF000  }
0xe7: {  	[hbm4b:s0+s2] =	stream.linear.scatter [tilespmem:s22], [sflag:$0x5], $0x400, $0x38;
	[tilespmem:$0x11400] =	vst v63  }
0xe8: {  	_ =	swait.ge [sflag:s11], $0x400  }
0xe9: {  	[sflag:s11] =	ssyncset.done $0x0  }
0xea: {  	s1 =	simm.s32 @!p0 $0xEC00;
	s0 =	sadd.s32 @!p0 $0x300, s5;
	[sflag:s11] =	ssyncadd.s32 $0xFFFFFC00  }
0xeb: {  	[tilespmem:s1], [sflag:$0x3] =	stream.indirect.gather @!p0 [hbm4b:s3+s8], $0x20, s0, s8, $0xb8;
	[tilespmem:$0x11400] =	vst v63  }
0xec: {  	s0 =	sadd.s32 @!p0 $0x6500, s5;
	s1 =	simm.s32 @!p0 $0xFC00  }
0xed: {  	[tilespmem:s1], [sflag:$0x3] =	stream.indirect.gather @!p0 [hbm4b:s4+s8], $0x8, s0, s8, $0xb8;
	[tilespmem:$0x11400] =	vst v63  }
0xee: {  	_ =	swait.ge [sflag:s29], $0x1000  }
0xef: {  	[sflag:s29] =	ssyncset.done $0x0  }
0xf0: {  	[sflag:s29] =	ssyncadd.s32 $0xFFFFF000  }
0xf1: {  	_ =	swait.ge [sflag:s29], $0x400  }
0xf2: {  	[sflag:s29] =	ssyncset.done $0x0  }
0xf3: {  	s21 =	sadd.s32 $0x600, s6;
	[sflag:s29] =	ssyncadd.s32 $0xFFFFFC00  }
0xf4: {  	[hbm4b:s21+s2] =	stream.linear.scatter [tilespmem:s23], [sflag:$0x5], $0x1000, $0x38;
	[tilespmem:$0x11400] =	vst v63  }
0xf5: {  	_ =	swait.ge [sflag:s11], $0x1000  }
0xf6: {  	[sflag:s11] =	ssyncset.done $0x0  }
0xf7: {  	[sflag:s11] =	ssyncadd.s32 $0xFFFFF000  }
0xf8: {  	[hbm4b:s31+s2] =	stream.linear.scatter [tilespmem:s24], [sflag:$0x5], $0x400, $0x38;
	[tilespmem:$0x11400] =	vst v63  }
0xf9: {  	_ =	swait.ge [sflag:s11], $0x400  }
0xfa: {  	s30 =	sadd.s32 $0x1, s30;
	s31 =	rddreg [dreg:$0x7]  }
0xfb: {  	p0 =	sne.s32 s30, s31  }
.Ltmp1:
0xfc: {  	_ = 	snop;
	(pc) =	sbr.rel @p0 .LBB2_1-.Ltmp1, $3  }
0xfd: {  	_ =	sdelay $0x1  }
0xfe: {  	[sflag:s11] =	ssyncset.done $0x0  }
0xff: {  	[sflag:s11] =	ssyncadd.s32 $0xFFFFFC00  }
0x100: {  	_ =	sfence.sel $0x180000  }
0x101: {  	[bflag:$0x0] =	sbarrier.arrive $0xFFFF  }
0x102: {  	_ =	strace $0x9000004D  }
0x103: {  	s0 =	stileid.u32;
	[bflag:$0x2] =	sbarrier.arrive $0xFFFF  }
0x104: {  	p0 =	sne.s32 s0, $0x0;
	s0 =	rddreg [dreg:$0x1]  }
0x105: {  	s0 =	sadd.s32 @!p0 $0x100000, s0  }
0x106: {  	[sflag:s0] =	ssyncadd.tile.s32 @!p0 $0x1;
	_ =	shalt  }
.Lfunc_end2:
_tile_overlayer_lowered:
.L_overlay_start_2:
0x107: {  	(tag) =	ssettag $0x2  }
0x108: {  	s0 =	rddreg [dreg:$0x0];
	s2 =	stileid.u32  }
0x109: {  	s1 =	rddreg [dreg:$0x1];
	p0 =	sne.s32 s2, $0x0  }
0x10a: {  	s3 =	rddreg [dreg:$0x2];
	[bflag:$0x3] =	sbarrier.arrive $0xFFFF;
	s2 =	simm.s32 @!p0 $0x1C05  }
0x10b: {  	[timem:s3], [sflag:s2] =	dma.local @!p0 [hbm:s0], s1  }
0x10c: {  	s0 =	simm.s32 @!p0 $0x5  }
0x10d: {  	_ =	swait.ge @!p0 [sflag:s0], s1  }
0x10e: {  	s1 =	ssub.s32 @!p0 $0x0, s1;
	[sflag:s0] =	ssyncset.done @!p0 $0x0  }
0x10f: {  	[sflag:s0] =	ssyncadd.s32 @!p0 s1  }
0x110: {  	[bflag:$0x3] =	sbarrier.arrive $0xFFFF  }
0x111: {  	_ =	shalt  }

</sc_bundles>
